<compile_context>
chip_gen: v7x
topology: tpu7x:2x2x1
jax: 0.10.2.dev20260603
libtpu: 0.0.44.dev20260713+nightly
codegen_flags: <defaults>
</compile_context>

<pallas_src>
import jax
import jax.numpy as jnp
from jax import lax
from jax.experimental import pallas as pl
from jax.experimental.pallas import tpu as pltpu
from jax.experimental.pallas import tpu_sc as plsc

_NC = 2
_NS = 16
_NW = _NC * _NS
_C = 16
_K = 200
_PER_TILE = _C * _K
_NPAD = _NW * _PER_TILE
_H = 256
_W = _H // 2
_F = 9
_ROWS = 900


def _sc_body(gidx_hbm, tab_hbm, out_hbm,
             table_v, idx_a, idx_b, out_a, out_b,
             sem_ia, sem_ib, sem_oa, sem_ob):
    c = lax.axis_index("c")
    s = lax.axis_index("s")
    wid = s * _NC + c

    pltpu.sync_copy(tab_hbm, table_v)

    lanes = lax.iota(jnp.int32, 16)
    k2 = _K // 2

    def compute_chunk(idx_v, out_v):
        base = [idx_v[i] for i in range(_F)]

        @plsc.parallel_loop(0, _W, unroll=16)
        def col_body(col):
            colperm = (lanes + col) & (_W - 1)
            words = [
                plsc.load_gather(table_v, [base[i] + colperm])
                for i in range(_F)
            ]
            los = [plsc.bitcast(w << 16, jnp.float32) for w in words]
            his = [plsc.bitcast(w, jnp.float32) for w in words]

            def tree(vals):
                while len(vals) > 1:
                    vals = [
                        vals[t] + vals[t + 1]
                        if t + 1 < len(vals) else vals[t]
                        for t in range(0, len(vals), 2)
                    ]
                return vals[0]

            two_col = colperm << 1
            plsc.store_scatter(out_v, [lanes, two_col], tree(los))
            plsc.store_scatter(out_v, [lanes, two_col + 1], tree(his))

    def out_slice(k):
        return out_hbm.at[pl.ds(wid * _PER_TILE + k * _C, _C)]

    pltpu.async_copy(gidx_hbm.at[wid, 0], idx_a, sem_ia)

    def pair_body(kk, carry):
        k0 = kk * 2
        k1 = k0 + 1
        cp_b = pltpu.async_copy(gidx_hbm.at[wid, k1], idx_b, sem_ib)
        pltpu.make_async_copy(gidx_hbm.at[wid, k0], idx_a, sem_ia).wait()

        @pl.when(kk > 0)
        def _():
            pltpu.make_async_copy(out_a, out_slice(k0), sem_oa).wait()

        compute_chunk(idx_a, out_a)
        pltpu.async_copy(out_a, out_slice(k0), sem_oa)

        @pl.when(kk + 1 < k2)
        def _():
            pltpu.async_copy(gidx_hbm.at[wid, k0 + 2], idx_a, sem_ia)

        cp_b.wait()

        @pl.when(kk > 0)
        def _():
            pltpu.make_async_copy(out_b, out_slice(k1), sem_ob).wait()

        compute_chunk(idx_b, out_b)
        pltpu.async_copy(out_b, out_slice(k1), sem_ob)
        return carry

    lax.fori_loop(0, k2, pair_body, 0, unroll=False)

    pltpu.make_async_copy(out_a, out_slice(0), sem_oa).wait()
    pltpu.make_async_copy(out_b, out_slice(1), sem_ob).wait()


def kernel(x, emb):
    n, f = x.shape
    _, v, h = emb.shape
    gidx = (x + v * jnp.arange(f, dtype=jnp.int32)[None, :]) * _W
    gidx = jnp.zeros((_NPAD, f), jnp.int32).at[:n].set(gidx)
    gidx4 = gidx.reshape(_NW, _K, _C, f).transpose(0, 1, 3, 2)
    emb_flat = emb.reshape(f * v, h)
    u16 = lax.bitcast_convert_type(
        emb_flat.astype(jnp.bfloat16), jnp.uint16
    ).astype(jnp.uint32)
    packed = (u16[:, 0::2] | (u16[:, 1::2] << 16)).astype(jnp.int32)
    packed = packed.reshape(-1)

    mesh = plsc.VectorSubcoreMesh(
        core_axis_name="c", subcore_axis_name="s",
        num_cores=_NC, num_subcores=_NS,
    )
    run = pl.kernel(
        _sc_body,
        out_type=jax.ShapeDtypeStruct((_NPAD, h), jnp.float32),
        mesh=mesh,
        scratch_types=[
            pltpu.VMEM((_ROWS * _W,), jnp.int32),
            pltpu.VMEM((_F, _C), jnp.int32),
            pltpu.VMEM((_F, _C), jnp.int32),
            pltpu.VMEM((_C, _H), jnp.float32),
            pltpu.VMEM((_C, _H), jnp.float32),
            pltpu.SemaphoreType.DMA,
            pltpu.SemaphoreType.DMA,
            pltpu.SemaphoreType.DMA,
            pltpu.SemaphoreType.DMA,
        ],
        compiler_params=pltpu.CompilerParams(needs_layout_passes=False),
    )
    out = run(gidx4, packed)
    return out[:n]

# --- scband reference (transcript-rebuilt; emitter-appended) ---
"""Pipeline reference for scband-atom-encoder-5557687681834 (READ-ONLY COPY).

The authoritative reference and input builder live on the scoring server;
editing this copy changes nothing except your own understanding.
"""

import jax, jax.numpy as jnp
import numpy as np

N_NODES = 100000
N_FEATS = 9
VOCAB = 100
HIDDEN = 256


def setup_inputs(seed: int = 0) -> dict:
    key = jax.random.key(seed)
    kx, kw = jax.random.split(key)
    x = jax.random.randint(kx, (N_NODES, N_FEATS), 0, VOCAB, dtype=jnp.int32)
    # 9 embedding tables, xavier_uniform init: bound = sqrt(6/(fan_in+fan_out))
    bound = np.sqrt(6.0 / (VOCAB + HIDDEN))
    emb = jax.random.uniform(kw, (N_FEATS, VOCAB, HIDDEN), minval=-bound, maxval=bound, dtype=jnp.float32)
    return {"x": x, "emb": emb}


def reference(x, emb):
    # x: int[N, 9]; emb: float32[9, 100, hidden]
    if x.ndim == 1:
        x = x[:, None]
    out = jnp.zeros((x.shape[0], emb.shape[-1]), dtype=emb.dtype)
    for i in range(x.shape[1]):
        out = out + jnp.take(emb[i], x[:, i], axis=0)
    return out

if __name__ == "__main__":
    import jax
    _d = setup_inputs()
    print(jax.jit(kernel)(*tuple(_d.values())))

</pallas_src>

<mosaic_0001>
#map = affine_map<(d0, d1) -> (0, 0, 0, 0)>
#map1 = affine_map<(d0, d1) -> (0)>
#map2 = affine_map<(d0, d1) -> (0, 0)>
module attributes {stable_mosaic.version = 14 : i64} {
  func.func @_sc_body(%arg0: i32, %arg1: i32, %arg2: memref<32x200x9x16xi32, #tpu.memory_space<hbm>>, %arg3: memref<115200xi32, #tpu.memory_space<hbm>>, %arg4: memref<102400x256xf32, #tpu.memory_space<hbm>>, %arg5: memref<115200xi32, #tpu.memory_space<vmem>>, %arg6: memref<9x16xi32, #tpu.memory_space<vmem>>, %arg7: memref<9x16xi32, #tpu.memory_space<vmem>>, %arg8: memref<16x256xf32, #tpu.memory_space<vmem>>, %arg9: memref<16x256xf32, #tpu.memory_space<vmem>>, %arg10: memref<!tpu.dma_semaphore, #tpu.memory_space<semaphore_mem>>, %arg11: memref<!tpu.dma_semaphore, #tpu.memory_space<semaphore_mem>>, %arg12: memref<!tpu.dma_semaphore, #tpu.memory_space<semaphore_mem>>, %arg13: memref<!tpu.dma_semaphore, #tpu.memory_space<semaphore_mem>>) attributes {dimension_semantics = [#tpu.dimension_semantics<core_parallel>, #tpu.dimension_semantics<subcore_parallel>], iteration_bounds = array<i64: 2, 16>, scalar_prefetch = 0 : i64, scratch_operands = 9 : i64, tpu.core_type = #tpu.core_type<sc_vector_subcore>, window_params = [{transform_indices = #map}, {transform_indices = #map1}, {transform_indices = #map2}]} {
    %mul3A = arith.constant 2 : i32
    %mul3A_0 = arith.muli %arg1, %mul3A : i32
    %add3A = arith.addi %mul3A_0, %arg0 : i32
    "tpu.region"() ({
      %run_scoped3A = tpu.sem_alloc : memref<!tpu.dma_semaphore, #tpu.memory_space<semaphore_mem>>
      tpu.enqueue_dma source(%arg3 : memref<115200xi32, #tpu.memory_space<hbm>>) target(%arg5 : memref<115200xi32, #tpu.memory_space<vmem>>) target_semaphore(%run_scoped3A : memref<!tpu.dma_semaphore, #tpu.memory_space<semaphore_mem>>)
      tpu.wait_dma2 semaphore(%run_scoped3A : memref<!tpu.dma_semaphore, #tpu.memory_space<semaphore_mem>>) src(%arg3 : memref<115200xi32, #tpu.memory_space<hbm>>) dst(%arg5 : memref<115200xi32, #tpu.memory_space<vmem>>)
      tpu.yield
    }) : () -> ()
    %iota3A = tpu.iota {dimensions = array<i32: 0>} : vector<16xi32>
    %dma_start3A = arith.constant 0 : i32
    %dma_start3A_1 = arith.constant 0 : i32
    %dma_start3A_2 = arith.constant 0 : i32
    %dma_start3A_3 = tpu.memref_slice %arg2[%add3A, %dma_start3A, %dma_start3A_1, %dma_start3A_2] : memref<32x200x9x16xi32, #tpu.memory_space<hbm>> -> memref<1x1x9x16xi32, #tpu.memory_space<hbm>>
    %dma_start3A_4 = tpu.memref_squeeze %dma_start3A_3 : memref<1x1x9x16xi32, #tpu.memory_space<hbm>> -> memref<9x16xi32, #tpu.memory_space<hbm>>
    %dma_start3A_5 = arith.constant 0 : i32
    %dma_start3A_6 = arith.constant 0 : i32
    %dma_start3A_7 = tpu.memref_slice %arg2[%add3A, %dma_start3A, %dma_start3A_5, %dma_start3A_6] : memref<32x200x9x16xi32, #tpu.memory_space<hbm>> -> memref<1x1x9x16xi32, #tpu.memory_space<hbm>>
    %dma_start3A_8 = tpu.memref_squeeze %dma_start3A_7 : memref<1x1x9x16xi32, #tpu.memory_space<hbm>> -> memref<9x16xi32, #tpu.memory_space<hbm>>
    tpu.enqueue_dma source(%dma_start3A_8 : memref<9x16xi32, #tpu.memory_space<hbm>>) target(%arg6 : memref<9x16xi32, #tpu.memory_space<vmem>>) target_semaphore(%arg10 : memref<!tpu.dma_semaphore, #tpu.memory_space<semaphore_mem>>)
    %scan3A = arith.constant 0 : i32
    %scan3A_9 = arith.constant 0 : i32
    %scan3A_10 = arith.constant 100 : i32
    %scan3A_11 = arith.addi %scan3A_9, %scan3A_10 : i32
    %scan3A_12 = arith.constant 1 : i32
    scf.for %scan3A_29 = %scan3A_9 to %scan3A_11 step %scan3A_12  : i32 {
      %mul3A_30 = arith.constant 2 : i32
      %mul3A_31 = arith.muli %scan3A_29, %mul3A_30 : i32
      %add3A_32 = arith.constant 1 : i32
      %add3A_33 = arith.addi %mul3A_31, %add3A_32 : i32
      %dma_start3A_34 = arith.constant 0 : i32
      %dma_start3A_35 = arith.constant 0 : i32
      %dma_start3A_36 = tpu.memref_slice %arg2[%add3A, %add3A_33, %dma_start3A_34, %dma_start3A_35] : memref<32x200x9x16xi32, #tpu.memory_space<hbm>> -> memref<1x1x9x16xi32, #tpu.memory_space<hbm>>
      %dma_start3A_37 = tpu.memref_squeeze %dma_start3A_36 : memref<1x1x9x16xi32, #tpu.memory_space<hbm>> -> memref<9x16xi32, #tpu.memory_space<hbm>>
      %dma_start3A_38 = arith.constant 0 : i32
      %dma_start3A_39 = arith.constant 0 : i32
      %dma_start3A_40 = tpu.memref_slice %arg2[%add3A, %add3A_33, %dma_start3A_38, %dma_start3A_39] : memref<32x200x9x16xi32, #tpu.memory_space<hbm>> -> memref<1x1x9x16xi32, #tpu.memory_space<hbm>>
      %dma_start3A_41 = tpu.memref_squeeze %dma_start3A_40 : memref<1x1x9x16xi32, #tpu.memory_space<hbm>> -> memref<9x16xi32, #tpu.memory_space<hbm>>
      tpu.enqueue_dma source(%dma_start3A_41 : memref<9x16xi32, #tpu.memory_space<hbm>>) target(%arg7 : memref<9x16xi32, #tpu.memory_space<vmem>>) target_semaphore(%arg11 : memref<!tpu.dma_semaphore, #tpu.memory_space<semaphore_mem>>)
      %dma_wait3A_42 = arith.constant 0 : i32
      %dma_wait3A_43 = arith.constant 0 : i32
      %dma_wait3A_44 = tpu.memref_slice %arg2[%add3A, %mul3A_31, %dma_wait3A_42, %dma_wait3A_43] : memref<32x200x9x16xi32, #tpu.memory_space<hbm>> -> memref<1x1x9x16xi32, #tpu.memory_space<hbm>>
      %dma_wait3A_45 = tpu.memref_squeeze %dma_wait3A_44 : memref<1x1x9x16xi32, #tpu.memory_space<hbm>> -> memref<9x16xi32, #tpu.memory_space<hbm>>
      %dma_wait3A_46 = arith.constant 0 : i32
      %dma_wait3A_47 = arith.constant 0 : i32
      %dma_wait3A_48 = tpu.memref_slice %arg2[%add3A, %mul3A_31, %dma_wait3A_46, %dma_wait3A_47] : memref<32x200x9x16xi32, #tpu.memory_space<hbm>> -> memref<1x1x9x16xi32, #tpu.memory_space<hbm>>
      %dma_wait3A_49 = tpu.memref_squeeze %dma_wait3A_48 : memref<1x1x9x16xi32, #tpu.memory_space<hbm>> -> memref<9x16xi32, #tpu.memory_space<hbm>>
      tpu.wait_dma2 semaphore(%arg10 : memref<!tpu.dma_semaphore, #tpu.memory_space<semaphore_mem>>) src(%dma_wait3A_49 : memref<9x16xi32, #tpu.memory_space<hbm>>) dst(%arg6 : memref<9x16xi32, #tpu.memory_space<vmem>>)
      %gt3A = arith.constant 0 : i32
      %gt3A_50 = arith.cmpi sgt, %scan3A_29, %gt3A : i32
      %convert_element_type3A = arith.extui %gt3A_50 : i1 to i32
      %cond3A = arith.constant 0 : i32
      %cond3A_51 = arith.cmpi ne, %convert_element_type3A, %cond3A : i32
      scf.if %cond3A_51 {
        %mul3A_165 = arith.constant 3200 : i32
        %mul3A_166 = arith.muli %add3A, %mul3A_165 : i32
        %mul3A_167 = arith.constant 16 : i32
        %mul3A_168 = arith.muli %mul3A_31, %mul3A_167 : i32
        %add3A_169 = arith.addi %mul3A_166, %mul3A_168 : i32
        %dma_wait3A_170 = arith.constant 0 : i32
        %dma_wait3A_171 = tpu.memref_slice %arg4[%add3A_169, %dma_wait3A_170] : memref<102400x256xf32, #tpu.memory_space<hbm>> -> memref<16x256xf32, #tpu.memory_space<hbm>>
        %dma_wait3A_172 = arith.constant 0 : i32
        %dma_wait3A_173 = tpu.memref_slice %arg4[%add3A_169, %dma_wait3A_172] : memref<102400x256xf32, #tpu.memory_space<hbm>> -> memref<16x256xf32, #tpu.memory_space<hbm>>
        tpu.wait_dma2 semaphore(%arg12 : memref<!tpu.dma_semaphore, #tpu.memory_space<semaphore_mem>>) src(%arg8 : memref<16x256xf32, #tpu.memory_space<vmem>>) dst(%dma_wait3A_173 : memref<16x256xf32, #tpu.memory_space<hbm>>)
      } else {
      }
      %get3A = arith.constant 0 : i32
      %get3A_52 = arith.index_cast %get3A : i32 to index
      %get3A_53 = arith.constant 0 : index
      %get3A_54 = tpu.vector_load %arg6[%get3A_52, %get3A_53] {strides = array<i32>} : memref<9x16xi32, #tpu.memory_space<vmem>>, vector<16xi32>,
      %get3A_55 = arith.constant 1 : i32
      %get3A_56 = arith.index_cast %get3A_55 : i32 to index
      %get3A_57 = arith.constant 0 : index
      %get3A_58 = tpu.vector_load %arg6[%get3A_56, %get3A_57] {strides = array<i32>} : memref<9x16xi32, #tpu.memory_space<vmem>>, vector<16xi32>,
      %get3A_59 = arith.constant 2 : i32
      %get3A_60 = arith.index_cast %get3A_59 : i32 to index
      %get3A_61 = arith.constant 0 : index
      %get3A_62 = tpu.vector_load %arg6[%get3A_60, %get3A_61] {strides = array<i32>} : memref<9x16xi32, #tpu.memory_space<vmem>>, vector<16xi32>,
      %get3A_63 = arith.constant 3 : i32
      %get3A_64 = arith.index_cast %get3A_63 : i32 to index
      %get3A_65 = arith.constant 0 : index
      %get3A_66 = tpu.vector_load %arg6[%get3A_64, %get3A_65] {strides = array<i32>} : memref<9x16xi32, #tpu.memory_space<vmem>>, vector<16xi32>,
      %get3A_67 = arith.constant 4 : i32
      %get3A_68 = arith.index_cast %get3A_67 : i32 to index
      %get3A_69 = arith.constant 0 : index
      %get3A_70 = tpu.vector_load %arg6[%get3A_68, %get3A_69] {strides = array<i32>} : memref<9x16xi32, #tpu.memory_space<vmem>>, vector<16xi32>,
      %get3A_71 = arith.constant 5 : i32
      %get3A_72 = arith.index_cast %get3A_71 : i32 to index
      %get3A_73 = arith.constant 0 : index
      %get3A_74 = tpu.vector_load %arg6[%get3A_72, %get3A_73] {strides = array<i32>} : memref<9x16xi32, #tpu.memory_space<vmem>>, vector<16xi32>,
      %get3A_75 = arith.constant 6 : i32
      %get3A_76 = arith.index_cast %get3A_75 : i32 to index
      %get3A_77 = arith.constant 0 : index
      %get3A_78 = tpu.vector_load %arg6[%get3A_76, %get3A_77] {strides = array<i32>} : memref<9x16xi32, #tpu.memory_space<vmem>>, vector<16xi32>,
      %get3A_79 = arith.constant 7 : i32
      %get3A_80 = arith.index_cast %get3A_79 : i32 to index
      %get3A_81 = arith.constant 0 : index
      %get3A_82 = tpu.vector_load %arg6[%get3A_80, %get3A_81] {strides = array<i32>} : memref<9x16xi32, #tpu.memory_space<vmem>>, vector<16xi32>,
      %get3A_83 = arith.constant 8 : i32
      %get3A_84 = arith.index_cast %get3A_83 : i32 to index
      %get3A_85 = arith.constant 0 : index
      %get3A_86 = tpu.vector_load %arg6[%get3A_84, %get3A_85] {strides = array<i32>} : memref<9x16xi32, #tpu.memory_space<vmem>>, vector<16xi32>,
      %parallel_loop3A = arith.constant 0 : i32
      %parallel_loop3A_87 = arith.constant 128 : i32
      %parallel_loop3A_88 = arith.constant 1 : i32
      scf.for %parallel_loop3A_165 = %parallel_loop3A to %parallel_loop3A_87 step %parallel_loop3A_88  : i32 {
        %parallel_loop3A_166 = vector.broadcast %parallel_loop3A_165 : i32 to vector<16xi32>
        %parallel_loop3A_167 = arith.addi %iota3A, %parallel_loop3A_166 : vector<16xi32>
        %parallel_loop3A_168 = arith.constant 127 : i32
        %parallel_loop3A_169 = vector.broadcast %parallel_loop3A_168 : i32 to vector<16xi32>
        %parallel_loop3A_170 = arith.andi %parallel_loop3A_167, %parallel_loop3A_169 : vector<16xi32>
        %parallel_loop3A_171 = arith.addi %get3A_54, %parallel_loop3A_170 : vector<16xi32>
        %parallel_loop3A_172 = tpu.vector_load_idx %arg5[%parallel_loop3A_171] : memref<115200xi32, #tpu.memory_space<vmem>>[vector<16xi32>], vector<16xi32>,
        %parallel_loop3A_173 = arith.addi %get3A_58, %parallel_loop3A_170 : vector<16xi32>
        %parallel_loop3A_174 = tpu.vector_load_idx %arg5[%parallel_loop3A_173] : memref<115200xi32, #tpu.memory_space<vmem>>[vector<16xi32>], vector<16xi32>,
        %parallel_loop3A_175 = arith.addi %get3A_62, %parallel_loop3A_170 : vector<16xi32>
        %parallel_loop3A_176 = tpu.vector_load_idx %arg5[%parallel_loop3A_175] : memref<115200xi32, #tpu.memory_space<vmem>>[vector<16xi32>], vector<16xi32>,
        %parallel_loop3A_177 = arith.addi %get3A_66, %parallel_loop3A_170 : vector<16xi32>
        %parallel_loop3A_178 = tpu.vector_load_idx %arg5[%parallel_loop3A_177] : memref<115200xi32, #tpu.memory_space<vmem>>[vector<16xi32>], vector<16xi32>,
        %parallel_loop3A_179 = arith.addi %get3A_70, %parallel_loop3A_170 : vector<16xi32>
        %parallel_loop3A_180 = tpu.vector_load_idx %arg5[%parallel_loop3A_179] : memref<115200xi32, #tpu.memory_space<vmem>>[vector<16xi32>], vector<16xi32>,
        %parallel_loop3A_181 = arith.addi %get3A_74, %parallel_loop3A_170 : vector<16xi32>
        %parallel_loop3A_182 = tpu.vector_load_idx %arg5[%parallel_loop3A_181] : memref<115200xi32, #tpu.memory_space<vmem>>[vector<16xi32>], vector<16xi32>,
        %parallel_loop3A_183 = arith.addi %get3A_78, %parallel_loop3A_170 : vector<16xi32>
        %parallel_loop3A_184 = tpu.vector_load_idx %arg5[%parallel_loop3A_183] : memref<115200xi32, #tpu.memory_space<vmem>>[vector<16xi32>], vector<16xi32>,
        %parallel_loop3A_185 = arith.addi %get3A_82, %parallel_loop3A_170 : vector<16xi32>
        %parallel_loop3A_186 = tpu.vector_load_idx %arg5[%parallel_loop3A_185] : memref<115200xi32, #tpu.memory_space<vmem>>[vector<16xi32>], vector<16xi32>,
        %parallel_loop3A_187 = arith.addi %get3A_86, %parallel_loop3A_170 : vector<16xi32>
        %parallel_loop3A_188 = tpu.vector_load_idx %arg5[%parallel_loop3A_187] : memref<115200xi32, #tpu.memory_space<vmem>>[vector<16xi32>], vector<16xi32>,
        %parallel_loop3A_189 = arith.constant 16 : i32
        %parallel_loop3A_190 = vector.broadcast %parallel_loop3A_189 : i32 to vector<16xi32>
        %parallel_loop3A_191 = arith.shli %parallel_loop3A_172, %parallel_loop3A_190 : vector<16xi32>
        %parallel_loop3A_192 = vector.bitcast %parallel_loop3A_191 : vector<16xi32> to vector<16xf32>
        %parallel_loop3A_193 = arith.constant 16 : i32
        %parallel_loop3A_194 = vector.broadcast %parallel_loop3A_193 : i32 to vector<16xi32>
        %parallel_loop3A_195 = arith.shli %parallel_loop3A_174, %parallel_loop3A_194 : vector<16xi32>
        %parallel_loop3A_196 = vector.bitcast %parallel_loop3A_195 : vector<16xi32> to vector<16xf32>
        %parallel_loop3A_197 = arith.constant 16 : i32
        %parallel_loop3A_198 = vector.broadcast %parallel_loop3A_197 : i32 to vector<16xi32>
        %parallel_loop3A_199 = arith.shli %parallel_loop3A_176, %parallel_loop3A_198 : vector<16xi32>
        %parallel_loop3A_200 = vector.bitcast %parallel_loop3A_199 : vector<16xi32> to vector<16xf32>
        %parallel_loop3A_201 = arith.constant 16 : i32
        %parallel_loop3A_202 = vector.broadcast %parallel_loop3A_201 : i32 to vector<16xi32>
        %parallel_loop3A_203 = arith.shli %parallel_loop3A_178, %parallel_loop3A_202 : vector<16xi32>
        %parallel_loop3A_204 = vector.bitcast %parallel_loop3A_203 : vector<16xi32> to vector<16xf32>
        %parallel_loop3A_205 = arith.constant 16 : i32
        %parallel_loop3A_206 = vector.broadcast %parallel_loop3A_205 : i32 to vector<16xi32>
        %parallel_loop3A_207 = arith.shli %parallel_loop3A_180, %parallel_loop3A_206 : vector<16xi32>
        %parallel_loop3A_208 = vector.bitcast %parallel_loop3A_207 : vector<16xi32> to vector<16xf32>
        %parallel_loop3A_209 = arith.constant 16 : i32
        %parallel_loop3A_210 = vector.broadcast %parallel_loop3A_209 : i32 to vector<16xi32>
        %parallel_loop3A_211 = arith.shli %parallel_loop3A_182, %parallel_loop3A_210 : vector<16xi32>
        %parallel_loop3A_212 = vector.bitcast %parallel_loop3A_211 : vector<16xi32> to vector<16xf32>
        %parallel_loop3A_213 = arith.constant 16 : i32
        %parallel_loop3A_214 = vector.broadcast %parallel_loop3A_213 : i32 to vector<16xi32>
        %parallel_loop3A_215 = arith.shli %parallel_loop3A_184, %parallel_loop3A_214 : vector<16xi32>
        %parallel_loop3A_216 = vector.bitcast %parallel_loop3A_215 : vector<16xi32> to vector<16xf32>
        %parallel_loop3A_217 = arith.constant 16 : i32
        %parallel_loop3A_218 = vector.broadcast %parallel_loop3A_217 : i32 to vector<16xi32>
        %parallel_loop3A_219 = arith.shli %parallel_loop3A_186, %parallel_loop3A_218 : vector<16xi32>
        %parallel_loop3A_220 = vector.bitcast %parallel_loop3A_219 : vector<16xi32> to vector<16xf32>
        %parallel_loop3A_221 = arith.constant 16 : i32
        %parallel_loop3A_222 = vector.broadcast %parallel_loop3A_221 : i32 to vector<16xi32>
        %parallel_loop3A_223 = arith.shli %parallel_loop3A_188, %parallel_loop3A_222 : vector<16xi32>
        %parallel_loop3A_224 = vector.bitcast %parallel_loop3A_223 : vector<16xi32> to vector<16xf32>
        %parallel_loop3A_225 = vector.bitcast %parallel_loop3A_172 : vector<16xi32> to vector<16xf32>
        %parallel_loop3A_226 = vector.bitcast %parallel_loop3A_174 : vector<16xi32> to vector<16xf32>
        %parallel_loop3A_227 = vector.bitcast %parallel_loop3A_176 : vector<16xi32> to vector<16xf32>
        %parallel_loop3A_228 = vector.bitcast %parallel_loop3A_178 : vector<16xi32> to vector<16xf32>
        %parallel_loop3A_229 = vector.bitcast %parallel_loop3A_180 : vector<16xi32> to vector<16xf32>
        %parallel_loop3A_230 = vector.bitcast %parallel_loop3A_182 : vector<16xi32> to vector<16xf32>
        %parallel_loop3A_231 = vector.bitcast %parallel_loop3A_184 : vector<16xi32> to vector<16xf32>
        %parallel_loop3A_232 = vector.bitcast %parallel_loop3A_186 : vector<16xi32> to vector<16xf32>
        %parallel_loop3A_233 = vector.bitcast %parallel_loop3A_188 : vector<16xi32> to vector<16xf32>
        %parallel_loop3A_234 = arith.constant 1 : i32
        %parallel_loop3A_235 = vector.broadcast %parallel_loop3A_234 : i32 to vector<16xi32>
        %parallel_loop3A_236 = arith.shli %parallel_loop3A_170, %parallel_loop3A_235 : vector<16xi32>
        %parallel_loop3A_237 = arith.addf %parallel_loop3A_192, %parallel_loop3A_196 : vector<16xf32>
        %parallel_loop3A_238 = arith.addf %parallel_loop3A_200, %parallel_loop3A_204 : vector<16xf32>
        %parallel_loop3A_239 = arith.addf %parallel_loop3A_208, %parallel_loop3A_212 : vector<16xf32>
        %parallel_loop3A_240 = arith.addf %parallel_loop3A_216, %parallel_loop3A_220 : vector<16xf32>
        %parallel_loop3A_241 = arith.addf %parallel_loop3A_237, %parallel_loop3A_238 : vector<16xf32>
        %parallel_loop3A_242 = arith.addf %parallel_loop3A_239, %parallel_loop3A_240 : vector<16xf32>
        %parallel_loop3A_243 = arith.addf %parallel_loop3A_241, %parallel_loop3A_242 : vector<16xf32>
        %parallel_loop3A_244 = arith.addf %parallel_loop3A_243, %parallel_loop3A_224 : vector<16xf32>
        tpu.vector_store_idx %arg8[%iota3A, %parallel_loop3A_236], %parallel_loop3A_244 : memref<16x256xf32, #tpu.memory_space<vmem>>[vector<16xi32>, vector<16xi32>], vector<16xf32>,
        %parallel_loop3A_245 = arith.constant 1 : i32
        %parallel_loop3A_246 = vector.broadcast %parallel_loop3A_245 : i32 to vector<16xi32>
        %parallel_loop3A_247 = arith.addi %parallel_loop3A_236, %parallel_loop3A_246 : vector<16xi32>
        %parallel_loop3A_248 = arith.addf %parallel_loop3A_225, %parallel_loop3A_226 : vector<16xf32>
        %parallel_loop3A_249 = arith.addf %parallel_loop3A_227, %parallel_loop3A_228 : vector<16xf32>
        %parallel_loop3A_250 = arith.addf %parallel_loop3A_229, %parallel_loop3A_230 : vector<16xf32>
        %parallel_loop3A_251 = arith.addf %parallel_loop3A_231, %parallel_loop3A_232 : vector<16xf32>
        %parallel_loop3A_252 = arith.addf %parallel_loop3A_248, %parallel_loop3A_249 : vector<16xf32>
        %parallel_loop3A_253 = arith.addf %parallel_loop3A_250, %parallel_loop3A_251 : vector<16xf32>
        %parallel_loop3A_254 = arith.addf %parallel_loop3A_252, %parallel_loop3A_253 : vector<16xf32>
        %parallel_loop3A_255 = arith.addf %parallel_loop3A_254, %parallel_loop3A_233 : vector<16xf32>
        tpu.vector_store_idx %arg8[%iota3A, %parallel_loop3A_247], %parallel_loop3A_255 : memref<16x256xf32, #tpu.memory_space<vmem>>[vector<16xi32>, vector<16xi32>], vector<16xf32>,
      } {sc.loop_unroll_factor = 16 : i64, sc.parallel_access}
      %mul3A_89 = arith.constant 3200 : i32
      %mul3A_90 = arith.muli %add3A, %mul3A_89 : i32
      %mul3A_91 = arith.constant 16 : i32
      %mul3A_92 = arith.muli %mul3A_31, %mul3A_91 : i32
      %add3A_93 = arith.addi %mul3A_90, %mul3A_92 : i32
      %dma_start3A_94 = arith.constant 0 : i32
      %dma_start3A_95 = tpu.memref_slice %arg4[%add3A_93, %dma_start3A_94] : memref<102400x256xf32, #tpu.memory_space<hbm>> -> memref<16x256xf32, #tpu.memory_space<hbm>>
      %dma_start3A_96 = arith.constant 0 : i32
      %dma_start3A_97 = tpu.memref_slice %arg4[%add3A_93, %dma_start3A_96] : memref<102400x256xf32, #tpu.memory_space<hbm>> -> memref<16x256xf32, #tpu.memory_space<hbm>>
      tpu.enqueue_dma source(%arg8 : memref<16x256xf32, #tpu.memory_space<vmem>>) target(%dma_start3A_97 : memref<16x256xf32, #tpu.memory_space<hbm>>) target_semaphore(%arg12 : memref<!tpu.dma_semaphore, #tpu.memory_space<semaphore_mem>>)
      %add3A_98 = arith.constant 1 : i32
      %add3A_99 = arith.addi %scan3A_29, %add3A_98 : i32
      %lt3A = arith.constant 100 : i32
      %lt3A_100 = arith.cmpi slt, %add3A_99, %lt3A : i32
      %convert_element_type3A_101 = arith.extui %lt3A_100 : i1 to i32
      %cond3A_102 = arith.constant 0 : i32
      %cond3A_103 = arith.cmpi ne, %convert_element_type3A_101, %cond3A_102 : i32
      scf.if %cond3A_103 {
        %add3A_165 = arith.constant 2 : i32
        %add3A_166 = arith.addi %mul3A_31, %add3A_165 : i32
        %dma_start3A_167 = arith.constant 0 : i32
        %dma_start3A_168 = arith.constant 0 : i32
        %dma_start3A_169 = tpu.memref_slice %arg2[%add3A, %add3A_166, %dma_start3A_167, %dma_start3A_168] : memref<32x200x9x16xi32, #tpu.memory_space<hbm>> -> memref<1x1x9x16xi32, #tpu.memory_space<hbm>>
        %dma_start3A_170 = tpu.memref_squeeze %dma_start3A_169 : memref<1x1x9x16xi32, #tpu.memory_space<hbm>> -> memref<9x16xi32, #tpu.memory_space<hbm>>
        %dma_start3A_171 = arith.constant 0 : i32
        %dma_start3A_172 = arith.constant 0 : i32
        %dma_start3A_173 = tpu.memref_slice %arg2[%add3A, %add3A_166, %dma_start3A_171, %dma_start3A_172] : memref<32x200x9x16xi32, #tpu.memory_space<hbm>> -> memref<1x1x9x16xi32, #tpu.memory_space<hbm>>
        %dma_start3A_174 = tpu.memref_squeeze %dma_start3A_173 : memref<1x1x9x16xi32, #tpu.memory_space<hbm>> -> memref<9x16xi32, #tpu.memory_space<hbm>>
        tpu.enqueue_dma source(%dma_start3A_174 : memref<9x16xi32, #tpu.memory_space<hbm>>) target(%arg6 : memref<9x16xi32, #tpu.memory_space<vmem>>) target_semaphore(%arg10 : memref<!tpu.dma_semaphore, #tpu.memory_space<semaphore_mem>>)
      } else {
      }
      %dma_wait3A_104 = arith.constant 0 : i32
      %dma_wait3A_105 = arith.constant 0 : i32
      %dma_wait3A_106 = tpu.memref_slice %arg2[%add3A, %add3A_33, %dma_wait3A_104, %dma_wait3A_105] : memref<32x200x9x16xi32, #tpu.memory_space<hbm>> -> memref<1x1x9x16xi32, #tpu.memory_space<hbm>>
      %dma_wait3A_107 = tpu.memref_squeeze %dma_wait3A_106 : memref<1x1x9x16xi32, #tpu.memory_space<hbm>> -> memref<9x16xi32, #tpu.memory_space<hbm>>
      %dma_wait3A_108 = arith.constant 0 : i32
      %dma_wait3A_109 = arith.constant 0 : i32
      %dma_wait3A_110 = tpu.memref_slice %arg2[%add3A, %add3A_33, %dma_wait3A_108, %dma_wait3A_109] : memref<32x200x9x16xi32, #tpu.memory_space<hbm>> -> memref<1x1x9x16xi32, #tpu.memory_space<hbm>>
      %dma_wait3A_111 = tpu.memref_squeeze %dma_wait3A_110 : memref<1x1x9x16xi32, #tpu.memory_space<hbm>> -> memref<9x16xi32, #tpu.memory_space<hbm>>
      tpu.wait_dma2 semaphore(%arg11 : memref<!tpu.dma_semaphore, #tpu.memory_space<semaphore_mem>>) src(%dma_wait3A_111 : memref<9x16xi32, #tpu.memory_space<hbm>>) dst(%arg7 : memref<9x16xi32, #tpu.memory_space<vmem>>)
      %gt3A_112 = arith.constant 0 : i32
      %gt3A_113 = arith.cmpi sgt, %scan3A_29, %gt3A_112 : i32
      %convert_element_type3A_114 = arith.extui %gt3A_113 : i1 to i32
      %cond3A_115 = arith.constant 0 : i32
      %cond3A_116 = arith.cmpi ne, %convert_element_type3A_114, %cond3A_115 : i32
      scf.if %cond3A_116 {
        %mul3A_165 = arith.constant 3200 : i32
        %mul3A_166 = arith.muli %add3A, %mul3A_165 : i32
        %mul3A_167 = arith.constant 16 : i32
        %mul3A_168 = arith.muli %add3A_33, %mul3A_167 : i32
        %add3A_169 = arith.addi %mul3A_166, %mul3A_168 : i32
        %dma_wait3A_170 = arith.constant 0 : i32
        %dma_wait3A_171 = tpu.memref_slice %arg4[%add3A_169, %dma_wait3A_170] : memref<102400x256xf32, #tpu.memory_space<hbm>> -> memref<16x256xf32, #tpu.memory_space<hbm>>
        %dma_wait3A_172 = arith.constant 0 : i32
        %dma_wait3A_173 = tpu.memref_slice %arg4[%add3A_169, %dma_wait3A_172] : memref<102400x256xf32, #tpu.memory_space<hbm>> -> memref<16x256xf32, #tpu.memory_space<hbm>>
        tpu.wait_dma2 semaphore(%arg13 : memref<!tpu.dma_semaphore, #tpu.memory_space<semaphore_mem>>) src(%arg9 : memref<16x256xf32, #tpu.memory_space<vmem>>) dst(%dma_wait3A_173 : memref<16x256xf32, #tpu.memory_space<hbm>>)
      } else {
      }
      %get3A_117 = arith.constant 0 : i32
      %get3A_118 = arith.index_cast %get3A_117 : i32 to index
      %get3A_119 = arith.constant 0 : index
      %get3A_120 = tpu.vector_load %arg7[%get3A_118, %get3A_119] {strides = array<i32>} : memref<9x16xi32, #tpu.memory_space<vmem>>, vector<16xi32>,
      %get3A_121 = arith.constant 1 : i32
      %get3A_122 = arith.index_cast %get3A_121 : i32 to index
      %get3A_123 = arith.constant 0 : index
      %get3A_124 = tpu.vector_load %arg7[%get3A_122, %get3A_123] {strides = array<i32>} : memref<9x16xi32, #tpu.memory_space<vmem>>, vector<16xi32>,
      %get3A_125 = arith.constant 2 : i32
      %get3A_126 = arith.index_cast %get3A_125 : i32 to index
      %get3A_127 = arith.constant 0 : index
      %get3A_128 = tpu.vector_load %arg7[%get3A_126, %get3A_127] {strides = array<i32>} : memref<9x16xi32, #tpu.memory_space<vmem>>, vector<16xi32>,
      %get3A_129 = arith.constant 3 : i32
      %get3A_130 = arith.index_cast %get3A_129 : i32 to index
      %get3A_131 = arith.constant 0 : index
      %get3A_132 = tpu.vector_load %arg7[%get3A_130, %get3A_131] {strides = array<i32>} : memref<9x16xi32, #tpu.memory_space<vmem>>, vector<16xi32>,
      %get3A_133 = arith.constant 4 : i32
      %get3A_134 = arith.index_cast %get3A_133 : i32 to index
      %get3A_135 = arith.constant 0 : index
      %get3A_136 = tpu.vector_load %arg7[%get3A_134, %get3A_135] {strides = array<i32>} : memref<9x16xi32, #tpu.memory_space<vmem>>, vector<16xi32>,
      %get3A_137 = arith.constant 5 : i32
      %get3A_138 = arith.index_cast %get3A_137 : i32 to index
      %get3A_139 = arith.constant 0 : index
      %get3A_140 = tpu.vector_load %arg7[%get3A_138, %get3A_139] {strides = array<i32>} : memref<9x16xi32, #tpu.memory_space<vmem>>, vector<16xi32>,
      %get3A_141 = arith.constant 6 : i32
      %get3A_142 = arith.index_cast %get3A_141 : i32 to index
      %get3A_143 = arith.constant 0 : index
      %get3A_144 = tpu.vector_load %arg7[%get3A_142, %get3A_143] {strides = array<i32>} : memref<9x16xi32, #tpu.memory_space<vmem>>, vector<16xi32>,
      %get3A_145 = arith.constant 7 : i32
      %get3A_146 = arith.index_cast %get3A_145 : i32 to index
      %get3A_147 = arith.constant 0 : index
      %get3A_148 = tpu.vector_load %arg7[%get3A_146, %get3A_147] {strides = array<i32>} : memref<9x16xi32, #tpu.memory_space<vmem>>, vector<16xi32>,
      %get3A_149 = arith.constant 8 : i32
      %get3A_150 = arith.index_cast %get3A_149 : i32 to index
      %get3A_151 = arith.constant 0 : index
      %get3A_152 = tpu.vector_load %arg7[%get3A_150, %get3A_151] {strides = array<i32>} : memref<9x16xi32, #tpu.memory_space<vmem>>, vector<16xi32>,
      %parallel_loop3A_153 = arith.constant 0 : i32
      %parallel_loop3A_154 = arith.constant 128 : i32
      %parallel_loop3A_155 = arith.constant 1 : i32
      scf.for %parallel_loop3A_165 = %parallel_loop3A_153 to %parallel_loop3A_154 step %parallel_loop3A_155  : i32 {
        %parallel_loop3A_166 = vector.broadcast %parallel_loop3A_165 : i32 to vector<16xi32>
        %parallel_loop3A_167 = arith.addi %iota3A, %parallel_loop3A_166 : vector<16xi32>
        %parallel_loop3A_168 = arith.constant 127 : i32
        %parallel_loop3A_169 = vector.broadcast %parallel_loop3A_168 : i32 to vector<16xi32>
        %parallel_loop3A_170 = arith.andi %parallel_loop3A_167, %parallel_loop3A_169 : vector<16xi32>
        %parallel_loop3A_171 = arith.addi %get3A_120, %parallel_loop3A_170 : vector<16xi32>
        %parallel_loop3A_172 = tpu.vector_load_idx %arg5[%parallel_loop3A_171] : memref<115200xi32, #tpu.memory_space<vmem>>[vector<16xi32>], vector<16xi32>,
        %parallel_loop3A_173 = arith.addi %get3A_124, %parallel_loop3A_170 : vector<16xi32>
        %parallel_loop3A_174 = tpu.vector_load_idx %arg5[%parallel_loop3A_173] : memref<115200xi32, #tpu.memory_space<vmem>>[vector<16xi32>], vector<16xi32>,
        %parallel_loop3A_175 = arith.addi %get3A_128, %parallel_loop3A_170 : vector<16xi32>
        %parallel_loop3A_176 = tpu.vector_load_idx %arg5[%parallel_loop3A_175] : memref<115200xi32, #tpu.memory_space<vmem>>[vector<16xi32>], vector<16xi32>,
        %parallel_loop3A_177 = arith.addi %get3A_132, %parallel_loop3A_170 : vector<16xi32>
        %parallel_loop3A_178 = tpu.vector_load_idx %arg5[%parallel_loop3A_177] : memref<115200xi32, #tpu.memory_space<vmem>>[vector<16xi32>], vector<16xi32>,
        %parallel_loop3A_179 = arith.addi %get3A_136, %parallel_loop3A_170 : vector<16xi32>
        %parallel_loop3A_180 = tpu.vector_load_idx %arg5[%parallel_loop3A_179] : memref<115200xi32, #tpu.memory_space<vmem>>[vector<16xi32>], vector<16xi32>,
        %parallel_loop3A_181 = arith.addi %get3A_140, %parallel_loop3A_170 : vector<16xi32>
        %parallel_loop3A_182 = tpu.vector_load_idx %arg5[%parallel_loop3A_181] : memref<115200xi32, #tpu.memory_space<vmem>>[vector<16xi32>], vector<16xi32>,
        %parallel_loop3A_183 = arith.addi %get3A_144, %parallel_loop3A_170 : vector<16xi32>
        %parallel_loop3A_184 = tpu.vector_load_idx %arg5[%parallel_loop3A_183] : memref<115200xi32, #tpu.memory_space<vmem>>[vector<16xi32>], vector<16xi32>,
        %parallel_loop3A_185 = arith.addi %get3A_148, %parallel_loop3A_170 : vector<16xi32>
        %parallel_loop3A_186 = tpu.vector_load_idx %arg5[%parallel_loop3A_185] : memref<115200xi32, #tpu.memory_space<vmem>>[vector<16xi32>], vector<16xi32>,
        %parallel_loop3A_187 = arith.addi %get3A_152, %parallel_loop3A_170 : vector<16xi32>
        %parallel_loop3A_188 = tpu.vector_load_idx %arg5[%parallel_loop3A_187] : memref<115200xi32, #tpu.memory_space<vmem>>[vector<16xi32>], vector<16xi32>,
        %parallel_loop3A_189 = arith.constant 16 : i32
        %parallel_loop3A_190 = vector.broadcast %parallel_loop3A_189 : i32 to vector<16xi32>
        %parallel_loop3A_191 = arith.shli %parallel_loop3A_172, %parallel_loop3A_190 : vector<16xi32>
        %parallel_loop3A_192 = vector.bitcast %parallel_loop3A_191 : vector<16xi32> to vector<16xf32>
        %parallel_loop3A_193 = arith.constant 16 : i32
        %parallel_loop3A_194 = vector.broadcast %parallel_loop3A_193 : i32 to vector<16xi32>
        %parallel_loop3A_195 = arith.shli %parallel_loop3A_174, %parallel_loop3A_194 : vector<16xi32>
        %parallel_loop3A_196 = vector.bitcast %parallel_loop3A_195 : vector<16xi32> to vector<16xf32>
        %parallel_loop3A_197 = arith.constant 16 : i32
        %parallel_loop3A_198 = vector.broadcast %parallel_loop3A_197 : i32 to vector<16xi32>
        %parallel_loop3A_199 = arith.shli %parallel_loop3A_176, %parallel_loop3A_198 : vector<16xi32>
        %parallel_loop3A_200 = vector.bitcast %parallel_loop3A_199 : vector<16xi32> to vector<16xf32>
        %parallel_loop3A_201 = arith.constant 16 : i32
        %parallel_loop3A_202 = vector.broadcast %parallel_loop3A_201 : i32 to vector<16xi32>
        %parallel_loop3A_203 = arith.shli %parallel_loop3A_178, %parallel_loop3A_202 : vector<16xi32>
        %parallel_loop3A_204 = vector.bitcast %parallel_loop3A_203 : vector<16xi32> to vector<16xf32>
        %parallel_loop3A_205 = arith.constant 16 : i32
        %parallel_loop3A_206 = vector.broadcast %parallel_loop3A_205 : i32 to vector<16xi32>
        %parallel_loop3A_207 = arith.shli %parallel_loop3A_180, %parallel_loop3A_206 : vector<16xi32>
        %parallel_loop3A_208 = vector.bitcast %parallel_loop3A_207 : vector<16xi32> to vector<16xf32>
        %parallel_loop3A_209 = arith.constant 16 : i32
        %parallel_loop3A_210 = vector.broadcast %parallel_loop3A_209 : i32 to vector<16xi32>
        %parallel_loop3A_211 = arith.shli %parallel_loop3A_182, %parallel_loop3A_210 : vector<16xi32>
        %parallel_loop3A_212 = vector.bitcast %parallel_loop3A_211 : vector<16xi32> to vector<16xf32>
        %parallel_loop3A_213 = arith.constant 16 : i32
        %parallel_loop3A_214 = vector.broadcast %parallel_loop3A_213 : i32 to vector<16xi32>
        %parallel_loop3A_215 = arith.shli %parallel_loop3A_184, %parallel_loop3A_214 : vector<16xi32>
        %parallel_loop3A_216 = vector.bitcast %parallel_loop3A_215 : vector<16xi32> to vector<16xf32>
        %parallel_loop3A_217 = arith.constant 16 : i32
        %parallel_loop3A_218 = vector.broadcast %parallel_loop3A_217 : i32 to vector<16xi32>
        %parallel_loop3A_219 = arith.shli %parallel_loop3A_186, %parallel_loop3A_218 : vector<16xi32>
        %parallel_loop3A_220 = vector.bitcast %parallel_loop3A_219 : vector<16xi32> to vector<16xf32>
        %parallel_loop3A_221 = arith.constant 16 : i32
        %parallel_loop3A_222 = vector.broadcast %parallel_loop3A_221 : i32 to vector<16xi32>
        %parallel_loop3A_223 = arith.shli %parallel_loop3A_188, %parallel_loop3A_222 : vector<16xi32>
        %parallel_loop3A_224 = vector.bitcast %parallel_loop3A_223 : vector<16xi32> to vector<16xf32>
        %parallel_loop3A_225 = vector.bitcast %parallel_loop3A_172 : vector<16xi32> to vector<16xf32>
        %parallel_loop3A_226 = vector.bitcast %parallel_loop3A_174 : vector<16xi32> to vector<16xf32>
        %parallel_loop3A_227 = vector.bitcast %parallel_loop3A_176 : vector<16xi32> to vector<16xf32>
        %parallel_loop3A_228 = vector.bitcast %parallel_loop3A_178 : vector<16xi32> to vector<16xf32>
        %parallel_loop3A_229 = vector.bitcast %parallel_loop3A_180 : vector<16xi32> to vector<16xf32>
        %parallel_loop3A_230 = vector.bitcast %parallel_loop3A_182 : vector<16xi32> to vector<16xf32>
        %parallel_loop3A_231 = vector.bitcast %parallel_loop3A_184 : vector<16xi32> to vector<16xf32>
        %parallel_loop3A_232 = vector.bitcast %parallel_loop3A_186 : vector<16xi32> to vector<16xf32>
        %parallel_loop3A_233 = vector.bitcast %parallel_loop3A_188 : vector<16xi32> to vector<16xf32>
        %parallel_loop3A_234 = arith.constant 1 : i32
        %parallel_loop3A_235 = vector.broadcast %parallel_loop3A_234 : i32 to vector<16xi32>
        %parallel_loop3A_236 = arith.shli %parallel_loop3A_170, %parallel_loop3A_235 : vector<16xi32>
        %parallel_loop3A_237 = arith.addf %parallel_loop3A_192, %parallel_loop3A_196 : vector<16xf32>
        %parallel_loop3A_238 = arith.addf %parallel_loop3A_200, %parallel_loop3A_204 : vector<16xf32>
        %parallel_loop3A_239 = arith.addf %parallel_loop3A_208, %parallel_loop3A_212 : vector<16xf32>
        %parallel_loop3A_240 = arith.addf %parallel_loop3A_216, %parallel_loop3A_220 : vector<16xf32>
        %parallel_loop3A_241 = arith.addf %parallel_loop3A_237, %parallel_loop3A_238 : vector<16xf32>
        %parallel_loop3A_242 = arith.addf %parallel_loop3A_239, %parallel_loop3A_240 : vector<16xf32>
        %parallel_loop3A_243 = arith.addf %parallel_loop3A_241, %parallel_loop3A_242 : vector<16xf32>
        %parallel_loop3A_244 = arith.addf %parallel_loop3A_243, %parallel_loop3A_224 : vector<16xf32>
        tpu.vector_store_idx %arg9[%iota3A, %parallel_loop3A_236], %parallel_loop3A_244 : memref<16x256xf32, #tpu.memory_space<vmem>>[vector<16xi32>, vector<16xi32>], vector<16xf32>,
        %parallel_loop3A_245 = arith.constant 1 : i32
        %parallel_loop3A_246 = vector.broadcast %parallel_loop3A_245 : i32 to vector<16xi32>
        %parallel_loop3A_247 = arith.addi %parallel_loop3A_236, %parallel_loop3A_246 : vector<16xi32>
        %parallel_loop3A_248 = arith.addf %parallel_loop3A_225, %parallel_loop3A_226 : vector<16xf32>
        %parallel_loop3A_249 = arith.addf %parallel_loop3A_227, %parallel_loop3A_228 : vector<16xf32>
        %parallel_loop3A_250 = arith.addf %parallel_loop3A_229, %parallel_loop3A_230 : vector<16xf32>
        %parallel_loop3A_251 = arith.addf %parallel_loop3A_231, %parallel_loop3A_232 : vector<16xf32>
        %parallel_loop3A_252 = arith.addf %parallel_loop3A_248, %parallel_loop3A_249 : vector<16xf32>
        %parallel_loop3A_253 = arith.addf %parallel_loop3A_250, %parallel_loop3A_251 : vector<16xf32>
        %parallel_loop3A_254 = arith.addf %parallel_loop3A_252, %parallel_loop3A_253 : vector<16xf32>
        %parallel_loop3A_255 = arith.addf %parallel_loop3A_254, %parallel_loop3A_233 : vector<16xf32>
        tpu.vector_store_idx %arg9[%iota3A, %parallel_loop3A_247], %parallel_loop3A_255 : memref<16x256xf32, #tpu.memory_space<vmem>>[vector<16xi32>, vector<16xi32>], vector<16xf32>,
      } {sc.loop_unroll_factor = 16 : i64, sc.parallel_access}
      %mul3A_156 = arith.constant 3200 : i32
      %mul3A_157 = arith.muli %add3A, %mul3A_156 : i32
      %mul3A_158 = arith.constant 16 : i32
      %mul3A_159 = arith.muli %add3A_33, %mul3A_158 : i32
      %add3A_160 = arith.addi %mul3A_157, %mul3A_159 : i32
      %dma_start3A_161 = arith.constant 0 : i32
      %dma_start3A_162 = tpu.memref_slice %arg4[%add3A_160, %dma_start3A_161] : memref<102400x256xf32, #tpu.memory_space<hbm>> -> memref<16x256xf32, #tpu.memory_space<hbm>>
      %dma_start3A_163 = arith.constant 0 : i32
      %dma_start3A_164 = tpu.memref_slice %arg4[%add3A_160, %dma_start3A_163] : memref<102400x256xf32, #tpu.memory_space<hbm>> -> memref<16x256xf32, #tpu.memory_space<hbm>>
      tpu.enqueue_dma source(%arg9 : memref<16x256xf32, #tpu.memory_space<vmem>>) target(%dma_start3A_164 : memref<16x256xf32, #tpu.memory_space<hbm>>) target_semaphore(%arg13 : memref<!tpu.dma_semaphore, #tpu.memory_space<semaphore_mem>>)
    }
    %scan3A_13 = arith.constant 100 : i32
    %mul3A_14 = arith.constant 3200 : i32
    %mul3A_15 = arith.muli %add3A, %mul3A_14 : i32
    %add3A_16 = arith.constant 0 : i32
    %add3A_17 = arith.addi %mul3A_15, %add3A_16 : i32
    %dma_wait3A = arith.constant 0 : i32
    %dma_wait3A_18 = tpu.memref_slice %arg4[%add3A_17, %dma_wait3A] : memref<102400x256xf32, #tpu.memory_space<hbm>> -> memref<16x256xf32, #tpu.memory_space<hbm>>
    %dma_wait3A_19 = arith.constant 0 : i32
    %dma_wait3A_20 = tpu.memref_slice %arg4[%add3A_17, %dma_wait3A_19] : memref<102400x256xf32, #tpu.memory_space<hbm>> -> memref<16x256xf32, #tpu.memory_space<hbm>>
    tpu.wait_dma2 semaphore(%arg12 : memref<!tpu.dma_semaphore, #tpu.memory_space<semaphore_mem>>) src(%arg8 : memref<16x256xf32, #tpu.memory_space<vmem>>) dst(%dma_wait3A_20 : memref<16x256xf32, #tpu.memory_space<hbm>>)
    %mul3A_21 = arith.constant 3200 : i32
    %mul3A_22 = arith.muli %add3A, %mul3A_21 : i32
    %add3A_23 = arith.constant 16 : i32
    %add3A_24 = arith.addi %mul3A_22, %add3A_23 : i32
    %dma_wait3A_25 = arith.constant 0 : i32
    %dma_wait3A_26 = tpu.memref_slice %arg4[%add3A_24, %dma_wait3A_25] : memref<102400x256xf32, #tpu.memory_space<hbm>> -> memref<16x256xf32, #tpu.memory_space<hbm>>
    %dma_wait3A_27 = arith.constant 0 : i32
    %dma_wait3A_28 = tpu.memref_slice %arg4[%add3A_24, %dma_wait3A_27] : memref<102400x256xf32, #tpu.memory_space<hbm>> -> memref<16x256xf32, #tpu.memory_space<hbm>>
    tpu.wait_dma2 semaphore(%arg13 : memref<!tpu.dma_semaphore, #tpu.memory_space<semaphore_mem>>) src(%arg9 : memref<16x256xf32, #tpu.memory_space<vmem>>) dst(%dma_wait3A_28 : memref<16x256xf32, #tpu.memory_space<hbm>>)
    return
  }
}

</mosaic_0001>

<sc_bundles>
// kernel: kernel.3.cloned.1.call-start
scs
__scs_entry_jumppad:
0x0: {  	(pc) =	sbr.rel $0x88, $3  }
0x1: {  	(tag) =	ssettag $0x0;
	lr =	simm.s32 $0x1  }
0x2: {  	[smem:$0x3F9F] =	sst lr;
	_ =	strace $0xD0000000  }
0x3: {  	_ = 	snop  }
0x4: {  	_ = 	snop  }
0x5: {  	_ = 	snop  }
0x6: {  	_ = 	snop  }
0x7: {  	_ = 	snop  }
__scs_overlays_trampoline_lowered:
0x8: {  	[smem:$0x3FAE] =	sst s0  }
0x9: {  	[smem:$0x3FAF] =	sst s1  }
0xa: {  	[smem:$0x3FB0] =	sst s2  }
0xb: {  	[smem:$0x3FB1] =	sst s3  }
0xc: {  	[smem:$0x3FB2] =	sst s4  }
0xd: {  	[smem:$0x3FB3] =	sst s5  }
0xe: {  	[smem:$0x3FB4] =	sst s6  }
0xf: {  	[smem:$0x3FB5] =	sst s7  }
0x10: {  	[smem:$0x3FB6] =	sst s8  }
0x11: {  	[smem:$0x3FB7] =	sst s9;
	s0 =	simm.s32 @!p0 $0x0  }
0x12: {  	s1 =	sld [smem:$0x3F9D];
	s0 =	simm.s32 @p0 $0x1  }
0x13: {  	[smem:$0x3FB8] =	sst s0;
	s0 =	simm.s32 @!p1 $0x0  }
0x14: {  	s2 =	sld [smem:$0x3F9C];
	s0 =	simm.s32 @p1 $0x1  }
0x15: {  	[smem:$0x3FB9] =	sst s0;
	s0 =	simm.s32 @!p2 $0x0  }
0x16: {  	s3 =	sld [smem:$0x3FDB];
	s0 =	simm.s32 @p2 $0x1  }
0x17: {  	s4 =	simm.s32 $0x1BF5;
	[smem:$0x3FBB] =	sst s0  }
0x18: {  	s0 =	sld [smem:$0x3F9E];
	_ =	swait.ge [sflag:s4], $0x0  }
0x19: {  	s7 =	sld [smem:$0x3F9F]  }
0x1a: {  	s8 =	sadd.s32 $0xFFFFE003, lr  }
0x1b: {  	s9 =	sadd.s32 $0xFFFFFEF7, lr;
	s5 =	simm.s32 $0xFFFFFFFF;
	p2 =	slt.u32 s8, $0xFFFFF086  }
0x1c: {  	p1 =	slt.u32 s9, $0xF7A;
	s5 =	simm.s32 @!p2 $0x0  }
0x1d: {  	s5 =	simm.s32 @p1 $0x1;
	p0 =	seq.s32 s7, s2  }
0x1e: {  	s7 =	smul.u32 @!p0 $0xF7A, s2;
	p2 =	seq.s32 @!p0 s5, $0x0  }
0x1f: {  	s9 =	smul.u32 $0xF7A, s1;
	s8 =	simm.s32 @!p0 $0x1BF5;
	p2 =	por !p2, p0  }
0x20: {  	[sflag:s8] =	ssyncset.s32 @!p0 $0xFFFFF086;
	s6 =	sadd.s32 @!p0 s3, s7;
	s7 =	simm.s32 @!p0 $0x108  }
0x21: {  	s3 =	sadd.s32 s3, s9;
	s6 =	sadd.s32 @!p0 $0x88, s6;
	s7 =	simm.s32 @p2 $0x1082  }
0x22: {  	[simem:s7], [sflag:s8] =	dma.local @!p0 [hbm:s6], $0xF7A  }
0x23: {  	s9 =	sor.u32 $0xD0000000, s2;
	s6 =	simm.s32 $0x108;
	_ =	swait.ge @!p0 [sflag:s8], $0x0  }
0x24: {  	s3 =	sadd.s32 $0x88, s3;
	s6 =	simm.s32 @!p1 $0x1082;
	[sflag:s4] =	ssyncset.s32 $0xFFFFF086  }
0x25: {  	[simem:s6], [sflag:s4] =	dma.local [hbm:s3], $0xF7A  }
0x26: {  	[smem:$0x3F9F] =	sst s1;
	(tag) =	ssettag s2;
	_ =	strace s9  }
0x27: {  	s1 =	sld [smem:$0x3FAF]  }
0x28: {  	s2 =	sld [smem:$0x3FB0]  }
0x29: {  	s4 =	sld [smem:$0x3FB2]  }
0x2a: {  	p0 =	seq.s32 s5, $0x0;
	s5 =	sld [smem:$0x3FB3]  }
0x2b: {  	s6 =	sld [smem:$0x3FB4]  }
0x2c: {  	s7 =	sld [smem:$0x3FB5]  }
0x2d: {  	s3 =	simm.s32 $0x108;
	s8 =	sld [smem:$0x3FB6]  }
0x2e: {  	s3 =	simm.s32 @!p0 $0x1082;
	s9 =	sld [smem:$0x3FB7]  }
0x2f: {  	lr =	sadd.s32 s0, s3;
	s0 =	sld [smem:$0x3FAE]  }
0x30: {  	s3 =	sld [smem:$0x3FB1]  }
0x31: {  	[smem:$0x3FBA] =	sst s10  }
0x32: {  	s10 =	sld [smem:$0x3FB8];
	_ =	sdelay $0x3  }
0x33: {  	p0 =	seq.s32 s10, $0x1;
	s10 =	sld [smem:$0x3FBA];
	_ =	sdelay $0x3  }
0x34: {  	[smem:$0x3FBA] =	sst s10  }
0x35: {  	s10 =	sld [smem:$0x3FB9];
	_ =	sdelay $0x3  }
0x36: {  	p1 =	seq.s32 s10, $0x1;
	s10 =	sld [smem:$0x3FBA];
	_ =	sdelay $0x3  }
0x37: {  	[smem:$0x3FBA] =	sst s10  }
0x38: {  	s10 =	sld [smem:$0x3FBB]  }
0x39: {  	_ = 	snop;
	(pc) =	sbr.ind lr, $3  }
0x3a: {  	_ = 	snop  }
0x3b: {  	_ = 	snop  }
0x3c: {  	p2 =	seq.s32 s10, $0x1;
	s10 =	sld [smem:$0x3FBA]  }
0x3d: {  	_ =	shalt  }
0x3e: {  	_ =	shalt  }
0x3f: {  	_ =	shalt  }
0x40: {  	_ =	shalt  }
0x41: {  	_ =	shalt  }
0x42: {  	_ =	shalt  }
0x43: {  	_ =	shalt  }
0x44: {  	_ =	shalt  }
0x45: {  	_ =	shalt  }
0x46: {  	_ =	shalt  }
0x47: {  	_ =	shalt  }
0x48: {  	_ =	shalt  }
0x49: {  	_ =	shalt  }
0x4a: {  	_ =	shalt  }
0x4b: {  	_ =	shalt  }
0x4c: {  	_ =	shalt  }
0x4d: {  	_ =	shalt  }
0x4e: {  	_ =	shalt  }
0x4f: {  	_ =	shalt  }
0x50: {  	_ =	shalt  }
0x51: {  	_ =	shalt  }
0x52: {  	_ =	shalt  }
0x53: {  	_ =	shalt  }
0x54: {  	_ =	shalt  }
0x55: {  	_ =	shalt  }
0x56: {  	_ =	shalt  }
0x57: {  	_ =	shalt  }
0x58: {  	_ =	shalt  }
0x59: {  	_ =	shalt  }
0x5a: {  	_ =	shalt  }
0x5b: {  	_ =	shalt  }
0x5c: {  	_ =	shalt  }
0x5d: {  	_ =	shalt  }
0x5e: {  	_ =	shalt  }
0x5f: {  	_ =	shalt  }
0x60: {  	_ =	shalt  }
0x61: {  	_ =	shalt  }
0x62: {  	_ =	shalt  }
0x63: {  	_ =	shalt  }
0x64: {  	_ =	shalt  }
0x65: {  	_ =	shalt  }
0x66: {  	_ =	shalt  }
0x67: {  	_ =	shalt  }
0x68: {  	_ =	shalt  }
0x69: {  	_ =	shalt  }
0x6a: {  	_ =	shalt  }
0x6b: {  	_ =	shalt  }
0x6c: {  	_ =	shalt  }
0x6d: {  	_ =	shalt  }
0x6e: {  	_ =	shalt  }
0x6f: {  	_ =	shalt  }
0x70: {  	_ =	shalt  }
0x71: {  	_ =	shalt  }
0x72: {  	_ =	shalt  }
0x73: {  	_ =	shalt  }
0x74: {  	_ =	shalt  }
0x75: {  	_ =	shalt  }
0x76: {  	_ =	shalt  }
0x77: {  	_ =	shalt  }
0x78: {  	_ =	shalt  }
0x79: {  	_ =	shalt  }
0x7a: {  	_ =	shalt  }
0x7b: {  	_ =	shalt  }
0x7c: {  	_ =	shalt  }
0x7d: {  	_ =	shalt  }
0x7e: {  	_ =	shalt  }
0x7f: {  	_ =	shalt  }
0x80: {  	_ =	shalt  }
0x81: {  	_ =	shalt  }
0x82: {  	_ =	shalt  }
0x83: {  	_ =	shalt  }
0x84: {  	_ =	shalt  }
0x85: {  	_ =	shalt  }
0x86: {  	_ =	shalt  }
0x87: {  	_ =	shalt  }
.Lfunc_end0:
.L_simem_size_0:
called_computation_lowered:
.L_overlay_start_0:
0x88: {  	s2 =	sld [smem:$0x3FD9]  }
0x89: {  	s3 =	sld [smem:$0x3FFE];
	_ =	sdelay $0x1  }
0x8a: {  	s1 =	srdreg.scid  }
0x8b: {  	s0 =	sand.u32 $0x1, s1  }
0x8c: {  	s17 =	sshll.u32 s0, $0xA;
	s2 =	sadd.s32 s3, s2  }
0x8d: {  	s2 =	sadd.s32 s2, s17  }
0x8e: {  	[smem:$0x3FC6] =	sst s2  }
0x8f: {  	_ = 	snop  }
0x90: {  	s2 =	sld [smem:$0x3FD0];
	(tm) =	ssettm $0x1  }
0x91: {  	s18 =	sld [smem:$0x3FFB];
	_ =	sdelay $0x3  }
0x92: {  	_ =	strace s18  }
0x93: {  	s3 =	sld [smem:$0x3FFC];
	_ =	sdelay $0x3  }
0x94: {  	_ =	strace s3  }
0x95: {  	s3 =	sld [smem:$0x3FFD];
	_ =	sdelay $0x3  }
0x96: {  	_ =	strace s3  }
0x97: {  	_ =	strace $0x8FFFFFFF  }
0x98: {  	s19 =	sld [smem:$0x3FDB];
	_ =	sdelay $0x1  }
0x99: {  	s4 =	simm.s32 $_scs_section_size  }
0x9a: {  	s5 =	simm.s32 $_size__tile_overlayer_lowered;
	s6 =	simm.s32 $_tile_overlayer_lowered  }
0x9b: {  	s22 =	simm.s32 $0x1BFF;
	s21 =	sshll.u32 s6, $0x1;
	s3 =	sadd.s32 s4, s19  }
0x9c: {  	s7 =	simm.s32 $0x0;
	s20 =	sshll.u32 s5, $0x1;
	s5 =	sadd.s32 s21, s3  }
0x9d: {  	[timem:s7], [sflag:s22] =	dma.local [hbm:s5], s20  }
0x9e: {  	_ =	swait.ge [sflag:s22], s20  }
0x9f: {  	s4 =	ssub.s32 $0x0, s20;
	[sflag:s22] =	ssyncset.done $0x0  }
0xa0: {  	[sflag:s22] =	ssyncadd.s32 s4;
	_ =	sdelay $0x1  }
0xa1: {  	s23 =	simm.s32 $0x1B8B  }
0xa2: {  	_ =	swait.ge [sflag:s23], $0x1  }
0xa3: {  	[sflag:s23] =	ssyncset.done $0x0  }
0xa4: {  	s25 =	simm.s32 $0x1B8E;
	s24 =	sld [smem:$0x3FFE];
	[sflag:s23] =	ssyncadd.s32 $0xFFFFFFFF  }
0xa5: {  	s26 =	simm.s32 $execute0_lowered;
	[smem:$0x3FD2] =	sst s25  }
0xa6: {  	s5 =	sshll.u32 s26, $0x1;
	_ =	strace $0x80000046;
	[dreg:$0x1] =	wrdreg $0xFFFFFFFF  }
0xa7: {  	s28 =	simm.s32 $_size_execute0_lowered;
	s3 =	sadd.s32 s3, s5;
	[dreg:$0x0] =	wrdreg $0x0  }
0xa8: {  	s5 =	sshll.u32 s28, $0x1;
	[dreg:$0x2] =	wrdreg s3  }
0xa9: {  	[dreg:$0x3] =	wrdreg s5  }
0xaa: {  	[dreg:$0x4] =	wrdreg $0xC0  }
0xab: {  	_ =	task [dreg:s7], $0x5FFFF  }
0xac: {  	[dreg:$0x1] =	wrdreg $0xFFFFFFFF  }
0xad: {  	[dreg:$0x0] =	wrdreg $0x60  }
0xae: {  	[dreg:$0x2] =	wrdreg s2  }
0xaf: {  	[dreg:$0x3] =	wrdreg s24  }
0xb0: {  	[dreg:$0x4] =	wrdreg $0x9  }
0xb1: {  	_ =	task.clear_ibuf [dreg:s7], $0x5FFFF;
	_ =	strace $0x90000046  }
0xb2: {  	s29 =	simm.s32 $0x9;
	_ =	strace $0x80000048  }
0xb3: {  	_ =	swait.ge [sflag:s29], $0x1  }
0xb4: {  	[sflag:s29] =	ssyncadd.s32 $0xFFFFFFFF  }
0xb5: {  	_ =	strace $0x90000048  }
0xb6: {  	_ =	sfence  }
0xb7: {  	s30 =	sld [smem:$0x0];
	_ =	sdelay $0x2  }
0xb8: {  	s31 =	sshll.u32 s1, $0xD;
	s1 =	sshrl.u32 s1, $0x2  }
0xb9: {  	s3 =	sand.u32 $0x4000, s31;
	s1 =	sadd.s32 s1, s30  }
0xba: {  	s0 =	sor.u32 s3, s0;
	s1 =	sshll.u32 s1, $0x11  }
0xbb: {  	s0 =	sor.u32 s1, s0  }
0xbc: {  	s0 =	sadd.s32 $0x8F2B, s0  }
0xbd: {  	[sflag:s0] =	ssyncadd.remote.s32 $0x1  }
0xbe: {  	_ =	sfence.sel $0xFFFF  }
0xbf: {  	[dreg:$0x0] =	wrdreg $0xFFFFFFFF;
	(pc) =	sbr.abs _section_cstart, $3  }
0xc0: {  	[dreg:$0x1] =	wrdreg $0xFFFFFFFF  }
0xc1: {  	_ =	task.clear_ibuf [dreg:s7], $0x2FFFF;
	_ =	strace $0x9FFFFFFF  }
0xc2: {  	(tm) =	ssettm $0x7FFFFFFF  }
0xc3: {  	_ =	shalt  }
tec
execute0_lowered:
.L_overlay_start_1:
0x0: {  	(tag) =	ssettag $0x1  }
0x1: {  	v0 =	vimm.s32 $0xB80;
	vm0 =	vcmask $0x300  }
0x2: {  	v1 =	vimm.s32 $0xB81;
	vm1 =	vcmask $0x704;
	v0 =	vsel vm0, $0x0, v0  }
0x3: {  	vm15 =	vcmask $0xB08;
	v1 =	vsel vm0, $0x1, v1;
	v0 =	vsel vm1, $0x80, v0  }
0x4: {  	vm4 =	vcmask $0xF0C;
	v1 =	vsel vm1, $0x81, v1;
	v0 =	vsel vm15, $0x100, v0  }
0x5: {  	vm5 =	vcmask $0x1310;
	v1 =	vsel vm15, $0x101, v1;
	v0 =	vsel vm4, $0x180, v0  }
0x6: {  	vm6 =	vcmask $0x1714;
	v1 =	vsel vm4, $0x181, v1;
	v0 =	vsel vm5, $0x200, v0  }
0x7: {  	vm7 =	vcmask $0x1B18;
	v1 =	vsel vm5, $0x201, v1;
	v0 =	vsel vm6, $0x280, v0  }
0x8: {  	s0 =	rddreg [dreg:$0x0];
	s2 =	srdreg.scid;
	vm8 =	vcmask $0x1F1C;
	v1 =	vsel vm6, $0x281, v1;
	v0 =	vsel vm7, $0x300, v0  }
0x9: {  	s1 =	stileid.u32;
	s6 =	rddreg [dreg:$0x1];
	s3 =	simm.s32 $0x0;
	vm9 =	vcmask $0x2320;
	v1 =	vsel vm7, $0x301, v1;
	v0 =	vsel vm8, $0x380, v0  }
0xa: {  	vm10 =	vcmask $0x2724;
	s12 =	simm.s32 $0x1C200;
	s13 =	simm.s32 $0x1CA00;
	s14 =	simm.s32 $0x1;
	v1 =	vsel vm8, $0x381, v1;
	v0 =	vsel vm9, $0x800, v0  }
0xb: {  	vm11 =	vcmask $0x2B28;
	s15 =	simm.s32 $0x1D200;
	s16 =	simm.s32 $0x2;
	s17 =	simm.s32 $0x4;
	v1 =	vsel vm9, $0x801, v1;
	v0 =	vsel vm10, $0x880, v0  }
0xc: {  	vm12 =	vcmask $0x2F2C;
	s18 =	simm.s32 $0x1E200;
	s19 =	simm.s32 $0x3;
	s20 =	simm.s32 $0x0;
	v1 =	vsel vm10, $0x881, v1;
	v0 =	vsel vm11, $0x900, v0  }
0xd: {  	vm13 =	vcmask $0x3330;
	s7 =	sand.u32 $0x1, s2;
	s4 =	sshll.u32 s1, $0x1;
	s2 =	rddreg [dreg:$0x2];
	v1 =	vsel vm11, $0x901, v1;
	v0 =	vsel vm12, $0x980, v0  }
0xe: {  	vm14 =	vcmask $0x3734;
	[smem:$0x7FF] =	sst s3;
	s5 =	sadd.s32 $0x400, s6;
	s8 =	sor.u32 s7, s4;
	v1 =	vsel vm12, $0x981, v1;
	v0 =	vsel vm13, $0xA00, v0  }
0xf: {  	s6 =	sadd.s32 $0x3E00, s6;
	s7 =	ssub.s32 $0x2, s7;
	s4 =	smul.u32 $0x64000, s8;
	vm15 =	vcmask $0x3B38;
	v1 =	vsel vm13, $0xA01, v1;
	v2 =	vsel vm14, $0xA80, v0  }
0x10: {  	_ =	strace $0x80000047;
	s9 =	sshrl.u32 s7, $0x1;
	s8 =	smul.u32 $0xC8000, s8;
	v3 =	vsel vm14, $0xA81, v1;
	v36 =	vsel vm15, $0xB00, v2  }
0x11: {  	s11 =	ssub.s32 s7, s9;
	s10 =	sshrl.u32 s4, $0x3;
	s9 =	sor.u32 $0x1000, s4;
	v37 =	vsel vm15, $0xB01, v3;
	[tilespmem:$0x1FFE0] =	vst v36  }
0x12: {  	v59 =	vlaneseq.u32;
	s7 =	sadd.s32 s0, s10;
	s10 =	smax.u32 s11, $0x1;
	s11 =	simm.s32 $0x5;
	[tilespmem:$0x1FFF0] =	vst v37  }
.LBB2_1:
0x13: {  	[tilespmem:s3], [sflag:$0x5] =	stream.linear.gather [hbm4b:s5+s3], $0x1C200, $0x38;
	[tilespmem:$0x1F200] =	vst v63  }
0x14: {  	_ =	swait.ge [sflag:s11], $0x1C200  }
0x15: {  	[sflag:s11] =	ssyncset.done $0x0  }
0x16: {  	s21 =	simm.s32 $0x0;
	[sflag:s11] =	ssyncadd.s32 $0xFFFE3E00  }
0x17: {  	[tilespmem:s12], [sflag:$0x1] =	stream.linear.gather [hbm4b:s7+s3], $0x480, $0x38;
	[tilespmem:$0x1F200] =	vst v63  }
.LBB2_2:
0x18: {  	s22 =	sshllo.u32 s21, $0x1  }
0x19: {  	s23 =	sshll.u32 s22, $0xB  }
0x1a: {  	s23 =	sadd.s32 s4, s23  }
0x1b: {  	s23 =	sshrl.u32 s23, $0x3  }
0x1c: {  	s23 =	sadd.s32 s0, s23  }
0x1d: {  	[tilespmem:s13], [sflag:$0x2] =	stream.linear.gather [hbm4b:s23+s3], $0x480, $0x38;
	[tilespmem:$0x1F200] =	vst v63  }
0x1e: {  	_ =	swait.ge [sflag:s14], $0x480  }
0x1f: {  	p0 =	seq.s32 s21, $0x0;
	[sflag:s14] =	ssyncset.done $0x0  }
0x20: {  	s23 =	simm.s32 @!p0 $0x3;
	[sflag:s14] =	ssyncadd.s32 $0xFFFFFB80  }
0x21: {  	_ =	swait.ge @!p0 [sflag:s23], $0x1000  }
0x22: {  	[sflag:s23] =	ssyncset.done @!p0 $0x0  }
0x23: {  	[sflag:s23] =	ssyncadd.s32 @!p0 $0xFFFFF000  }
0x24: {  	v2 =	vld [tilespmem:$0x1C200]  }
0x25: {  	v3 =	vld [tilespmem:$0x1C280]  }
0x26: {  	v4 =	vld [tilespmem:$0x1C300]  }
0x27: {  	s31 =	simm.s32 $0x0;
	v5 =	vld [tilespmem:$0x1C380]  }
0x28: {  	v12 =	vor.u32 s31, v59;
	v7 =	vld [tilespmem:$0x1C400]  }
0x29: {  	v9 =	vld [tilespmem:$0x1C480];
	v13 =	vadd.s32 v2, v12  }
0x2a: {  	v8 =	vld [tilespmem:$0x1C500];
	v14 =	vadd.s32 v3, v12  }
0x2b: {  	v6 =	vld [tilespmem:$0x1C580];
	v15 =	vadd.s32 v4, v12  }
0x2c: {  	v16 =	vadd.s32 v5, v12  }
0x2d: {  	v1 =	vld [tilespmem:$0x1C600];
	v17 =	vadd.s32 v7, v12  }
0x2e: {  	v18 =	vadd.s32 v9, v12;
	v13 =	vld.idx.msk [tilespmem:v13+s3+$0x0], $0xffff  }
0x2f: {  	v19 =	vadd.s32 v8, v12;
	v14 =	vld.idx.msk [tilespmem:v14+s3+$0x0], $0xffff  }
0x30: {  	s24 =	simm.s32 $0xF;
	v20 =	vadd.s32 v6, v12;
	v15 =	vld.idx.msk [tilespmem:v15+s3+$0x0], $0xffff  }
0x31: {  	v21 =	vadd.s32 s24, v59;
	v16 =	vld.idx.msk [tilespmem:v16+s3+$0x0], $0xffff  }
0x32: {  	v22 =	vand.u32 $0x7F, v21;
	v17 =	vld.idx.msk [tilespmem:v17+s3+$0x0], $0xffff  }
0x33: {  	v24 =	vadd.s32 v2, v22;
	v18 =	vld.idx.msk [tilespmem:v18+s3+$0x0], $0xffff  }
0x34: {  	v25 =	vmov s31;
	v26 =	vadd.s32 v3, v22;
	v19 =	vld.idx.msk [tilespmem:v19+s3+$0x0], $0xffff  }
0x35: {  	v25 =	vshll.u32 v25, $0x4;
	v20 =	vld.idx.msk [tilespmem:v20+s3+$0x0], $0xffff  }
0x36: {  	v23 =	vadd.s32 v1, v12;
	v28 =	vadd.s32 v4, v22;
	v31 =	vadd.s32 v5, v22  }
0x37: {  	v33 =	vadd.s32 v7, v22;
	v34 =	vadd.s32 v9, v22;
	v12 =	vshll.u32 v12, $0x1  }
0x38: {  	v35 =	vadd.s32 v8, v22;
	v12 =	vand.u32 $0x7E, v12;
	v24 =	vld.idx.msk [tilespmem:v24+s3+$0x0], $0xffff;
	v27 =	vadd.f32 v14, v13  }
0x39: {  	v26 =	vld.idx.msk [tilespmem:v26+s3+$0x0], $0xffff;
	v29 =	vadd.f32 v16, v15;
	v30 =	vadd.f32 v18, v17;
	v13 =	vshll.u32 v13, $0x10  }
0x3a: {  	v32 =	vadd.f32 v20, v19;
	v14 =	vshll.u32 v14, $0x10;
	v15 =	vshll.u32 v15, $0x10  }
0x3b: {  	v16 =	vshll.u32 v16, $0x10;
	v17 =	vshll.u32 v17, $0x10;
	v18 =	vshll.u32 v18, $0x10  }
0x3c: {  	v19 =	vshll.u32 v19, $0x10;
	v20 =	vshll.u32 v20, $0x10;
	v13 =	vadd.f32 v14, v13  }
0x3d: {  	v23 =	vld.idx.msk [tilespmem:v23+s3+$0x0], $0xffff;
	v14 =	vadd.f32 v16, v15;
	v15 =	vadd.s32 v6, v22;
	v17 =	vadd.f32 v18, v17  }
0x3e: {  	v18 =	vadd.f32 v20, v19;
	v19 =	vld.idx.msk [tilespmem:v31+s3+$0x0], $0xffff;
	v31 =	vadd.f32 v26, v24;
	v24 =	vshll.u32 v24, $0x10  }
0x3f: {  	v26 =	vshll.u32 v26, $0x10;
	v20 =	vadd.f32 v29, v27;
	v27 =	vadd.f32 v32, v30  }
0x40: {  	s24 =	simm.s32 $0xE;
	v16 =	vld.idx.msk [tilespmem:v28+s3+$0x0], $0xffff;
	v13 =	vadd.f32 v14, v13;
	v14 =	vadd.f32 v18, v17;
	v18 =	vand.u32 $0x400, v25  }
0x41: {  	v29 =	vadd.s32 s24, v59;
	v24 =	vadd.f32 v26, v24;
	v12 =	vor.u32 v18, v12  }
0x42: {  	s26 =	simm.s32 $0xC;
	v18 =	vadd.f32 v27, v20;
	v20 =	vadd.f32 v14, v13;
	v0 =	vor.u32 v36, v12  }
0x43: {  	v47 =	vor.u32 v37, v12;
	v37 =	vadd.s32 s26, v59;
	v27 =	vld.idx.msk [tilespmem:v15+s3+$0x0], $0xffff;
	v15 =	vshll.u32 v23, $0x10  }
0x44: {  	v28 =	vld.idx.msk [tilespmem:v33+s3+$0x0], $0xffff;
	v48 =	vadd.f32 v23, v18;
	v18 =	vand.u32 $0x7F, v29;
	v23 =	vshll.u32 v21, $0x1  }
0x45: {  	v17 =	vld.idx.msk [tilespmem:v34+s3+$0x0], $0xffff;
	v21 =	vshll.u32 v21, $0x4;
	v49 =	vadd.f32 v19, v16;
	v16 =	vshll.u32 v16, $0x10  }
0x46: {  	v25 =	vld.idx.msk [tilespmem:v35+s3+$0x0], $0xffff;
	v19 =	vshll.u32 v19, $0x10;
	v15 =	vadd.f32 v15, v20;
	v20 =	vadd.s32 v1, v22  }
0x47: {  	v22 =	vadd.s32 v2, v18;
	v30 =	vadd.s32 v3, v18;
	v50 =	vadd.s32 v4, v18  }
0x48: {  	[tilespmem:$0x1FE90] =	vst v0;
	v51 =	vadd.s32 v5, v18;
	v52 =	vadd.s32 v7, v18;
	v16 =	vadd.f32 v19, v16  }
0x49: {  	[tilespmem:$0x1FEA0] =	vst v47;
	v38 =	vadd.s32 v9, v18;
	v21 =	vand.u32 $0x400, v21;
	v54 =	vadd.s32 v1, v18  }
0x4a: {  	v53 =	vld [tilespmem:$0x1FFE0];
	[tilespmem:$0x1FEB0] =	vst v48;
	v34 =	vadd.f32 v17, v28;
	v17 =	vshll.u32 v17, $0x10;
	v16 =	vadd.f32 v16, v24  }
0x4b: {  	v35 =	vadd.f32 v27, v25;
	v25 =	vshll.u32 v25, $0x10;
	v27 =	vshll.u32 v27, $0x10;
	v39 =	vld.idx.msk [tilespmem:v20+s3+$0x0], $0xffff  }
0x4c: {  	v20 =	vshll.u32 v28, $0x10;
	v28 =	vadd.s32 v8, v18;
	v26 =	vld.idx.msk [tilespmem:v30+s3+$0x0], $0xffff;
	v30 =	vadd.s32 v6, v18  }
0x4d: {  	v19 =	vadd.f32 v27, v25;
	v17 =	vadd.f32 v17, v20;
	v20 =	vand.u32 $0x7E, v23  }
0x4e: {  	s25 =	simm.s32 $0xD;
	v22 =	vld.idx.msk [tilespmem:v22+s3+$0x0], $0xffff;
	v23 =	vadd.f32 v49, v31;
	v27 =	vadd.f32 v35, v34;
	v49 =	vand.u32 $0x7F, v37  }
0x4f: {  	v33 =	vld.idx.msk [tilespmem:v50+s3+$0x0], $0xffff;
	v31 =	vadd.s32 s25, v59;
	v20 =	vor.u32 v21, v20;
	v50 =	vadd.s32 v2, v49  }
0x50: {  	v25 =	vld.idx.msk [tilespmem:v51+s3+$0x0], $0xffff;
	v19 =	vadd.f32 v19, v17;
	v23 =	vadd.f32 v27, v23;
	v27 =	vand.u32 $0x7F, v31  }
0x51: {  	v24 =	vld.idx.msk [tilespmem:v52+s3+$0x0], $0xffff;
	v0 =	vor.u32 v53, v20;
	v55 =	vadd.s32 v2, v27;
	v57 =	vadd.s32 v3, v27  }
0x52: {  	v21 =	vld.idx.msk [tilespmem:v38+s3+$0x0], $0xffff;
	v60 =	vadd.s32 v5, v27;
	v61 =	vadd.s32 v7, v27;
	v40 =	vadd.s32 v9, v27  }
0x53: {  	v56 =	vld [tilespmem:$0x1FFF0];
	[tilespmem:$0x1FEC0] =	vst v0;
	v43 =	vadd.s32 v8, v27;
	v44 =	vadd.s32 v6, v27;
	v16 =	vadd.f32 v19, v16  }
0x54: {  	v28 =	vld.idx.msk [tilespmem:v28+s3+$0x0], $0xffff;
	v19 =	vshll.u32 v39, $0x10;
	v58 =	vadd.f32 v39, v23;
	v23 =	vshll.u32 v29, $0x1  }
0x55: {  	v30 =	vld.idx.msk [tilespmem:v30+s3+$0x0], $0xffff;
	v29 =	vshll.u32 v29, $0x4;
	v62 =	vadd.f32 v26, v22;
	v63 =	vadd.f32 v25, v33  }
0x56: {  	v46 =	vld [tilespmem:$0x1FFE0];
	v22 =	vshll.u32 v22, $0x10;
	v26 =	vshll.u32 v26, $0x10;
	v33 =	vshll.u32 v33, $0x10  }
0x57: {  	v52 =	vld [tilespmem:$0x1FFF0];
	v25 =	vshll.u32 v25, $0x10;
	v23 =	vand.u32 $0x7E, v23;
	v29 =	vand.u32 $0x400, v29;
	[tilespmem:$0x1FED0] =	vst v58  }
0x58: {  	v22 =	vadd.f32 v26, v22;
	v19 =	vadd.f32 v19, v16;
	v16 =	vadd.s32 v4, v27;
	v32 =	vld.idx.msk [tilespmem:v54+s3+$0x0], $0xffff  }
0x59: {  	v41 =	vadd.f32 v21, v24;
	v24 =	vshll.u32 v24, $0x10;
	v21 =	vshll.u32 v21, $0x10;
	v34 =	vld.idx.msk [tilespmem:v55+s3+$0x0], $0xffff  }
0x5a: {  	v35 =	vld.idx.msk [tilespmem:v57+s3+$0x0], $0xffff;
	v42 =	vadd.f32 v30, v28;
	v28 =	vshll.u32 v28, $0x10;
	v30 =	vshll.u32 v30, $0x10  }
0x5b: {  	v26 =	vor.u32 v29, v23;
	v21 =	vadd.f32 v21, v24;
	v36 =	vld.idx.msk [tilespmem:v60+s3+$0x0], $0xffff;
	v24 =	vadd.f32 v30, v28  }
0x5c: {  	v0 =	vor.u32 v46, v26;
	v29 =	vld.idx.msk [tilespmem:v61+s3+$0x0], $0xffff;
	v30 =	vadd.f32 v63, v62;
	v47 =	vadd.f32 v42, v41  }
0x5d: {  	v20 =	vor.u32 v56, v20;
	v25 =	vadd.f32 v25, v33;
	v16 =	vld.idx.msk [tilespmem:v16+s3+$0x0], $0xffff;
	[tilespmem:$0x1FEE0] =	vst v0  }
0x5e: {  	v27 =	vadd.s32 v1, v27;
	v58 =	vadd.s32 v7, v49;
	v28 =	vld.idx.msk [tilespmem:v40+s3+$0x0], $0xffff;
	v30 =	vadd.f32 v47, v30  }
0x5f: {  	v22 =	vadd.f32 v25, v22;
	v46 =	vadd.s32 v9, v49;
	v55 =	vadd.s32 v5, v49;
	v48 =	vld.idx.msk [tilespmem:v43+s3+$0x0], $0xffff  }
0x60: {  	v60 =	vadd.s32 v6, v49;
	v0 =	vor.u32 v52, v26;
	v25 =	vld.idx.msk [tilespmem:v44+s3+$0x0], $0xffff;
	v53 =	vadd.f32 v32, v30  }
0x61: {  	v26 =	vadd.s32 v3, v49;
	v24 =	vadd.f32 v24, v21;
	[tilespmem:$0x1FEF0] =	vst v0;
	v47 =	vadd.s32 v8, v49  }
0x62: {  	v54 =	vadd.f32 v35, v34;
	v34 =	vshll.u32 v34, $0x10;
	v35 =	vshll.u32 v35, $0x10;
	[tilespmem:$0x1FF00] =	vst v53  }
0x63: {  	v51 =	vshll.u32 v32, $0x10;
	v24 =	vadd.f32 v24, v22;
	v34 =	vadd.f32 v35, v34;
	v27 =	vld.idx.msk [tilespmem:v27+s3+$0x0], $0xffff  }
0x64: {  	v30 =	vadd.s32 v4, v49;
	v56 =	vadd.f32 v36, v16;
	v16 =	vshll.u32 v16, $0x10;
	v33 =	vld.idx.msk [tilespmem:v50+s3+$0x0], $0xffff  }
0x65: {  	v36 =	vshll.u32 v36, $0x10;
	v57 =	vadd.f32 v28, v29;
	v45 =	vadd.f32 v25, v48;
	v41 =	vld.idx.msk [tilespmem:v58+s3+$0x0], $0xffff  }
0x66: {  	v29 =	vshll.u32 v29, $0x10;
	v28 =	vshll.u32 v28, $0x10;
	v16 =	vadd.f32 v36, v16;
	v63 =	vld.idx.msk [tilespmem:v47+s3+$0x0], $0xffff  }
0x67: {  	s28 =	simm.s32 $0xB;
	v38 =	vshll.u32 v48, $0x10;
	v25 =	vshll.u32 v25, $0x10;
	v28 =	vadd.f32 v28, v29;
	v36 =	vld.idx.msk [tilespmem:v60+s3+$0x0], $0xffff  }
0x68: {  	v40 =	vadd.s32 s28, v59;
	v25 =	vadd.f32 v25, v38;
	v16 =	vadd.f32 v16, v34;
	v34 =	vld.idx.msk [tilespmem:v46+s3+$0x0], $0xffff  }
0x69: {  	v29 =	vshll.u32 v31, $0x1;
	v62 =	vadd.f32 v45, v57;
	v35 =	vld.idx.msk [tilespmem:v30+s3+$0x0], $0xffff;
	v30 =	vadd.f32 v56, v54  }
0x6a: {  	v26 =	vld.idx.msk [tilespmem:v26+s3+$0x0], $0xffff;
	v31 =	vshll.u32 v31, $0x4;
	v25 =	vadd.f32 v25, v28;
	v28 =	vand.u32 $0x7E, v29  }
0x6b: {  	v29 =	vand.u32 $0x400, v31;
	v31 =	vadd.f32 v62, v30;
	v30 =	vadd.f32 v51, v24;
	v51 =	vld [tilespmem:$0x1FFE0]  }
0x6c: {  	v52 =	vld [tilespmem:$0x1FFF0];
	v29 =	vor.u32 v29, v28;
	v16 =	vadd.f32 v25, v16;
	v47 =	vadd.f32 v36, v63  }
0x6d: {  	s29 =	simm.s32 $0xA;
	v61 =	vld.idx.msk [tilespmem:v55+s3+$0x0], $0xffff;
	v32 =	vshll.u32 v63, $0x10;
	v36 =	vshll.u32 v36, $0x10;
	v53 =	vadd.f32 v27, v31  }
0x6e: {  	v46 =	vadd.f32 v34, v41;
	v32 =	vadd.f32 v36, v32;
	v36 =	vadd.s32 s29, v59  }
0x6f: {  	v57 =	vadd.f32 v26, v33;
	v31 =	vadd.s32 v1, v49;
	v43 =	vand.u32 $0x7F, v36  }
0x70: {  	[tilespmem:$0x1FF40] =	vst v53;
	v53 =	vadd.f32 v47, v46;
	v46 =	vadd.s32 v2, v43;
	v0 =	vor.u32 v51, v29  }
0x71: {  	[tilespmem:$0x1FF10] =	vst v0;
	v0 =	vor.u32 v52, v29;
	v29 =	vshll.u32 v27, $0x10;
	v27 =	vand.u32 $0x7F, v40  }
0x72: {  	v58 =	vadd.f32 v61, v35;
	v54 =	vadd.f32 v29, v16;
	v16 =	vadd.s32 v2, v27  }
0x73: {  	v55 =	vshll.u32 v37, $0x1;
	[tilespmem:$0x1FF30] =	vst v0;
	v56 =	vadd.s32 v3, v27  }
0x74: {  	v37 =	vshll.u32 v37, $0x4;
	v52 =	vadd.f32 v58, v57;
	v57 =	vld [tilespmem:$0x1FFF0];
	v60 =	vadd.s32 v4, v27;
	[tilespmem:$0x1FF20] =	vst v54  }
0x75: {  	v37 =	vand.u32 $0x400, v37;
	v48 =	vadd.s32 v5, v27;
	v50 =	vld.idx.msk [tilespmem:v31+s3+$0x0], $0xffff  }
0x76: {  	v41 =	vshll.u32 v41, $0x10;
	v34 =	vshll.u32 v34, $0x10;
	v49 =	vadd.s32 v7, v27;
	v46 =	vld.idx.msk [tilespmem:v46+s3+$0x0], $0xffff  }
0x77: {  	v33 =	vshll.u32 v33, $0x10;
	v26 =	vshll.u32 v26, $0x10;
	v34 =	vadd.f32 v34, v41;
	v16 =	vld.idx.msk [tilespmem:v16+s3+$0x0], $0xffff  }
0x78: {  	v26 =	vadd.f32 v26, v33;
	v61 =	vshll.u32 v61, $0x10;
	v62 =	vadd.s32 v9, v27;
	v42 =	vld.idx.msk [tilespmem:v56+s3+$0x0], $0xffff  }
0x79: {  	v32 =	vadd.f32 v32, v34;
	v58 =	vadd.s32 v3, v43;
	v31 =	vshll.u32 v35, $0x10;
	v45 =	vld.idx.msk [tilespmem:v60+s3+$0x0], $0xffff  }
0x7a: {  	v51 =	vadd.s32 v8, v27;
	v63 =	vadd.s32 v6, v27;
	v31 =	vadd.f32 v61, v31;
	v35 =	vld.idx.msk [tilespmem:v48+s3+$0x0], $0xffff  }
0x7b: {  	v27 =	vadd.s32 v1, v27;
	v39 =	vadd.f32 v53, v52;
	v52 =	vadd.s32 v9, v43;
	v41 =	vld.idx.msk [tilespmem:v49+s3+$0x0], $0xffff  }
0x7c: {  	v61 =	vadd.s32 v5, v43;
	v48 =	vand.u32 $0x7E, v55;
	v55 =	vld [tilespmem:$0x1FFE0];
	v26 =	vadd.f32 v31, v26  }
0x7d: {  	v38 =	vld.idx.msk [tilespmem:v62+s3+$0x0], $0xffff;
	v60 =	vshll.u32 v40, $0x1;
	v40 =	vshll.u32 v40, $0x4;
	v62 =	vadd.s32 v7, v43  }
0x7e: {  	v54 =	vor.u32 v37, v48;
	v40 =	vand.u32 $0x400, v40;
	v26 =	vadd.f32 v32, v26  }
0x7f: {  	s30 =	simm.s32 $0x9;
	v56 =	vshll.u32 v50, $0x10;
	v32 =	vor.u32 v57, v54;
	v28 =	vadd.f32 v50, v39  }
0x80: {  	v44 =	vld.idx.msk [tilespmem:v63+s3+$0x0], $0xffff;
	v39 =	vand.u32 $0x7E, v60;
	v50 =	vadd.s32 s30, v59;
	v33 =	vshll.u32 v46, $0x10  }
0x81: {  	v37 =	vld.idx.msk [tilespmem:v51+s3+$0x0], $0xffff;
	v31 =	vor.u32 v55, v54;
	v34 =	vadd.f32 v56, v26;
	v63 =	vadd.f32 v42, v16  }
0x82: {  	v26 =	vadd.s32 v4, v43;
	v0 =	vadd.f32 v35, v45;
	v53 =	vadd.f32 v38, v41  }
0x83: {  	v47 =	vld.idx.msk [tilespmem:v58+s3+$0x0], $0xffff;
	v55 =	vadd.s32 v8, v43;
	v16 =	vshll.u32 v16, $0x10;
	v42 =	vshll.u32 v42, $0x10  }
0x84: {  	v56 =	vadd.s32 v6, v43;
	v45 =	vshll.u32 v45, $0x10;
	v35 =	vshll.u32 v35, $0x10  }
0x85: {  	v41 =	vshll.u32 v41, $0x10;
	v38 =	vshll.u32 v38, $0x10;
	v43 =	vadd.s32 v1, v43  }
0x86: {  	v27 =	vld.idx.msk [tilespmem:v27+s3+$0x0], $0xffff;
	v54 =	vadd.f32 v44, v37;
	v37 =	vshll.u32 v37, $0x10;
	v16 =	vadd.f32 v42, v16  }
0x87: {  	v44 =	vshll.u32 v44, $0x10;
	v35 =	vadd.f32 v35, v45;
	v38 =	vadd.f32 v38, v41  }
0x88: {  	v41 =	vld.idx.msk [tilespmem:v52+s3+$0x0], $0xffff;
	v52 =	vand.u32 $0x7F, v50;
	v45 =	vadd.f32 v47, v46;
	v47 =	vshll.u32 v47, $0x10  }
0x89: {  	v48 =	vld.idx.msk [tilespmem:v61+s3+$0x0], $0xffff;
	v37 =	vadd.f32 v44, v37;
	v60 =	vadd.f32 v0, v63;
	v63 =	vadd.s32 v2, v52  }
0x8a: {  	v42 =	vld.idx.msk [tilespmem:v62+s3+$0x0], $0xffff;
	v0 =	vadd.s32 v3, v52;
	v59 =	vadd.s32 v8, v52;
	v61 =	vadd.f32 v54, v53  }
0x8b: {  	v16 =	vadd.f32 v35, v16;
	v35 =	vor.u32 v40, v39;
	v40 =	vshll.u32 v27, $0x10;
	v26 =	vld.idx.msk [tilespmem:v26+s3+$0x0], $0xffff  }
0x8c: {  	v53 =	vadd.s32 v5, v52;
	v39 =	vadd.s32 v9, v52;
	v37 =	vadd.f32 v37, v38;
	v49 =	vld.idx.msk [tilespmem:v55+s3+$0x0], $0xffff  }
0x8d: {  	v51 =	vld.idx.msk [tilespmem:v56+s3+$0x0], $0xffff;
	v62 =	vadd.f32 v61, v60;
	v56 =	vadd.s32 v7, v52;
	v60 =	vadd.s32 v6, v52  }
0x8e: {  	v57 =	vld.idx.msk [tilespmem:v43+s3+$0x0], $0xffff;
	v43 =	vadd.f32 v47, v33;
	v16 =	vadd.f32 v37, v16;
	v37 =	vshll.u32 v36, $0x1  }
0x8f: {  	v55 =	vadd.f32 v41, v42;
	v42 =	vshll.u32 v42, $0x10;
	v41 =	vshll.u32 v41, $0x10  }
0x90: {  	v36 =	vshll.u32 v36, $0x4;
	v38 =	vadd.f32 v27, v62;
	v27 =	vadd.s32 v4, v52;
	v58 =	vld.idx.msk [tilespmem:v63+s3+$0x0], $0xffff  }
0x91: {  	v44 =	vld.idx.msk [tilespmem:v0+s3+$0x0], $0xffff;
	v0 =	vlaneseq.u32;
	v41 =	vadd.f32 v41, v42;
	v37 =	vand.u32 $0x7E, v37  }
0x92: {  	v36 =	vand.u32 $0x400, v36;
	v63 =	vadd.s32 v1, v52;
	v54 =	vadd.f32 v48, v26  }
0x93: {  	v53 =	vld.idx.msk [tilespmem:v53+s3+$0x0], $0xffff;
	v46 =	vadd.f32 v51, v49;
	v26 =	vshll.u32 v26, $0x10;
	v48 =	vshll.u32 v48, $0x10  }
0x94: {  	v49 =	vshll.u32 v49, $0x10;
	v51 =	vshll.u32 v51, $0x10;
	v47 =	vld.idx.msk [tilespmem:v56+s3+$0x0], $0xffff;
	v26 =	vadd.f32 v48, v26  }
0x95: {  	v62 =	vshll.u32 v57, $0x10;
	v33 =	vadd.f32 v51, v49;
	v48 =	vld.idx.msk [tilespmem:v39+s3+$0x0], $0xffff;
	v54 =	vadd.f32 v54, v45  }
0x96: {  	v49 =	vld.idx.msk [tilespmem:v60+s3+$0x0], $0xffff;
	v56 =	vadd.f32 v46, v55;
	v51 =	vadd.f32 v44, v58;
	v58 =	vshll.u32 v58, $0x10  }
0x97: {  	v44 =	vshll.u32 v44, $0x10;
	v60 =	vld.idx.msk [tilespmem:v63+s3+$0x0], $0xffff;
	v63 =	vshll.u32 v50, $0x4;
	v26 =	vadd.f32 v26, v43  }
0x98: {  	v42 =	vadd.f32 v33, v41;
	v41 =	vor.u32 v36, v37;
	v43 =	vadd.f32 v40, v16  }
0x99: {  	v27 =	vld.idx.msk [tilespmem:v27+s3+$0x0], $0xffff;
	v37 =	vshll.u32 v50, $0x1;
	v33 =	vshll.u32 v53, $0x10;
	v61 =	vadd.f32 v56, v54  }
0x9a: {  	s31 =	simm.s32 $0x8;
	v46 =	vld.idx.msk [tilespmem:v59+s3+$0x0], $0xffff;
	v44 =	vadd.f32 v44, v58;
	v37 =	vand.u32 $0x7E, v37;
	v16 =	vadd.f32 v42, v26  }
0x9b: {  	v26 =	vadd.s32 s31, v0;
	v42 =	vand.u32 $0x400, v63;
	v39 =	vadd.f32 v57, v61  }
0x9c: {  	v36 =	vand.u32 $0x7F, v26;
	v55 =	vadd.f32 v48, v47;
	v47 =	vshll.u32 v47, $0x10  }
0x9d: {  	s24 =	simm.s32 $0x7;
	v48 =	vshll.u32 v48, $0x10;
	v40 =	vadd.f32 v62, v16;
	v16 =	vadd.s32 v2, v36  }
0x9e: {  	v42 =	vor.u32 v42, v37;
	v37 =	vadd.s32 s24, v0;
	v45 =	vadd.s32 v3, v36  }
0x9f: {  	v52 =	vadd.f32 v53, v27;
	v54 =	vadd.s32 v4, v36;
	v56 =	vadd.f32 v49, v46  }
0xa0: {  	v57 =	vadd.s32 v5, v36;
	v59 =	vadd.s32 v7, v36;
	v27 =	vshll.u32 v27, $0x10  }
0xa1: {  	v53 =	vadd.s32 v9, v36;
	v46 =	vshll.u32 v46, $0x10;
	v49 =	vshll.u32 v49, $0x10  }
0xa2: {  	v62 =	vadd.s32 v6, v36;
	v47 =	vadd.f32 v48, v47;
	v63 =	vshll.u32 v60, $0x10;
	v16 =	vld.idx.msk [tilespmem:v16+s3+$0x0], $0xffff  }
0xa3: {  	v27 =	vadd.f32 v33, v27;
	v46 =	vadd.f32 v49, v46;
	v49 =	vand.u32 $0x7F, v37;
	v61 =	vld.idx.msk [tilespmem:v45+s3+$0x0], $0xffff  }
0xa4: {  	v33 =	vadd.f32 v52, v51;
	v13 =	vadd.s32 v8, v49;
	v12 =	vadd.s32 v6, v49;
	v54 =	vld.idx.msk [tilespmem:v54+s3+$0x0], $0xffff  }
0xa5: {  	v27 =	vadd.f32 v27, v44;
	v58 =	vadd.f32 v46, v47;
	v45 =	vadd.s32 v8, v36;
	v50 =	vld.idx.msk [tilespmem:v57+s3+$0x0], $0xffff  }
0xa6: {  	v47 =	vshll.u32 v26, $0x1;
	v26 =	vshll.u32 v26, $0x4;
	v48 =	vld.idx.msk [tilespmem:v59+s3+$0x0], $0xffff;
	v57 =	vadd.f32 v56, v55  }
0xa7: {  	v47 =	vand.u32 $0x7E, v47;
	v26 =	vand.u32 $0x400, v26;
	v52 =	vld.idx.msk [tilespmem:v53+s3+$0x0], $0xffff;
	v36 =	vadd.s32 v1, v36  }
0xa8: {  	v27 =	vadd.f32 v58, v27;
	v53 =	vadd.s32 v2, v49;
	v59 =	vadd.f32 v57, v33  }
0xa9: {  	v55 =	vadd.s32 v3, v49;
	v56 =	vadd.s32 v5, v49;
	v57 =	vadd.s32 v7, v49;
	v13 =	vld.idx.msk [tilespmem:v13+s3+$0x0], $0xffff  }
0xaa: {  	v44 =	vadd.f32 v60, v59;
	v60 =	vadd.s32 v9, v49;
	v46 =	vld.idx.msk [tilespmem:v45+s3+$0x0], $0xffff;
	v45 =	vadd.f32 v63, v27  }
0xab: {  	v12 =	vld.idx.msk [tilespmem:v12+s3+$0x0], $0xffff;
	v27 =	vadd.s32 v4, v49;
	v58 =	vadd.f32 v61, v16;
	v59 =	vadd.f32 v50, v54  }
0xac: {  	v33 =	vadd.f32 v52, v48;
	v16 =	vshll.u32 v16, $0x10;
	v61 =	vshll.u32 v61, $0x10  }
0xad: {  	v51 =	vld.idx.msk [tilespmem:v62+s3+$0x0], $0xffff;
	v54 =	vshll.u32 v54, $0x10;
	v50 =	vshll.u32 v50, $0x10;
	v48 =	vshll.u32 v48, $0x10  }
0xae: {  	s25 =	simm.s32 $0x6;
	v53 =	vld.idx.msk [tilespmem:v53+s3+$0x0], $0xffff;
	v52 =	vshll.u32 v52, $0x10;
	v16 =	vadd.f32 v61, v16;
	v50 =	vadd.f32 v50, v54  }
0xaf: {  	v55 =	vld.idx.msk [tilespmem:v55+s3+$0x0], $0xffff;
	v48 =	vadd.f32 v52, v48;
	v61 =	vadd.f32 v59, v58;
	v59 =	vadd.s32 s25, v0  }
0xb0: {  	v14 =	vadd.f32 v12, v13;
	v13 =	vshll.u32 v13, $0x10;
	v12 =	vshll.u32 v12, $0x10  }
0xb1: {  	v54 =	vld.idx.msk [tilespmem:v57+s3+$0x0], $0xffff;
	v16 =	vadd.f32 v50, v16;
	v50 =	vand.u32 $0x7F, v59;
	v12 =	vadd.f32 v12, v13  }
0xb2: {  	v13 =	vshll.u32 v37, $0x4;
	v52 =	vld.idx.msk [tilespmem:v60+s3+$0x0], $0xffff;
	v57 =	vadd.s32 v3, v50;
	v60 =	vadd.s32 v5, v50  }
0xb3: {  	v36 =	vld.idx.msk [tilespmem:v36+s3+$0x0], $0xffff;
	v63 =	vadd.f32 v51, v46;
	v46 =	vshll.u32 v46, $0x10;
	v51 =	vshll.u32 v51, $0x10  }
0xb4: {  	v56 =	vld.idx.msk [tilespmem:v56+s3+$0x0], $0xffff;
	v58 =	vadd.f32 v55, v53;
	v53 =	vshll.u32 v53, $0x10;
	v55 =	vshll.u32 v55, $0x10  }
0xb5: {  	v27 =	vld.idx.msk [tilespmem:v27+s3+$0x0], $0xffff;
	v51 =	vadd.f32 v51, v46;
	v46 =	vor.u32 v26, v47;
	v47 =	vshll.u32 v37, $0x1  }
0xb6: {  	v53 =	vadd.f32 v55, v53;
	v55 =	vadd.s32 v9, v50;
	v62 =	vadd.f32 v63, v33  }
0xb7: {  	v33 =	vadd.s32 v2, v50;
	v47 =	vand.u32 $0x7E, v47;
	v26 =	vadd.f32 v51, v48  }
0xb8: {  	v48 =	vadd.s32 v1, v49;
	v51 =	vshll.u32 v36, $0x10;
	v63 =	vadd.f32 v62, v61  }
0xb9: {  	v62 =	vadd.f32 v52, v54;
	v54 =	vshll.u32 v54, $0x10;
	v52 =	vshll.u32 v52, $0x10  }
0xba: {  	v26 =	vadd.f32 v26, v16;
	v61 =	vadd.f32 v56, v27;
	v27 =	vshll.u32 v27, $0x10  }
0xbb: {  	v57 =	vld.idx.msk [tilespmem:v57+s3+$0x0], $0xffff;
	v56 =	vshll.u32 v56, $0x10;
	v11 =	vadd.f32 v36, v63;
	v36 =	vadd.s32 v4, v50  }
0xbc: {  	v52 =	vadd.f32 v52, v54;
	v54 =	vadd.s32 v6, v50;
	v63 =	vadd.s32 v7, v50;
	v49 =	vld.idx.msk [tilespmem:v33+s3+$0x0], $0xffff  }
0xbd: {  	v27 =	vadd.f32 v56, v27;
	v14 =	vadd.f32 v14, v62;
	v33 =	vadd.s32 v8, v50;
	v48 =	vld.idx.msk [tilespmem:v48+s3+$0x0], $0xffff  }
0xbe: {  	v37 =	vld.idx.msk [tilespmem:v60+s3+$0x0], $0xffff;
	v58 =	vadd.f32 v61, v58;
	v52 =	vadd.f32 v12, v52;
	v12 =	vand.u32 $0x400, v13  }
0xbf: {  	s26 =	simm.s32 $0x5;
	v13 =	vld.idx.msk [tilespmem:v55+s3+$0x0], $0xffff;
	v27 =	vadd.f32 v27, v53;
	v24 =	vor.u32 v12, v47  }
0xc0: {  	v47 =	vadd.f32 v51, v26;
	v51 =	vadd.s32 s26, v0;
	v14 =	vadd.f32 v14, v58;
	v36 =	vld.idx.msk [tilespmem:v36+s3+$0x0], $0xffff  }
0xc1: {  	v27 =	vadd.f32 v52, v27;
	v60 =	vld.idx.msk [tilespmem:v63+s3+$0x0], $0xffff;
	v55 =	vadd.f32 v57, v49;
	v49 =	vshll.u32 v49, $0x10  }
0xc2: {  	v54 =	vld.idx.msk [tilespmem:v54+s3+$0x0], $0xffff;
	v57 =	vshll.u32 v57, $0x10;
	v26 =	vadd.f32 v48, v14;
	v14 =	vand.u32 $0x7F, v51  }
0xc3: {  	v63 =	vshll.u32 v48, $0x10;
	v48 =	vadd.s32 v1, v50;
	v50 =	vld.idx.msk [tilespmem:v33+s3+$0x0], $0xffff;
	v33 =	vadd.s32 v2, v14  }
0xc4: {  	v49 =	vadd.f32 v57, v49;
	v27 =	vadd.f32 v63, v27  }
0xc5: {  	v53 =	vadd.s32 v3, v14;
	v58 =	vadd.s32 v4, v14;
	v62 =	vadd.s32 v5, v14  }
0xc6: {  	v56 =	vadd.f32 v37, v36;
	v61 =	vadd.f32 v13, v60;
	v36 =	vshll.u32 v36, $0x10  }
0xc7: {  	v37 =	vshll.u32 v37, $0x10;
	v60 =	vshll.u32 v60, $0x10;
	v13 =	vshll.u32 v13, $0x10  }
0xc8: {  	v36 =	vadd.f32 v37, v36;
	v37 =	vshll.u32 v50, $0x10;
	v52 =	vld.idx.msk [tilespmem:v33+s3+$0x0], $0xffff;
	v33 =	vshll.u32 v54, $0x10  }
0xc9: {  	v57 =	vadd.s32 v9, v14;
	v13 =	vadd.f32 v13, v60;
	v48 =	vld.idx.msk [tilespmem:v48+s3+$0x0], $0xffff;
	v37 =	vadd.f32 v33, v37  }
0xca: {  	v63 =	vadd.s32 v7, v14;
	v50 =	vadd.f32 v54, v50;
	v55 =	vadd.f32 v56, v55  }
0xcb: {  	v12 =	vld [tilespmem:$0x1FE90];
	v54 =	vadd.s32 v8, v14;
	v36 =	vadd.f32 v36, v49;
	v13 =	vadd.f32 v37, v13  }
0xcc: {  	v53 =	vld.idx.msk [tilespmem:v53+s3+$0x0], $0xffff;
	v33 =	vshll.u32 v59, $0x1;
	v59 =	vshll.u32 v59, $0x4;
	v50 =	vadd.f32 v50, v61  }
0xcd: {  	v58 =	vld.idx.msk [tilespmem:v58+s3+$0x0], $0xffff;
	v60 =	vand.u32 $0x7E, v33;
	v33 =	vand.u32 $0x400, v59;
	v13 =	vadd.f32 v13, v36  }
0xce: {  	v49 =	vadd.s32 v6, v14;
	v56 =	vld.idx.msk [tilespmem:v57+s3+$0x0], $0xffff;
	v57 =	vor.u32 v33, v60;
	v33 =	vshll.u32 v48, $0x10  }
0xcf: {  	v62 =	vld.idx.msk [tilespmem:v62+s3+$0x0], $0xffff;
	v36 =	vadd.f32 v50, v55;
	v10 =	vadd.f32 v33, v13  }
0xd0: {  	v63 =	vld.idx.msk [tilespmem:v63+s3+$0x0], $0xffff  }
0xd1: {  	v50 =	vld.idx.msk [tilespmem:v54+s3+$0x0], $0xffff;
	[tilespmem:$0x1FE70] =	vst v10;
	v10 =	vadd.f32 v48, v36  }
0xd2: {  	v37 =	vld [tilespmem:$0x1FFF0]  }
0xd3: {  	v13 =	vld.idx.msk [tilespmem:v49+s3+$0x0], $0xffff;
	[tilespmem:$0x1FE80] =	vst v10  }
0xd4: {  	v36 =	vld [tilespmem:$0x1FFE0];
	[tilespmem:v12+s15+$0x0] =	vst.idx.msk $0xffff, v15  }
0xd5: {  	v12 =	vld [tilespmem:$0x1FEA0];
	_ =	sdelay $0x2  }
0xd6: {  	v15 =	vld [tilespmem:$0x1FEB0];
	_ =	sdelay $0x1  }
0xd7: {  	s28 =	simm.s32 $0x4  }
0xd8: {  	v59 =	vadd.s32 s28, v0  }
0xd9: {  	v55 =	vand.u32 $0x7F, v59;
	v61 =	vadd.f32 v62, v58;
	v58 =	vshll.u32 v58, $0x10  }
0xda: {  	v62 =	vshll.u32 v62, $0x10;
	v54 =	vadd.s32 v2, v55;
	v60 =	vadd.s32 v3, v55;
	[tilespmem:v12+s15+$0x0] =	vst.idx.msk $0xffff, v15  }
0xdb: {  	v58 =	vadd.f32 v62, v58;
	v33 =	vshll.u32 v51, $0x1;
	v51 =	vshll.u32 v51, $0x4;
	v12 =	vld [tilespmem:$0x1FEC0]  }
0xdc: {  	v62 =	vand.u32 $0x7E, v33;
	v33 =	vadd.s32 v7, v55;
	v51 =	vand.u32 $0x400, v51  }
0xdd: {  	v49 =	vadd.f32 v53, v52;
	v52 =	vshll.u32 v52, $0x10;
	v53 =	vshll.u32 v53, $0x10  }
0xde: {  	v29 =	vor.u32 v37, v35;
	v16 =	vor.u32 v37, v46;
	v52 =	vadd.f32 v53, v52  }
0xdf: {  	v53 =	vadd.f32 v56, v63;
	v63 =	vshll.u32 v63, $0x10;
	v56 =	vshll.u32 v56, $0x10  }
0xe0: {  	v48 =	vadd.s32 v4, v55;
	v62 =	vor.u32 v51, v62;
	v56 =	vadd.f32 v56, v63;
	v54 =	vld.idx.msk [tilespmem:v54+s3+$0x0], $0xffff  }
0xe1: {  	v51 =	vadd.s32 v6, v55;
	v49 =	vadd.f32 v61, v49;
	v60 =	vld.idx.msk [tilespmem:v60+s3+$0x0], $0xffff;
	v52 =	vadd.f32 v58, v52  }
0xe2: {  	v63 =	vadd.f32 v13, v50;
	v50 =	vshll.u32 v50, $0x10;
	v13 =	vshll.u32 v13, $0x10  }
0xe3: {  	v13 =	vadd.f32 v13, v50;
	v50 =	vadd.s32 v5, v55;
	[tilespmem:v12+s15+$0x0] =	vst.idx.msk $0xffff, v19  }
0xe4: {  	v58 =	vadd.s32 v8, v55;
	v53 =	vadd.f32 v63, v53;
	v63 =	vadd.s32 v9, v55;
	v12 =	vld [tilespmem:$0x1FED0]  }
0xe5: {  	v48 =	vld.idx.msk [tilespmem:v48+s3+$0x0], $0xffff;
	v13 =	vadd.f32 v13, v56;
	v56 =	vor.u32 v36, v35;
	v35 =	vshll.u32 v54, $0x10  }
0xe6: {  	v53 =	vadd.f32 v53, v49;
	v49 =	vadd.f32 v60, v54;
	v54 =	vor.u32 v36, v46;
	v46 =	vld.idx.msk [tilespmem:v51+s3+$0x0], $0xffff  }
0xe7: {  	v25 =	vadd.f32 v13, v52;
	v13 =	vld.idx.msk [tilespmem:v33+s3+$0x0], $0xffff  }
0xe8: {  	v50 =	vld.idx.msk [tilespmem:v50+s3+$0x0], $0xffff  }
0xe9: {  	v61 =	vor.u32 v36, v41;
	v33 =	vor.u32 v37, v41;
	v41 =	vld.idx.msk [tilespmem:v63+s3+$0x0], $0xffff;
	[tilespmem:v20+s15+$0x0] =	vst.idx.msk $0xffff, v12  }
0xea: {  	s29 =	simm.s32 $0x3;
	v14 =	vadd.s32 v1, v14;
	v20 =	vld [tilespmem:$0x1FEE0]  }
0xeb: {  	v51 =	vadd.s32 s29, v0;
	v52 =	vshll.u32 v60, $0x10;
	v60 =	vld.idx.msk [tilespmem:v58+s3+$0x0], $0xffff  }
0xec: {  	v10 =	vor.u32 v37, v42;
	v55 =	vadd.s32 v1, v55;
	v58 =	vand.u32 $0x7F, v51  }
0xed: {  	v18 =	vadd.s32 v3, v58;
	v63 =	vadd.f32 v52, v35;
	v52 =	vor.u32 v36, v42  }
0xee: {  	v42 =	vor.u32 v36, v24;
	v22 =	vadd.f32 v50, v48;
	v48 =	vshll.u32 v48, $0x10  }
0xef: {  	v15 =	vld.idx.msk [tilespmem:v14+s3+$0x0], $0xffff;
	v35 =	vadd.f32 v41, v13;
	v13 =	vshll.u32 v13, $0x10;
	v14 =	vshll.u32 v41, $0x10  }
0xf0: {  	v12 =	vadd.f32 v46, v60;
	v60 =	vshll.u32 v60, $0x10;
	v46 =	vshll.u32 v46, $0x10  }
0xf1: {  	v50 =	vshll.u32 v50, $0x10;
	v13 =	vadd.f32 v14, v13;
	v14 =	vadd.f32 v46, v60  }
0xf2: {  	v41 =	vor.u32 v37, v24;
	v24 =	vld.idx.msk [tilespmem:v18+s3+$0x0], $0xffff;
	v18 =	vadd.f32 v22, v49;
	[tilespmem:v20+s15+$0x0] =	vst.idx.msk $0xffff, v30  }
0xf3: {  	v49 =	vor.u32 v37, v57;
	v46 =	vor.u32 v36, v57;
	v57 =	vadd.f32 v14, v13;
	v13 =	vld [tilespmem:$0x1FEF0]  }
0xf4: {  	v17 =	vadd.s32 v2, v58;
	v48 =	vadd.f32 v50, v48;
	_ =	sdelay $0x1  }
0xf5: {  	v48 =	vadd.f32 v48, v63;
	v19 =	vadd.s32 v4, v58;
	v63 =	vld [tilespmem:$0x1FF00];
	_ =	sdelay $0x1  }
0xf6: {  	v30 =	vld.idx.msk [tilespmem:v55+s3+$0x0], $0xffff  }
0xf7: {  	v55 =	vld.idx.msk [tilespmem:v17+s3+$0x0], $0xffff;
	v17 =	vadd.s32 v9, v58;
	_ =	sdelay $0x1  }
0xf8: {  	v20 =	vld.idx.msk [tilespmem:v19+s3+$0x0], $0xffff;
	[tilespmem:v13+s15+$0x0] =	vst.idx.msk $0xffff, v63  }
0xf9: {  	v19 =	vadd.f32 v12, v35;
	v13 =	vld [tilespmem:$0x1FF10];
	_ =	sdelay $0x1  }
0xfa: {  	v35 =	vshll.u32 v59, $0x4;
	v19 =	vadd.f32 v19, v18;
	v18 =	vshll.u32 v59, $0x1;
	v59 =	vld.idx.msk [tilespmem:v17+s3+$0x0], $0xffff  }
0xfb: {  	v17 =	vld [tilespmem:$0x1FF20];
	_ =	sdelay $0x2  }
0xfc: {  	v23 =	vadd.s32 v5, v58  }
0xfd: {  	v21 =	vadd.s32 v7, v58;
	v50 =	vadd.s32 v6, v58;
	v22 =	vadd.s32 v8, v58  }
0xfe: {  	v60 =	vor.u32 v37, v62;
	v14 =	vor.u32 v36, v62;
	[tilespmem:v13+s15+$0x0] =	vst.idx.msk $0xffff, v17  }
0xff: {  	v12 =	vadd.f32 v15, v53;
	v17 =	vand.u32 $0x7E, v18;
	v18 =	vand.u32 $0x400, v35;
	v63 =	vld [tilespmem:$0x1FF30]  }
0x100: {  	s30 =	simm.s32 $0x2;
	v15 =	vshll.u32 v15, $0x10;
	v35 =	vshll.u32 v30, $0x10;
	v53 =	vor.u32 v18, v17  }
0x101: {  	v18 =	vadd.f32 v15, v25;
	v25 =	vadd.f32 v57, v48;
	v48 =	vadd.s32 s30, v0  }
0x102: {  	v13 =	vld [tilespmem:$0x1FF40];
	v15 =	vadd.f32 v30, v19;
	v30 =	vadd.s32 v1, v58;
	v62 =	vand.u32 $0x7F, v48  }
0x103: {  	v23 =	vld.idx.msk [tilespmem:v23+s3+$0x0], $0xffff;
	[tilespmem:v31+s15+$0x0] =	vst.idx.msk $0xffff, v34;
	v19 =	vadd.f32 v35, v25;
	v25 =	vadd.s32 v2, v62  }
0x104: {  	v50 =	vld.idx.msk [tilespmem:v50+s3+$0x0], $0xffff;
	[tilespmem:v56+s15+$0x0] =	vst.idx.msk $0xffff, v43;
	v31 =	vadd.s32 v3, v62  }
0x105: {  	v22 =	vld.idx.msk [tilespmem:v22+s3+$0x0], $0xffff;
	[tilespmem:v32+s15+$0x0] =	vst.idx.msk $0xffff, v28;
	v32 =	vadd.s32 v4, v62  }
0x106: {  	v21 =	vld.idx.msk [tilespmem:v21+s3+$0x0], $0xffff;
	v57 =	vadd.f32 v24, v55;
	[tilespmem:v29+s15+$0x0] =	vst.idx.msk $0xffff, v38;
	v34 =	vadd.s32 v5, v62  }
0x107: {  	v35 =	vshll.u32 v55, $0x10;
	v0 =	vadd.s32 v7, v62;
	v55 =	vld.idx.msk [tilespmem:v30+s3+$0x0], $0xffff;
	[tilespmem:v63+s15+$0x0] =	vst.idx.msk $0xffff, v13  }
0x108: {  	v58 =	vadd.f32 v23, v20;
	v30 =	vadd.s32 v9, v62;
	v29 =	vld.idx.msk [tilespmem:v25+s3+$0x0], $0xffff;
	[tilespmem:$0x1FF50] =	vst v8  }
0x109: {  	v24 =	vshll.u32 v24, $0x10;
	v20 =	vshll.u32 v20, $0x10;
	v43 =	vadd.s32 v8, v62;
	[tilespmem:v61+s15+$0x0] =	vst.idx.msk $0xffff, v40;
	v31 =	vld.idx.msk [tilespmem:v31+s3+$0x0], $0xffff  }
0x10a: {  	v23 =	vshll.u32 v23, $0x10;
	v28 =	vadd.f32 v50, v22;
	v56 =	vadd.s32 v6, v62;
	v32 =	vld.idx.msk [tilespmem:v32+s3+$0x0], $0xffff;
	[tilespmem:$0x1FF60] =	vst v6  }
0x10b: {  	v23 =	vadd.f32 v23, v20;
	v20 =	vshll.u32 v22, $0x10;
	v22 =	vshll.u32 v50, $0x10;
	[tilespmem:v33+s15+$0x0] =	vst.idx.msk $0xffff, v39;
	v33 =	vld.idx.msk [tilespmem:v34+s3+$0x0], $0xffff  }
0x10c: {  	v17 =	vor.u32 v36, v53;
	v22 =	vadd.f32 v22, v20;
	v24 =	vadd.f32 v24, v35;
	v34 =	vld.idx.msk [tilespmem:v0+s3+$0x0], $0xffff  }
0x10d: {  	v25 =	vshll.u32 v59, $0x10;
	v63 =	vadd.f32 v59, v21;
	v21 =	vshll.u32 v21, $0x10;
	v38 =	vld.idx.msk [tilespmem:v30+s3+$0x0], $0xffff  }
0x10e: {  	v20 =	vor.u32 v37, v53;
	v24 =	vadd.f32 v23, v24;
	v21 =	vadd.f32 v25, v21;
	v40 =	vld.idx.msk [tilespmem:v43+s3+$0x0], $0xffff  }
0x10f: {  	v59 =	vlaneseq.u32;
	v25 =	vshll.u32 v51, $0x1;
	v61 =	vshll.u32 v51, $0x4;
	v43 =	vld.idx.msk [tilespmem:v56+s3+$0x0], $0xffff;
	[tilespmem:$0x1FF70] =	vst v1  }
0x110: {  	s31 =	simm.s32 $0x1;
	v25 =	vand.u32 $0x7E, v25;
	v6 =	vadd.f32 v28, v63;
	v21 =	vadd.f32 v22, v21;
	[tilespmem:$0x1FF80] =	vst v2  }
0x111: {  	v28 =	vadd.s32 s31, v59;
	v39 =	vand.u32 $0x400, v61;
	v0 =	vadd.f32 v58, v57;
	[tilespmem:v52+s15+$0x0] =	vst.idx.msk $0xffff, v45  }
0x112: {  	v30 =	vand.u32 $0x7F, v28;
	v61 =	vadd.s32 v1, v62;
	v22 =	vor.u32 v39, v25;
	[tilespmem:$0x1FF90] =	vst v3  }
0x113: {  	v24 =	vadd.f32 v21, v24;
	v62 =	vadd.s32 v2, v30;
	v57 =	vadd.s32 v3, v30;
	[tilespmem:$0x1FFA0] =	vst v4  }
0x114: {  	v25 =	vshll.u32 v55, $0x10;
	v56 =	vadd.s32 v4, v30;
	v53 =	vadd.s32 v5, v30;
	[tilespmem:v10+s15+$0x0] =	vst.idx.msk $0xffff, v44  }
0x115: {  	v23 =	vor.u32 v36, v22;
	v35 =	vadd.f32 v6, v0;
	v21 =	vor.u32 v37, v22;
	[tilespmem:$0x1FFB0] =	vst v5  }
0x116: {  	v63 =	vshll.u32 v48, $0x4;
	v52 =	vadd.s32 v7, v30;
	v25 =	vadd.f32 v25, v24;
	[tilespmem:v54+s15+$0x0] =	vst.idx.msk $0xffff, v47  }
0x117: {  	v24 =	vshll.u32 v48, $0x1;
	v22 =	vadd.f32 v55, v35;
	v48 =	vadd.f32 v33, v32;
	[tilespmem:$0x1FFC0] =	vst v7  }
0x118: {  	v44 =	vand.u32 $0x7E, v24;
	v50 =	vadd.f32 v38, v34;
	v51 =	vadd.f32 v43, v40;
	v24 =	vld.idx.msk [tilespmem:v61+s3+$0x0], $0xffff  }
0x119: {  	s23 =	simm.s32 $0x10;
	v45 =	vand.u32 $0x400, v63;
	v47 =	vadd.f32 v31, v29;
	v54 =	vadd.s32 v9, v30;
	v39 =	vld.idx.msk [tilespmem:v62+s3+$0x0], $0xffff;
	[tilespmem:$0x1FFD0] =	vst v9  }
.LBB2_3:
0x11a: {  	v2 =	vld [tilespmem:$0x1FF50]  }
0x11b: {  	v1 =	vld [tilespmem:$0x1FF60]  }
0x11c: {  	v55 =	vld.idx.msk [tilespmem:v57+s3+$0x0], $0xffff;
	v29 =	vshll.u32 v29, $0x10  }
0x11d: {  	v31 =	vshll.u32 v31, $0x10;
	[tilespmem:v16+s15+$0x0] =	vst.idx.msk $0xffff, v11;
	v16 =	vld.idx.msk [tilespmem:v56+s3+$0x0], $0xffff;
	v32 =	vshll.u32 v32, $0x10;
	v33 =	vshll.u32 v33, $0x10  }
0x11e: {  	[tilespmem:v42+s15+$0x0] =	vst.idx.msk $0xffff, v27;
	v27 =	vld.idx.msk [tilespmem:v53+s3+$0x0], $0xffff;
	v34 =	vshll.u32 v34, $0x10;
	v38 =	vshll.u32 v38, $0x10;
	v40 =	vshll.u32 v40, $0x10  }
0x11f: {  	v53 =	vshll.u32 v43, $0x10;
	v62 =	vor.u32 v45, v44;
	[tilespmem:v17+s15+$0x0] =	vst.idx.msk $0xffff, v19;
	v7 =	vadd.s32 v2, v30  }
0x120: {  	v56 =	vld.idx.msk [tilespmem:v54+s3+$0x0], $0xffff;
	v29 =	vadd.f32 v31, v29;
	v31 =	vadd.f32 v33, v32;
	v35 =	vadd.s32 v1, v30  }
0x121: {  	[tilespmem:v41+s15+$0x0] =	vst.idx.msk $0xffff, v26;
	v26 =	vld.idx.msk [tilespmem:v52+s3+$0x0], $0xffff;
	v58 =	vadd.f32 v38, v34;
	v61 =	vadd.f32 v53, v40  }
0x122: {  	v3 =	vld [tilespmem:$0x1FF70];
	v6 =	vor.u32 v36, v62;
	v36 =	vadd.f32 v51, v50;
	v50 =	vshll.u32 v28, $0x1;
	[tilespmem:v20+s15+$0x0] =	vst.idx.msk $0xffff, v15  }
0x123: {  	s24 =	sadd.s32 $0xF, s23;
	v28 =	vshll.u32 v28, $0x4;
	[tilespmem:v23+s15+$0x0] =	vst.idx.msk $0xffff, v25;
	v29 =	vadd.f32 v31, v29;
	v31 =	vadd.f32 v61, v58  }
0x124: {  	v45 =	vor.u32 v37, v62;
	v15 =	vand.u32 $0x400, v28;
	[tilespmem:v21+s15+$0x0] =	vst.idx.msk $0xffff, v22;
	v21 =	vadd.s32 s24, v59;
	v63 =	vld.idx.msk [tilespmem:v7+s3+$0x0], $0xffff  }
0x125: {  	v29 =	vadd.f32 v31, v29;
	v31 =	vshll.u32 v39, $0x10;
	v53 =	vadd.f32 v27, v16;
	v35 =	vld.idx.msk [tilespmem:v35+s3+$0x0], $0xffff  }
0x126: {  	[tilespmem:v14+s15+$0x0] =	vst.idx.msk $0xffff, v18;
	v14 =	vshll.u32 v55, $0x10;
	v16 =	vshll.u32 v16, $0x10;
	v18 =	vshll.u32 v27, $0x10  }
0x127: {  	v30 =	vadd.s32 v3, v30;
	v14 =	vadd.f32 v14, v31;
	v16 =	vadd.f32 v18, v16  }
0x128: {  	v11 =	vld [tilespmem:$0x1FF90];
	[tilespmem:v60+s15+$0x0] =	vst.idx.msk $0xffff, v12;
	v52 =	vadd.f32 v55, v39;
	v13 =	vshll.u32 v56, $0x10;
	v12 =	vshll.u32 v26, $0x10  }
0x129: {  	v23 =	vand.u32 $0x7F, v21;
	v12 =	vadd.f32 v13, v12;
	v14 =	vadd.f32 v16, v14  }
0x12a: {  	v54 =	vld [tilespmem:$0x1FFE0];
	v16 =	vadd.f32 v53, v52;
	v27 =	vshll.u32 v63, $0x10;
	v19 =	vshll.u32 v35, $0x10  }
0x12b: {  	v10 =	vld [tilespmem:$0x1FF80];
	v18 =	vand.u32 $0x7E, v50;
	v7 =	vadd.f32 v48, v47;
	v13 =	vadd.f32 v19, v27  }
0x12c: {  	v47 =	vshll.u32 v24, $0x10;
	v17 =	vld.idx.msk [tilespmem:v30+s3+$0x0], $0xffff;
	v20 =	vadd.f32 v35, v63;
	v19 =	vadd.f32 v56, v26  }
0x12d: {  	v55 =	vld [tilespmem:$0x1FFF0];
	v48 =	vadd.f32 v36, v7;
	v26 =	vadd.s32 v11, v23;
	v12 =	vadd.f32 v13, v12  }
0x12e: {  	v13 =	vor.u32 v15, v18;
	v18 =	vadd.f32 v20, v19;
	v20 =	vor.u32 s23, v59  }
0x12f: {  	v15 =	vor.u32 v54, v13;
	v12 =	vadd.f32 v12, v14;
	v14 =	vadd.f32 v47, v29  }
0x130: {  	v9 =	vld [tilespmem:$0x1FFA0];
	v16 =	vadd.f32 v18, v16;
	v18 =	vadd.f32 v24, v48;
	v24 =	vadd.s32 v10, v23  }
0x131: {  	v5 =	vld [tilespmem:$0x1FFC0];
	v19 =	vshll.u32 v17, $0x10;
	[tilespmem:v6+s15+$0x0] =	vst.idx.msk $0xffff, v14;
	v14 =	vadd.s32 v10, v20  }
0x132: {  	v4 =	vld [tilespmem:$0x1FFD0];
	v13 =	vor.u32 v55, v13;
	v16 =	vadd.f32 v17, v16;
	v17 =	vadd.s32 v11, v20  }
0x133: {  	v12 =	vadd.f32 v19, v12;
	v6 =	vld [tilespmem:$0x1FFB0];
	v19 =	vadd.s32 v1, v20  }
0x134: {  	v26 =	vld.idx.msk [tilespmem:v26+s3+$0x0], $0xffff;
	[tilespmem:v45+s15+$0x0] =	vst.idx.msk $0xffff, v18;
	v18 =	vadd.s32 v2, v20  }
0x135: {  	[tilespmem:v15+s15+$0x0] =	vst.idx.msk $0xffff, v12;
	v12 =	vadd.s32 v9, v20;
	v24 =	vld.idx.msk [tilespmem:v24+s3+$0x0], $0xffff  }
0x136: {  	v15 =	vadd.s32 v5, v20;
	v14 =	vld.idx.msk [tilespmem:v14+s3+$0x0], $0xffff  }
0x137: {  	[tilespmem:v13+s15+$0x0] =	vst.idx.msk $0xffff, v16;
	v16 =	vadd.s32 v4, v20;
	v17 =	vld.idx.msk [tilespmem:v17+s3+$0x0], $0xffff  }
0x138: {  	v13 =	vadd.s32 v6, v20;
	v19 =	vld.idx.msk [tilespmem:v19+s3+$0x0], $0xffff  }
0x139: {  	s31 =	sadd.s32 $0xD, s23;
	s25 =	sadd.s32 $0xC, s23;
	v8 =	vlaneseq.u32;
	v18 =	vld.idx.msk [tilespmem:v18+s3+$0x0], $0xffff  }
0x13a: {  	v25 =	vmov s23;
	v32 =	vadd.s32 s31, v59;
	v38 =	vadd.s32 s25, v59;
	v12 =	vld.idx.msk [tilespmem:v12+s3+$0x0], $0xffff  }
0x13b: {  	v28 =	vadd.s32 v9, v23;
	v57 =	vadd.s32 v5, v23;
	v31 =	vadd.s32 v6, v23;
	v15 =	vld.idx.msk [tilespmem:v15+s3+$0x0], $0xffff  }
0x13c: {  	v58 =	vadd.s32 v4, v23;
	v60 =	vadd.s32 v2, v23;
	v61 =	vadd.s32 v1, v23;
	v16 =	vld.idx.msk [tilespmem:v16+s3+$0x0], $0xffff  }
0x13d: {  	v22 =	vadd.s32 v3, v20;
	v20 =	vshll.u32 v20, $0x1;
	v23 =	vadd.s32 v3, v23;
	v13 =	vld.idx.msk [tilespmem:v13+s3+$0x0], $0xffff  }
0x13e: {  	v27 =	vadd.f32 v17, v14;
	v14 =	vshll.u32 v14, $0x10;
	v17 =	vshll.u32 v17, $0x10  }
0x13f: {  	v0 =	vld [tilespmem:$0x1FE70];
	v56 =	vadd.f32 v19, v18;
	v18 =	vshll.u32 v18, $0x10;
	v14 =	vadd.f32 v17, v14  }
0x140: {  	v17 =	vld.idx.msk [tilespmem:v31+s3+$0x0], $0xffff;
	v31 =	vadd.f32 v26, v24;
	v24 =	vshll.u32 v24, $0x10;
	v26 =	vshll.u32 v26, $0x10  }
0x141: {  	v62 =	vld [tilespmem:$0x1FFE0];
	v19 =	vshll.u32 v19, $0x10;
	v24 =	vadd.f32 v26, v24;
	v30 =	vadd.f32 v16, v15  }
0x142: {  	v28 =	vld.idx.msk [tilespmem:v28+s3+$0x0], $0xffff;
	v29 =	vadd.f32 v13, v12;
	v12 =	vshll.u32 v12, $0x10;
	v13 =	vshll.u32 v13, $0x10  }
0x143: {  	v63 =	vld [tilespmem:$0x1FFF0];
	v15 =	vshll.u32 v15, $0x10;
	v16 =	vshll.u32 v16, $0x10;
	v12 =	vadd.f32 v13, v12  }
0x144: {  	v22 =	vld.idx.msk [tilespmem:v22+s3+$0x0], $0xffff;
	v13 =	vadd.f32 v16, v15;
	v15 =	vadd.f32 v19, v18;
	v16 =	vshll.u32 v25, $0x4  }
0x145: {  	v19 =	vand.u32 $0x7E, v20;
	v25 =	vadd.f32 v56, v30;
	v20 =	vadd.f32 v29, v27  }
0x146: {  	[tilespmem:v46+s15+$0x0] =	vst.idx.msk $0xffff, v0;
	v12 =	vadd.f32 v12, v14;
	v13 =	vadd.f32 v15, v13;
	v14 =	vand.u32 $0x400, v16  }
0x147: {  	v51 =	vld [tilespmem:$0x1FE80];
	v7 =	vadd.f32 v17, v28;
	v15 =	vor.u32 v14, v19;
	v19 =	vadd.f32 v25, v20  }
0x148: {  	s30 =	sadd.s32 $0xE, s23;
	v18 =	vld.idx.msk [tilespmem:v57+s3+$0x0], $0xffff;
	v25 =	vadd.f32 v13, v12;
	v14 =	vor.u32 v62, v15;
	v0 =	vor.u32 v63, v15  }
0x149: {  	v27 =	vld.idx.msk [tilespmem:v58+s3+$0x0], $0xffff;
	v15 =	vshll.u32 v22, $0x10;
	v12 =	vadd.f32 v22, v19;
	v22 =	vadd.s32 s30, v59  }
0x14a: {  	v28 =	vshll.u32 v28, $0x10;
	v17 =	vshll.u32 v17, $0x10;
	v16 =	vld.idx.msk [tilespmem:v60+s3+$0x0], $0xffff;
	v19 =	vand.u32 $0x7F, v22  }
0x14b: {  	v29 =	vshll.u32 v21, $0x1;
	v20 =	vld.idx.msk [tilespmem:v61+s3+$0x0], $0xffff;
	v15 =	vadd.f32 v15, v25;
	v25 =	vadd.s32 v10, v19  }
0x14c: {  	v21 =	vshll.u32 v21, $0x4;
	v17 =	vadd.f32 v17, v28;
	v30 =	vadd.s32 v11, v19  }
0x14d: {  	[tilespmem:v49+s15+$0x0] =	vst.idx.msk $0xffff, v51;
	v49 =	vld [tilespmem:$0x1FFE0];
	v21 =	vand.u32 $0x400, v21;
	v28 =	vadd.f32 v7, v31;
	v43 =	vadd.s32 v9, v19  }
0x14e: {  	v52 =	vld [tilespmem:$0x1FFF0];
	v34 =	vadd.f32 v27, v18;
	v18 =	vshll.u32 v18, $0x10;
	v44 =	vadd.s32 v6, v19  }
0x14f: {  	v23 =	vld.idx.msk [tilespmem:v23+s3+$0x0], $0xffff;
	v27 =	vshll.u32 v27, $0x10;
	v45 =	vadd.s32 v5, v19;
	v46 =	vadd.s32 v4, v19  }
0x150: {  	v35 =	vadd.f32 v20, v16;
	v16 =	vshll.u32 v16, $0x10;
	v20 =	vshll.u32 v20, $0x10;
	v25 =	vld.idx.msk [tilespmem:v25+s3+$0x0], $0xffff  }
0x151: {  	v47 =	vadd.s32 v2, v19;
	v18 =	vadd.f32 v27, v18;
	v16 =	vadd.f32 v20, v16;
	v30 =	vld.idx.msk [tilespmem:v30+s3+$0x0], $0xffff  }
0x152: {  	v24 =	vadd.f32 v17, v24;
	v48 =	vadd.s32 v1, v19;
	v20 =	vand.u32 $0x7E, v29;
	v33 =	vld.idx.msk [tilespmem:v43+s3+$0x0], $0xffff  }
0x153: {  	v29 =	vadd.f32 v35, v34;
	v16 =	vadd.f32 v16, v18;
	v18 =	vor.u32 v21, v20;
	v26 =	vld.idx.msk [tilespmem:v44+s3+$0x0], $0xffff  }
0x154: {  	v51 =	vadd.s32 v3, v19;
	v19 =	vshll.u32 v23, $0x10;
	v27 =	vld.idx.msk [tilespmem:v45+s3+$0x0], $0xffff;
	v17 =	vor.u32 v49, v18  }
0x155: {  	v31 =	vld.idx.msk [tilespmem:v46+s3+$0x0], $0xffff;
	v28 =	vadd.f32 v29, v28;
	v29 =	vand.u32 $0x7F, v32;
	v18 =	vor.u32 v52, v18  }
0x156: {  	v21 =	vld.idx.msk [tilespmem:v47+s3+$0x0], $0xffff;
	v16 =	vadd.f32 v16, v24;
	v24 =	vadd.s32 v10, v29;
	v53 =	vadd.s32 v11, v29  }
0x157: {  	v50 =	vld.idx.msk [tilespmem:v48+s3+$0x0], $0xffff;
	v54 =	vadd.s32 v5, v29;
	v57 =	vadd.s32 v4, v29;
	v61 =	vadd.s32 v2, v29  }
0x158: {  	v62 =	vadd.s32 v1, v29;
	v20 =	vadd.f32 v19, v16;
	v19 =	vadd.f32 v23, v28  }
0x159: {  	v16 =	vadd.s32 v9, v29;
	v23 =	vshll.u32 v22, $0x1;
	v22 =	vshll.u32 v22, $0x4  }
0x15a: {  	v63 =	vld [tilespmem:$0x1FFE0];
	v28 =	vadd.s32 v6, v29;
	v29 =	vadd.s32 v3, v29;
	v23 =	vand.u32 $0x7E, v23  }
0x15b: {  	v35 =	vld.idx.msk [tilespmem:v51+s3+$0x0], $0xffff;
	v22 =	vand.u32 $0x400, v22;
	v55 =	vadd.f32 v30, v25;
	v56 =	vadd.f32 v26, v33  }
0x15c: {  	v51 =	vld [tilespmem:$0x1FFF0];
	v58 =	vadd.f32 v31, v27;
	v60 =	vadd.f32 v50, v21;
	v25 =	vshll.u32 v25, $0x10  }
0x15d: {  	v30 =	vshll.u32 v30, $0x10;
	v33 =	vshll.u32 v33, $0x10;
	v26 =	vshll.u32 v26, $0x10  }
0x15e: {  	v27 =	vshll.u32 v27, $0x10;
	v31 =	vshll.u32 v31, $0x10;
	v21 =	vshll.u32 v21, $0x10  }
0x15f: {  	v34 =	vshll.u32 v50, $0x10;
	v24 =	vld.idx.msk [tilespmem:v24+s3+$0x0], $0xffff;
	v25 =	vadd.f32 v30, v25;
	v26 =	vadd.f32 v26, v33  }
0x160: {  	v22 =	vor.u32 v22, v23;
	v36 =	vld.idx.msk [tilespmem:v53+s3+$0x0], $0xffff;
	v27 =	vadd.f32 v31, v27;
	v31 =	vadd.f32 v34, v21  }
0x161: {  	[tilespmem:$0x1FDB0] =	vst v0;
	v37 =	vld.idx.msk [tilespmem:v54+s3+$0x0], $0xffff;
	v0 =	vor.u32 v63, v22;
	v34 =	vshll.u32 v35, $0x10;
	v22 =	vor.u32 v51, v22  }
0x162: {  	v30 =	vld.idx.msk [tilespmem:v57+s3+$0x0], $0xffff;
	v53 =	vshll.u32 v32, $0x1;
	[tilespmem:$0x1FDC0] =	vst v0;
	v23 =	vadd.f32 v56, v55;
	v0 =	vadd.f32 v60, v58  }
0x163: {  	v33 =	vld.idx.msk [tilespmem:v61+s3+$0x0], $0xffff;
	v25 =	vadd.f32 v26, v25;
	v26 =	vadd.f32 v31, v27;
	v27 =	vand.u32 $0x7F, v38  }
0x164: {  	v7 =	vld.idx.msk [tilespmem:v62+s3+$0x0], $0xffff;
	v32 =	vshll.u32 v32, $0x4;
	v23 =	vadd.f32 v0, v23;
	v31 =	vadd.s32 v10, v27  }
0x165: {  	v52 =	vadd.s32 v11, v27;
	v55 =	vadd.s32 v6, v27;
	v58 =	vadd.s32 v5, v27  }
0x166: {  	v16 =	vld.idx.msk [tilespmem:v16+s3+$0x0], $0xffff;
	v61 =	vadd.s32 v4, v27;
	v62 =	vadd.s32 v2, v27;
	v63 =	vadd.s32 v1, v27  }
0x167: {  	v28 =	vld.idx.msk [tilespmem:v28+s3+$0x0], $0xffff;
	v25 =	vadd.f32 v26, v25;
	v26 =	vadd.s32 v9, v27;
	v23 =	vadd.f32 v35, v23  }
0x168: {  	v27 =	vadd.s32 v3, v27;
	v54 =	vadd.f32 v36, v24;
	v57 =	vadd.f32 v30, v37  }
0x169: {  	v60 =	vld.idx.msk [tilespmem:v29+s3+$0x0], $0xffff;
	v24 =	vshll.u32 v24, $0x10;
	v29 =	vadd.f32 v7, v33;
	v36 =	vshll.u32 v36, $0x10  }
0x16a: {  	v37 =	vshll.u32 v37, $0x10;
	v30 =	vshll.u32 v30, $0x10;
	v35 =	vand.u32 $0x7E, v53;
	v53 =	vld [tilespmem:$0x1FFF0]  }
0x16b: {  	v33 =	vshll.u32 v33, $0x10;
	v24 =	vadd.f32 v36, v24;
	v21 =	vadd.f32 v34, v25;
	v31 =	vld.idx.msk [tilespmem:v31+s3+$0x0], $0xffff  }
0x16c: {  	v56 =	vadd.f32 v28, v16;
	v16 =	vshll.u32 v16, $0x10;
	v28 =	vshll.u32 v28, $0x10;
	v40 =	vld.idx.msk [tilespmem:v52+s3+$0x0], $0xffff  }
0x16d: {  	s26 =	sadd.s32 $0xB, s23;
	v39 =	vshll.u32 v7, $0x10;
	v29 =	vadd.f32 v29, v57;
	v42 =	vld.idx.msk [tilespmem:v55+s3+$0x0], $0xffff;
	v16 =	vadd.f32 v28, v16  }
0x16e: {  	v36 =	vld.idx.msk [tilespmem:v58+s3+$0x0], $0xffff;
	v28 =	vadd.f32 v30, v37;
	v30 =	vadd.f32 v39, v33;
	v37 =	vadd.s32 s26, v59  }
0x16f: {  	v33 =	vld.idx.msk [tilespmem:v61+s3+$0x0], $0xffff;
	v0 =	vadd.f32 v56, v54;
	v34 =	vand.u32 $0x7F, v37;
	v16 =	vadd.f32 v16, v24  }
0x170: {  	v52 =	vld [tilespmem:$0x1FFE0];
	v24 =	vadd.f32 v30, v28;
	v28 =	vand.u32 $0x400, v32;
	v55 =	vadd.s32 v11, v34  }
0x171: {  	v39 =	vld.idx.msk [tilespmem:v62+s3+$0x0], $0xffff;
	v57 =	vadd.s32 v9, v34;
	v61 =	vadd.s32 v6, v34;
	v62 =	vadd.s32 v5, v34  }
0x172: {  	v7 =	vld.idx.msk [tilespmem:v63+s3+$0x0], $0xffff;
	v63 =	vadd.s32 v4, v34;
	v30 =	vor.u32 v28, v35;
	v51 =	vadd.f32 v29, v0  }
0x173: {  	v26 =	vld.idx.msk [tilespmem:v26+s3+$0x0], $0xffff;
	v35 =	vshll.u32 v38, $0x1;
	v38 =	vshll.u32 v38, $0x4;
	v16 =	vadd.f32 v24, v16  }
0x174: {  	v35 =	vand.u32 $0x7E, v35;
	v38 =	vand.u32 $0x400, v38;
	v54 =	vadd.f32 v60, v51  }
0x175: {  	v0 =	vor.u32 v52, v30;
	v43 =	vadd.f32 v40, v31;
	v58 =	vadd.f32 v33, v36  }
0x176: {  	v31 =	vshll.u32 v31, $0x10;
	v40 =	vshll.u32 v40, $0x10;
	v36 =	vshll.u32 v36, $0x10  }
0x177: {  	v27 =	vld.idx.msk [tilespmem:v27+s3+$0x0], $0xffff;
	v33 =	vshll.u32 v33, $0x10;
	v32 =	vshll.u32 v7, $0x10;
	[tilespmem:$0x1FDD0] =	vst v0;
	v0 =	vor.u32 v53, v30  }
0x178: {  	v30 =	vshll.u32 v60, $0x10;
	v56 =	vadd.f32 v42, v26;
	v60 =	vadd.f32 v7, v39;
	v41 =	vld.idx.msk [tilespmem:v55+s3+$0x0], $0xffff  }
0x179: {  	v26 =	vshll.u32 v26, $0x10;
	v42 =	vshll.u32 v42, $0x10;
	v7 =	vadd.s32 v1, v34;
	v45 =	vld.idx.msk [tilespmem:v57+s3+$0x0], $0xffff  }
0x17a: {  	v39 =	vshll.u32 v39, $0x10;
	v31 =	vadd.f32 v40, v31;
	v33 =	vadd.f32 v33, v36;
	[tilespmem:$0x1FDE0] =	vst v0;
	v40 =	vld.idx.msk [tilespmem:v61+s3+$0x0], $0xffff  }
0x17b: {  	v28 =	vadd.f32 v30, v16;
	v16 =	vadd.s32 v10, v34;
	v0 =	vadd.s32 v2, v34;
	v36 =	vld.idx.msk [tilespmem:v62+s3+$0x0], $0xffff  }
0x17c: {  	v26 =	vadd.f32 v42, v26;
	v32 =	vadd.f32 v32, v39;
	v57 =	vld [tilespmem:$0x1FFE0];
	v61 =	vshll.u32 v27, $0x10  }
0x17d: {  	s28 =	sadd.s32 $0xA, s23;
	[tilespmem:$0x1FDF0] =	vst v54;
	v62 =	vld [tilespmem:$0x1FFF0];
	v54 =	vadd.f32 v56, v43;
	v55 =	vadd.f32 v60, v58;
	v56 =	vor.u32 v38, v35  }
0x17e: {  	v35 =	vadd.s32 s28, v59;
	v58 =	vadd.s32 v3, v34;
	v26 =	vadd.f32 v26, v31  }
0x17f: {  	v32 =	vadd.f32 v32, v33;
	v42 =	vand.u32 $0x7F, v35;
	v39 =	vadd.f32 v55, v54  }
0x180: {  	v43 =	vld.idx.msk [tilespmem:v63+s3+$0x0], $0xffff;
	v60 =	vadd.s32 v10, v42;
	v63 =	vadd.s32 v11, v42;
	v49 =	vadd.s32 v5, v42  }
0x181: {  	v44 =	vld.idx.msk [tilespmem:v7+s3+$0x0], $0xffff;
	v26 =	vadd.f32 v32, v26;
	v7 =	vadd.s32 v4, v42;
	v30 =	vor.u32 v57, v56  }
0x182: {  	v16 =	vld.idx.msk [tilespmem:v16+s3+$0x0], $0xffff;
	v25 =	vor.u32 v62, v56;
	v33 =	vadd.f32 v27, v39;
	v27 =	vshll.u32 v37, $0x1  }
0x183: {  	v38 =	vld.idx.msk [tilespmem:v0+s3+$0x0], $0xffff;
	v37 =	vshll.u32 v37, $0x4;
	v0 =	vadd.s32 v6, v42;
	v51 =	vadd.f32 v40, v45  }
0x184: {  	v52 =	vld [tilespmem:$0x1FFE0];
	v62 =	vadd.s32 v2, v42;
	v45 =	vshll.u32 v45, $0x10;
	v40 =	vshll.u32 v40, $0x10  }
0x185: {  	v34 =	vadd.f32 v61, v26;
	v27 =	vand.u32 $0x7E, v27;
	v37 =	vand.u32 $0x400, v37;
	v46 =	vld.idx.msk [tilespmem:v58+s3+$0x0], $0xffff  }
0x186: {  	v26 =	vadd.s32 v9, v42;
	v40 =	vadd.f32 v40, v45;
	v27 =	vor.u32 v37, v27;
	v47 =	vld.idx.msk [tilespmem:v60+s3+$0x0], $0xffff  }
0x187: {  	v60 =	vadd.f32 v43, v36;
	v48 =	vld.idx.msk [tilespmem:v63+s3+$0x0], $0xffff;
	v63 =	vadd.s32 v1, v42;
	v36 =	vshll.u32 v36, $0x10  }
0x188: {  	v42 =	vadd.s32 v3, v42;
	v50 =	vadd.f32 v41, v16;
	v61 =	vadd.f32 v44, v38;
	v57 =	vld.idx.msk [tilespmem:v0+s3+$0x0], $0xffff  }
0x189: {  	v16 =	vshll.u32 v16, $0x10;
	v41 =	vshll.u32 v41, $0x10;
	v0 =	vshll.u32 v43, $0x10;
	v43 =	vld.idx.msk [tilespmem:v49+s3+$0x0], $0xffff  }
0x18a: {  	s29 =	sadd.s32 $0x9, s23;
	v38 =	vshll.u32 v38, $0x10;
	v44 =	vshll.u32 v44, $0x10;
	v37 =	vld.idx.msk [tilespmem:v62+s3+$0x0], $0xffff;
	v16 =	vadd.f32 v41, v16  }
0x18b: {  	v49 =	vadd.s32 s29, v59;
	v41 =	vld.idx.msk [tilespmem:v7+s3+$0x0], $0xffff;
	v36 =	vadd.f32 v0, v36;
	v7 =	vadd.f32 v44, v38  }
0x18c: {  	v62 =	vld [tilespmem:$0x1FFF0];
	v0 =	vor.u32 v52, v27;
	v45 =	vshll.u32 v46, $0x10;
	v55 =	vadd.f32 v51, v50  }
0x18d: {  	v58 =	vadd.f32 v61, v60;
	v51 =	vand.u32 $0x7F, v49;
	v16 =	vadd.f32 v40, v16  }
0x18e: {  	v26 =	vld.idx.msk [tilespmem:v26+s3+$0x0], $0xffff;
	v36 =	vadd.f32 v7, v36;
	v61 =	vadd.s32 v10, v51;
	v52 =	vadd.f32 v48, v47  }
0x18f: {  	v53 =	vadd.s32 v6, v51;
	v56 =	vadd.s32 v5, v51;
	v47 =	vshll.u32 v47, $0x10  }
0x190: {  	v48 =	vshll.u32 v48, $0x10;
	v7 =	vadd.s32 v2, v51;
	v38 =	vadd.s32 v3, v51  }
0x191: {  	[tilespmem:$0x1FE00] =	vst v0;
	v60 =	vadd.f32 v58, v55;
	v47 =	vadd.f32 v48, v47;
	v0 =	vor.u32 v62, v27  }
0x192: {  	v50 =	vld.idx.msk [tilespmem:v63+s3+$0x0], $0xffff;
	v27 =	vadd.s32 v11, v51;
	v16 =	vadd.f32 v36, v16;
	v36 =	vadd.s32 v9, v51  }
0x193: {  	v63 =	vadd.f32 v46, v60;
	v46 =	vshll.u32 v35, $0x1;
	v54 =	vadd.f32 v57, v26  }
0x194: {  	[tilespmem:$0x1FE10] =	vst v0;
	v55 =	vadd.f32 v41, v43;
	v0 =	vadd.s32 v4, v51;
	v26 =	vshll.u32 v26, $0x10  }
0x195: {  	v42 =	vld.idx.msk [tilespmem:v42+s3+$0x0], $0xffff;
	v57 =	vshll.u32 v57, $0x10;
	v43 =	vshll.u32 v43, $0x10;
	v41 =	vshll.u32 v41, $0x10  }
0x196: {  	v62 =	vld [tilespmem:$0x1FFE0];
	v35 =	vshll.u32 v35, $0x4;
	v26 =	vadd.f32 v57, v26;
	v41 =	vadd.f32 v41, v43  }
0x197: {  	v58 =	vadd.f32 v50, v37;
	v59 =	vld.idx.msk [tilespmem:v61+s3+$0x0], $0xffff;
	v37 =	vshll.u32 v37, $0x10;
	v50 =	vshll.u32 v50, $0x10  }
0x198: {  	v48 =	vand.u32 $0x7E, v46;
	v29 =	vadd.f32 v45, v16;
	[tilespmem:$0x1FE20] =	vst v63;
	v63 =	vld [tilespmem:$0x1FFF0];
	v37 =	vadd.f32 v50, v37  }
0x199: {  	v35 =	vand.u32 $0x400, v35;
	v53 =	vld.idx.msk [tilespmem:v53+s3+$0x0], $0xffff;
	v57 =	vadd.f32 v54, v52;
	v58 =	vadd.f32 v58, v55  }
0x19a: {  	v46 =	vshll.u32 v49, $0x4;
	v26 =	vadd.f32 v26, v47;
	v27 =	vld.idx.msk [tilespmem:v27+s3+$0x0], $0xffff;
	v37 =	vadd.f32 v37, v41  }
0x19b: {  	v61 =	vadd.s32 v1, v51;
	v35 =	vor.u32 v35, v48;
	v36 =	vld.idx.msk [tilespmem:v36+s3+$0x0], $0xffff;
	v44 =	vadd.f32 v58, v57  }
0x19c: {  	v52 =	vld.idx.msk [tilespmem:v7+s3+$0x0], $0xffff;
	v7 =	vshll.u32 v42, $0x10;
	v43 =	vor.u32 v62, v35;
	v16 =	vadd.f32 v37, v26  }
0x19d: {  	s30 =	sadd.s32 $0x8, s23;
	v50 =	vld.idx.msk [tilespmem:v0+s3+$0x0], $0xffff;
	v0 =	vor.u32 v63, v35;
	v35 =	vshll.u32 v49, $0x1;
	v37 =	vadd.f32 v42, v44  }
0x19e: {  	v56 =	vld.idx.msk [tilespmem:v56+s3+$0x0], $0xffff;
	v46 =	vand.u32 $0x400, v46;
	v26 =	vadd.s32 s30, v8;
	v35 =	vand.u32 $0x7E, v35  }
0x19f: {  	v40 =	vadd.f32 v7, v16;
	v51 =	vadd.f32 v27, v59;
	[tilespmem:$0x1FE40] =	vst v37;
	v37 =	vand.u32 $0x7F, v26  }
0x1a0: {  	v41 =	vld.idx.msk [tilespmem:v61+s3+$0x0], $0xffff;
	v54 =	vadd.f32 v53, v36;
	v59 =	vshll.u32 v59, $0x10;
	v16 =	vadd.s32 v10, v37  }
0x1a1: {  	v27 =	vshll.u32 v27, $0x10;
	v36 =	vshll.u32 v36, $0x10;
	v49 =	vadd.s32 v11, v37  }
0x1a2: {  	[tilespmem:$0x1FE30] =	vst v0;
	v53 =	vshll.u32 v53, $0x10;
	v35 =	vor.u32 v46, v35;
	v0 =	vadd.s32 v9, v37  }
0x1a3: {  	v48 =	vld [tilespmem:$0x1FFE0];
	v57 =	vadd.f32 v50, v56;
	v56 =	vshll.u32 v56, $0x10;
	v7 =	vadd.s32 v6, v37  }
0x1a4: {  	v42 =	vld.idx.msk [tilespmem:v38+s3+$0x0], $0xffff;
	v50 =	vshll.u32 v50, $0x10;
	v27 =	vadd.f32 v27, v59;
	v63 =	vadd.s32 v2, v37  }
0x1a5: {  	v58 =	vadd.f32 v41, v52;
	v52 =	vshll.u32 v52, $0x10;
	v41 =	vshll.u32 v41, $0x10;
	v16 =	vld.idx.msk [tilespmem:v16+s3+$0x0], $0xffff  }
0x1a6: {  	v45 =	vadd.s32 v5, v37;
	v50 =	vadd.f32 v50, v56;
	v41 =	vadd.f32 v41, v52;
	v49 =	vld.idx.msk [tilespmem:v49+s3+$0x0], $0xffff  }
0x1a7: {  	s31 =	sadd.s32 $0x7, s23;
	v36 =	vadd.f32 v53, v36;
	v62 =	vadd.s32 v4, v37;
	v51 =	vadd.f32 v54, v51;
	v55 =	vld.idx.msk [tilespmem:v0+s3+$0x0], $0xffff  }
0x1a8: {  	v0 =	vadd.s32 v1, v37;
	v59 =	vld.idx.msk [tilespmem:v7+s3+$0x0], $0xffff;
	v7 =	vadd.f32 v41, v50;
	v41 =	vadd.s32 s31, v8  }
0x1a9: {  	v61 =	vadd.f32 v58, v57;
	v46 =	vld.idx.msk [tilespmem:v63+s3+$0x0], $0xffff;
	v37 =	vadd.s32 v3, v37;
	v57 =	vand.u32 $0x7F, v41  }
0x1aa: {  	v38 =	vshll.u32 v26, $0x1;
	v27 =	vadd.f32 v36, v27;
	v63 =	vld [tilespmem:$0x1FFF0];
	v50 =	vadd.s32 v10, v57  }
0x1ab: {  	v13 =	vmovc v1;
	v26 =	vshll.u32 v26, $0x4;
	v56 =	vld.idx.msk [tilespmem:v45+s3+$0x0], $0xffff;
	v52 =	vadd.f32 v61, v51;
	v45 =	vadd.s32 v6, v57  }
0x1ac: {  	v32 =	vmovc v2;
	v54 =	vld.idx.msk [tilespmem:v62+s3+$0x0], $0xffff;
	v1 =	vor.u32 v48, v35;
	v62 =	vshll.u32 v42, $0x10;
	v27 =	vadd.f32 v7, v27  }
0x1ad: {  	v39 =	vmovc v3;
	v52 =	vadd.f32 v42, v52;
	v42 =	vand.u32 $0x7E, v38;
	v38 =	vadd.s32 v13, v57;
	v0 =	vld.idx.msk [tilespmem:v0+s3+$0x0], $0xffff  }
0x1ae: {  	v26 =	vand.u32 $0x400, v26;
	[tilespmem:$0x1FE50] =	vst v1;
	v7 =	vadd.s32 v11, v57;
	v3 =	vadd.s32 v32, v57;
	v37 =	vld.idx.msk [tilespmem:v37+s3+$0x0], $0xffff  }
0x1af: {  	v53 =	vadd.f32 v62, v27;
	v27 =	vadd.s32 v9, v57;
	v1 =	vor.u32 v63, v35;
	v36 =	vld.idx.msk [tilespmem:v50+s3+$0x0], $0xffff  }
0x1b0: {  	v62 =	vadd.f32 v59, v55;
	v55 =	vshll.u32 v55, $0x10;
	v59 =	vshll.u32 v59, $0x10;
	v58 =	vld.idx.msk [tilespmem:v45+s3+$0x0], $0xffff  }
0x1b1: {  	v61 =	vadd.f32 v49, v16;
	v63 =	vadd.s32 v4, v57;
	v45 =	vadd.f32 v59, v55;
	v59 =	vld [tilespmem:$0x1FFE0]  }
0x1b2: {  	v16 =	vshll.u32 v16, $0x10;
	v49 =	vshll.u32 v49, $0x10;
	[tilespmem:$0x1FE60] =	vst v1;
	v1 =	vadd.f32 v54, v56;
	v50 =	vmovc v4;
	v4 =	vld.idx.msk [tilespmem:v38+s3+$0x0], $0xffff  }
0x1b3: {  	v47 =	vmovc v5;
	v56 =	vshll.u32 v56, $0x10;
	v54 =	vshll.u32 v54, $0x10;
	v16 =	vadd.f32 v49, v16;
	v38 =	vld [tilespmem:$0x1FFF0]  }
0x1b4: {  	v60 =	vadd.s32 v5, v57;
	v5 =	vadd.s32 v39, v57;
	v35 =	vld.idx.msk [tilespmem:v7+s3+$0x0], $0xffff;
	v56 =	vadd.f32 v54, v56  }
0x1b5: {  	v26 =	vor.u32 v26, v42;
	v3 =	vld.idx.msk [tilespmem:v3+s3+$0x0], $0xffff;
	v16 =	vadd.f32 v45, v16;
	v2 =	vadd.f32 v0, v46  }
0x1b6: {  	v46 =	vshll.u32 v46, $0x10;
	v0 =	vshll.u32 v0, $0x10;
	v55 =	vld.idx.msk [tilespmem:v63+s3+$0x0], $0xffff;
	v63 =	vadd.f32 v62, v61  }
0x1b7: {  	s25 =	sadd.s32 $0x6, s23;
	v57 =	vshll.u32 v37, $0x10;
	v0 =	vadd.f32 v0, v46;
	v54 =	vor.u32 v59, v26  }
0x1b8: {  	v27 =	vld.idx.msk [tilespmem:v27+s3+$0x0], $0xffff;
	v1 =	vadd.f32 v2, v1;
	v2 =	vadd.s32 s25, v8;
	v51 =	vor.u32 v38, v26  }
0x1b9: {  	v59 =	vadd.f32 v35, v36;
	v36 =	vshll.u32 v36, $0x10;
	v35 =	vshll.u32 v35, $0x10  }
0x1ba: {  	v60 =	vld.idx.msk [tilespmem:v60+s3+$0x0], $0xffff;
	v46 =	vadd.f32 v0, v56;
	v49 =	vand.u32 $0x7F, v2;
	v0 =	vadd.f32 v4, v3  }
0x1bb: {  	v3 =	vshll.u32 v3, $0x10;
	v4 =	vshll.u32 v4, $0x10;
	v35 =	vadd.f32 v35, v36  }
0x1bc: {  	v1 =	vadd.f32 v1, v63;
	v7 =	vadd.s32 v10, v49;
	v45 =	vadd.s32 v6, v49  }
0x1bd: {  	v56 =	vld.idx.msk [tilespmem:v5+s3+$0x0], $0xffff;
	v26 =	vadd.s32 v11, v49;
	v62 =	vadd.f32 v58, v27;
	v5 =	vadd.s32 v50, v49  }
0x1be: {  	v44 =	vmovc v6;
	v27 =	vshll.u32 v27, $0x10;
	v6 =	vadd.s32 v32, v49;
	v3 =	vadd.f32 v4, v3  }
0x1bf: {  	v58 =	vshll.u32 v58, $0x10;
	v46 =	vadd.f32 v46, v16;
	v63 =	vadd.f32 v55, v60  }
0x1c0: {  	v16 =	vadd.s32 v47, v49;
	v27 =	vadd.f32 v58, v27;
	v58 =	vadd.f32 v62, v59;
	v62 =	vld [tilespmem:$0x1FFF0]  }
0x1c1: {  	v60 =	vshll.u32 v60, $0x10;
	v55 =	vshll.u32 v55, $0x10;
	v48 =	vadd.f32 v37, v1;
	v61 =	vld.idx.msk [tilespmem:v45+s3+$0x0], $0xffff  }
0x1c2: {  	v1 =	vadd.s32 v9, v49;
	v37 =	vshll.u32 v41, $0x1;
	v45 =	vadd.f32 v55, v60;
	v60 =	vld [tilespmem:$0x1FFE0]  }
0x1c3: {  	v37 =	vand.u32 $0x7E, v37;
	v0 =	vadd.f32 v0, v63;
	v27 =	vadd.f32 v27, v35  }
0x1c4: {  	v63 =	vshll.u32 v56, $0x10;
	v42 =	vld.idx.msk [tilespmem:v7+s3+$0x0], $0xffff;
	v7 =	vadd.s32 v13, v49;
	v55 =	vshll.u32 v41, $0x4  }
0x1c5: {  	v26 =	vld.idx.msk [tilespmem:v26+s3+$0x0], $0xffff;
	v59 =	vadd.f32 v0, v58;
	v4 =	vand.u32 $0x400, v55;
	v55 =	vadd.f32 v57, v46  }
0x1c6: {  	s26 =	sadd.s32 $0x5, s23;
	v5 =	vld.idx.msk [tilespmem:v5+s3+$0x0], $0xffff;
	v46 =	vshll.u32 v2, $0x1;
	v2 =	vshll.u32 v2, $0x4;
	v4 =	vor.u32 v4, v37  }
0x1c7: {  	v6 =	vld.idx.msk [tilespmem:v6+s3+$0x0], $0xffff;
	v31 =	vor.u32 v62, v4;
	v24 =	vor.u32 v60, v4;
	v4 =	vadd.s32 s26, v8  }
0x1c8: {  	v16 =	vld.idx.msk [tilespmem:v16+s3+$0x0], $0xffff;
	v3 =	vadd.f32 v3, v45;
	v37 =	vadd.s32 v39, v49;
	v35 =	vand.u32 $0x7F, v4  }
0x1c9: {  	v1 =	vld.idx.msk [tilespmem:v1+s3+$0x0], $0xffff;
	v45 =	vadd.f32 v56, v59;
	v46 =	vand.u32 $0x7E, v46;
	v36 =	vadd.s32 v10, v35  }
0x1ca: {  	v27 =	vadd.f32 v3, v27;
	v7 =	vld.idx.msk [tilespmem:v7+s3+$0x0], $0xffff;
	v56 =	vadd.f32 v26, v42;
	v49 =	vadd.s32 v11, v35  }
0x1cb: {  	v42 =	vshll.u32 v42, $0x10;
	v26 =	vshll.u32 v26, $0x10;
	v62 =	vadd.s32 v44, v35  }
0x1cc: {  	v0 =	vshll.u32 v61, $0x10;
	v38 =	vadd.f32 v63, v27;
	v63 =	vadd.s32 v47, v35  }
0x1cd: {  	v59 =	vadd.f32 v5, v16;
	v16 =	vshll.u32 v16, $0x10;
	v5 =	vshll.u32 v5, $0x10;
	v3 =	vld.idx.msk [tilespmem:v37+s3+$0x0], $0xffff  }
0x1ce: {  	v26 =	vadd.f32 v26, v42;
	v57 =	vadd.f32 v61, v1;
	v41 =	vadd.s32 v13, v35;
	v61 =	vld.idx.msk [tilespmem:v36+s3+$0x0], $0xffff  }
0x1cf: {  	v1 =	vshll.u32 v1, $0x10;
	v5 =	vadd.f32 v5, v16;
	v60 =	vadd.f32 v7, v6;
	v27 =	vld.idx.msk [tilespmem:v49+s3+$0x0], $0xffff  }
0x1d0: {  	v6 =	vshll.u32 v6, $0x10;
	v7 =	vshll.u32 v7, $0x10;
	v36 =	vadd.s32 v50, v35;
	v42 =	vld.idx.msk [tilespmem:v62+s3+$0x0], $0xffff  }
0x1d1: {  	v1 =	vadd.f32 v0, v1;
	v6 =	vadd.f32 v7, v6;
	v49 =	vadd.s32 v32, v35;
	v16 =	vld.idx.msk [tilespmem:v63+s3+$0x0], $0xffff  }
0x1d2: {  	v2 =	vand.u32 $0x400, v2;
	v62 =	vadd.f32 v57, v56;
	v63 =	vadd.f32 v60, v59;
	v60 =	vld [tilespmem:$0x1FFE0]  }
0x1d3: {  	s28 =	sadd.s32 $0x4, s23;
	v2 =	vor.u32 v2, v46;
	v1 =	vadd.f32 v1, v26;
	v41 =	vld.idx.msk [tilespmem:v41+s3+$0x0], $0xffff  }
0x1d4: {  	v5 =	vadd.f32 v6, v5;
	v6 =	vadd.s32 s28, v8;
	v26 =	vadd.f32 v63, v62;
	v63 =	vld [tilespmem:$0x1FFF0]  }
0x1d5: {  	v58 =	vadd.s32 v9, v35;
	v56 =	vand.u32 $0x7F, v6;
	v62 =	vshll.u32 v3, $0x10;
	v57 =	vld.idx.msk [tilespmem:v36+s3+$0x0], $0xffff  }
0x1d6: {  	v1 =	vadd.f32 v5, v1;
	v5 =	vadd.s32 v10, v56;
	v59 =	vadd.f32 v3, v26;
	v7 =	vld.idx.msk [tilespmem:v49+s3+$0x0], $0xffff  }
0x1d7: {  	v26 =	vadd.s32 v44, v56;
	v46 =	vor.u32 v60, v2;
	v60 =	vshll.u32 v4, $0x1  }
0x1d8: {  	v37 =	vadd.f32 v62, v1;
	v1 =	vadd.s32 v9, v56;
	v3 =	vand.u32 $0x7E, v60  }
0x1d9: {  	[tilespmem:v14+s15+$0x0] =	vst.idx.msk $0xffff, v15;
	v60 =	vadd.f32 v27, v61;
	v61 =	vshll.u32 v61, $0x10;
	v27 =	vshll.u32 v27, $0x10  }
0x1da: {  	v58 =	vld.idx.msk [tilespmem:v58+s3+$0x0], $0xffff;
	v14 =	vshll.u32 v16, $0x10;
	v49 =	vor.u32 v63, v2;
	v27 =	vadd.f32 v27, v61  }
0x1db: {  	v2 =	vadd.s32 v11, v56;
	[tilespmem:$0x1FE70] =	vst v37;
	v61 =	vld [tilespmem:$0x1FFE0];
	v36 =	vadd.f32 v57, v16;
	v37 =	vadd.f32 v41, v7  }
0x1dc: {  	v5 =	vld.idx.msk [tilespmem:v5+s3+$0x0], $0xffff;
	v16 =	vshll.u32 v57, $0x10;
	v7 =	vshll.u32 v7, $0x10;
	v41 =	vshll.u32 v41, $0x10  }
0x1dd: {  	v35 =	vadd.s32 v39, v35;
	v15 =	vld.idx.msk [tilespmem:v26+s3+$0x0], $0xffff;
	v16 =	vadd.f32 v16, v14;
	v7 =	vadd.f32 v41, v7  }
0x1de: {  	v4 =	vshll.u32 v4, $0x4;
	v63 =	vadd.s32 v50, v56;
	v1 =	vld.idx.msk [tilespmem:v1+s3+$0x0], $0xffff  }
0x1df: {  	[tilespmem:$0x1FE80] =	vst v59;
	v4 =	vand.u32 $0x400, v4;
	v59 =	vadd.s32 v47, v56;
	v7 =	vadd.f32 v7, v16;
	v16 =	vld [tilespmem:$0x1FDB0]  }
0x1e0: {  	v0 =	vadd.s32 v32, v56;
	v62 =	vadd.f32 v42, v58;
	v3 =	vor.u32 v4, v3;
	v2 =	vld.idx.msk [tilespmem:v2+s3+$0x0], $0xffff  }
0x1e1: {  	[tilespmem:v17+s15+$0x0] =	vst.idx.msk $0xffff, v20;
	v58 =	vshll.u32 v58, $0x10;
	v42 =	vshll.u32 v42, $0x10;
	v14 =	vor.u32 v61, v3;
	v61 =	vld [tilespmem:$0x1FDC0]  }
0x1e2: {  	v17 =	vshll.u32 v6, $0x1;
	v8 =	vadd.s32 v13, v56;
	v35 =	vld.idx.msk [tilespmem:v35+s3+$0x0], $0xffff;
	v42 =	vadd.f32 v42, v58  }
0x1e3: {  	v58 =	vadd.s32 v39, v56;
	v57 =	vld.idx.msk [tilespmem:v63+s3+$0x0], $0xffff;
	v63 =	vadd.f32 v62, v60;
	v36 =	vadd.f32 v37, v36  }
0x1e4: {  	[tilespmem:v18+s15+$0x0] =	vst.idx.msk $0xffff, v19;
	s29 =	sadd.s32 $0x3, s23;
	v6 =	vshll.u32 v6, $0x4;
	v17 =	vand.u32 $0x7E, v17;
	v26 =	vld.idx.msk [tilespmem:v59+s3+$0x0], $0xffff;
	v59 =	vlaneseq.u32  }
0x1e5: {  	v0 =	vld.idx.msk [tilespmem:v0+s3+$0x0], $0xffff;
	v37 =	vadd.s32 s29, v59;
	v4 =	vadd.f32 v36, v63;
	v19 =	vadd.f32 v15, v1  }
0x1e6: {  	v62 =	vld [tilespmem:$0x1FDD0];
	v1 =	vshll.u32 v1, $0x10;
	v15 =	vshll.u32 v15, $0x10;
	v20 =	vadd.f32 v2, v5  }
0x1e7: {  	v8 =	vld.idx.msk [tilespmem:v8+s3+$0x0], $0xffff;
	v5 =	vshll.u32 v5, $0x10;
	v2 =	vshll.u32 v2, $0x10;
	[tilespmem:v16+s15+$0x0] =	vst.idx.msk $0xffff, v12;
	v16 =	vand.u32 $0x7F, v37  }
0x1e8: {  	v41 =	vld.idx.msk [tilespmem:v58+s3+$0x0], $0xffff;
	v1 =	vadd.f32 v15, v1;
	v2 =	vadd.f32 v2, v5;
	v36 =	vadd.s32 v10, v16  }
0x1e9: {  	v27 =	vadd.f32 v42, v27;
	v63 =	vand.u32 $0x400, v6;
	[tilespmem:v61+s15+$0x0] =	vst.idx.msk $0xffff, v21;
	v61 =	vld [tilespmem:$0x1FE00];
	v18 =	vadd.s32 v44, v16  }
0x1ea: {  	v1 =	vadd.f32 v1, v2;
	v2 =	vor.u32 v63, v17;
	v63 =	vld [tilespmem:$0x1FE20];
	v58 =	vadd.s32 v50, v16  }
0x1eb: {  	v7 =	vadd.f32 v7, v27;
	v12 =	vld [tilespmem:$0x1FFF0];
	v21 =	vadd.s32 v32, v16  }
0x1ec: {  	v27 =	vadd.f32 v57, v26;
	[tilespmem:v22+s15+$0x0] =	vst.idx.msk $0xffff, v23;
	v23 =	vshll.u32 v57, $0x10;
	v57 =	vld [tilespmem:$0x1FDE0];
	v22 =	vadd.s32 v13, v16  }
0x1ed: {  	v56 =	vadd.f32 v8, v0;
	v36 =	vld.idx.msk [tilespmem:v36+s3+$0x0], $0xffff  }
0x1ee: {  	v0 =	vshll.u32 v0, $0x10;
	v8 =	vshll.u32 v8, $0x10;
	v26 =	vshll.u32 v26, $0x10;
	[tilespmem:v62+s15+$0x0] =	vst.idx.msk $0xffff, v28;
	v28 =	vld.idx.msk [tilespmem:v18+s3+$0x0], $0xffff  }
0x1ef: {  	v42 =	vshll.u32 v35, $0x10;
	v0 =	vadd.f32 v8, v0;
	v15 =	vadd.f32 v23, v26;
	v8 =	vld.idx.msk [tilespmem:v58+s3+$0x0], $0xffff  }
0x1f0: {  	v60 =	vor.u32 v12, v3;
	v3 =	vadd.s32 v11, v16;
	v12 =	vadd.f32 v35, v4;
	v21 =	vld.idx.msk [tilespmem:v21+s3+$0x0], $0xffff  }
0x1f1: {  	v35 =	vadd.s32 v47, v16;
	v18 =	vadd.f32 v19, v20;
	v19 =	vadd.f32 v56, v27;
	v6 =	vld.idx.msk [tilespmem:v22+s3+$0x0], $0xffff  }
0x1f2: {  	v0 =	vadd.f32 v0, v15;
	[tilespmem:v61+s15+$0x0] =	vst.idx.msk $0xffff, v29;
	v29 =	vld [tilespmem:$0x1FE10]  }
0x1f3: {  	v4 =	vadd.s32 v9, v16;
	v15 =	vadd.f32 v19, v18;
	v18 =	vadd.f32 v42, v7;
	v7 =	vld [tilespmem:$0x1FFE0]  }
0x1f4: {  	v16 =	vadd.s32 v39, v16;
	v19 =	vld [tilespmem:$0x1FDF0]  }
0x1f5: {  	s30 =	sadd.s32 $0x2, s23;
	v3 =	vld.idx.msk [tilespmem:v3+s3+$0x0], $0xffff  }
0x1f6: {  	v0 =	vadd.f32 v0, v1;
	v1 =	vadd.s32 s30, v59;
	v5 =	vld.idx.msk [tilespmem:v35+s3+$0x0], $0xffff  }
0x1f7: {  	[tilespmem:v30+s15+$0x0] =	vst.idx.msk $0xffff, v34;
	v56 =	vshll.u32 v41, $0x10;
	v22 =	vshll.u32 v37, $0x4;
	v35 =	vld [tilespmem:$0x1FFF0];
	v15 =	vadd.f32 v41, v15  }
0x1f8: {  	v4 =	vld.idx.msk [tilespmem:v4+s3+$0x0], $0xffff;
	v30 =	vadd.f32 v6, v21;
	v17 =	vor.u32 v7, v2;
	v7 =	vand.u32 $0x7F, v1  }
0x1f9: {  	[tilespmem:v25+s15+$0x0] =	vst.idx.msk $0xffff, v33;
	v16 =	vld.idx.msk [tilespmem:v16+s3+$0x0], $0xffff;
	v21 =	vshll.u32 v21, $0x10;
	v6 =	vshll.u32 v6, $0x10;
	v58 =	vadd.s32 v10, v7  }
0x1fa: {  	v34 =	vshll.u32 v36, $0x10;
	v6 =	vadd.f32 v6, v21;
	[tilespmem:v57+s15+$0x0] =	vst.idx.msk $0xffff, v19;
	v23 =	vadd.s32 v11, v7  }
0x1fb: {  	v19 =	vadd.f32 v56, v0;
	v57 =	vld [tilespmem:$0x1FE30];
	v26 =	vadd.s32 v9, v7;
	v33 =	vadd.s32 v44, v7  }
0x1fc: {  	v62 =	vadd.s32 v47, v7;
	v20 =	vor.u32 v35, v2;
	v2 =	vshll.u32 v37, $0x1;
	v37 =	vld [tilespmem:$0x1FFF0]  }
0x1fd: {  	v42 =	vmovc v24;
	v56 =	vadd.s32 v50, v7;
	v24 =	vadd.f32 v3, v36;
	v25 =	vadd.f32 v28, v4;
	v36 =	vld [tilespmem:$0x1FFE0]  }
0x1fe: {  	v27 =	vadd.f32 v8, v5;
	v3 =	vshll.u32 v3, $0x10;
	[tilespmem:v29+s15+$0x0] =	vst.idx.msk $0xffff, v63;
	v29 =	vld.idx.msk [tilespmem:v58+s3+$0x0], $0xffff  }
0x1ff: {  	v41 =	vmovc v31;
	v4 =	vshll.u32 v4, $0x10;
	v28 =	vshll.u32 v28, $0x10;
	v5 =	vshll.u32 v5, $0x10;
	v31 =	vld.idx.msk [tilespmem:v23+s3+$0x0], $0xffff  }
0x200: {  	v8 =	vshll.u32 v8, $0x10;
	v3 =	vadd.f32 v3, v34;
	v4 =	vadd.f32 v28, v4;
	v58 =	vld [tilespmem:$0x1FE40]  }
0x201: {  	s31 =	sadd.s32 $0x1, s23;
	v5 =	vadd.f32 v8, v5;
	v8 =	vand.u32 $0x400, v22;
	v23 =	vadd.s32 v32, v7;
	v32 =	vld.idx.msk [tilespmem:v26+s3+$0x0], $0xffff  }
0x202: {  	v28 =	vadd.s32 s31, v59;
	v21 =	vadd.f32 v25, v24;
	v22 =	vadd.f32 v30, v27;
	v33 =	vld.idx.msk [tilespmem:v33+s3+$0x0], $0xffff  }
0x203: {  	v61 =	vadd.f32 v4, v3;
	v26 =	vadd.s32 v13, v7;
	v34 =	vld.idx.msk [tilespmem:v62+s3+$0x0], $0xffff;
	v62 =	vadd.f32 v6, v5  }
0x204: {  	v35 =	vadd.s32 v39, v7;
	v30 =	vand.u32 $0x7F, v28;
	v27 =	vmovc v38;
	v38 =	vld.idx.msk [tilespmem:v56+s3+$0x0], $0xffff;
	v63 =	vadd.f32 v22, v21  }
0x205: {  	v39 =	vadd.s32 v10, v30;
	v0 =	vadd.f32 v62, v61;
	v61 =	vld [tilespmem:$0x1FE50]  }
0x206: {  	v22 =	vadd.f32 v16, v63;
	v63 =	vld [tilespmem:$0x1FE60]  }
0x207: {  	[tilespmem:v43+s15+$0x0] =	vst.idx.msk $0xffff, v40;
	v40 =	vld.idx.msk [tilespmem:v23+s3+$0x0], $0xffff  }
0x208: {  	[tilespmem:v54+s15+$0x0] =	vst.idx.msk $0xffff, v55;
	v2 =	vand.u32 $0x7E, v2;
	v43 =	vld.idx.msk [tilespmem:v26+s3+$0x0], $0xffff  }
0x209: {  	p1 =	slt.u32 s23, $0x70;
	v2 =	vor.u32 v8, v2;
	v54 =	vadd.s32 v50, v30;
	v56 =	vadd.s32 v9, v30;
	v24 =	vld.idx.msk [tilespmem:v35+s3+$0x0], $0xffff  }
.Ltmp0:
0x20a: {  	v21 =	vor.u32 v37, v2;
	v62 =	vshll.u32 v1, $0x1;
	v1 =	vshll.u32 v1, $0x4;
	v39 =	vld.idx.msk [tilespmem:v39+s3+$0x0], $0xffff;
	[tilespmem:v57+s15+$0x0] =	vst.idx.msk $0xffff, v58;
	(pc) =	sbr.rel @p1 .LBB2_3-.Ltmp0, $4  }
0x20b: {  	v26 =	vmovc v45;
	v45 =	vshll.u32 v16, $0x10;
	v57 =	vadd.s32 v11, v30;
	v11 =	vmovc v48;
	v48 =	vadd.f32 v33, v32  }
0x20c: {  	v23 =	vor.u32 v36, v2;
	v16 =	vmovc v51;
	v50 =	vadd.f32 v38, v34;
	v25 =	vadd.f32 v45, v0  }
0x20d: {  	v45 =	vand.u32 $0x400, v1;
	[tilespmem:v61+s15+$0x0] =	vst.idx.msk $0xffff, v53;
	v53 =	vadd.s32 v44, v30;
	v51 =	vadd.f32 v43, v40  }
0x20e: {  	s23 =	sadd.s32 $0x10, s23;
	v44 =	vand.u32 $0x7E, v62;
	[tilespmem:v63+s15+$0x0] =	vst.idx.msk $0xffff, v52;
	v52 =	vadd.s32 v47, v30;
	v47 =	vadd.f32 v31, v29  }
0x20f: {  	_ =	sdelay $0x2  }
0x210: {  	v1 =	vld [tilespmem:$0x1FF50];
	v9 =	vshll.u32 v34, $0x10  }
0x211: {  	[tilespmem:v16+s15+$0x0] =	vst.idx.msk $0xffff, v11;
	v4 =	vld.idx.msk [tilespmem:v56+s3+$0x0], $0xffff;
	v10 =	vshll.u32 v38, $0x10;
	v56 =	vshll.u32 v40, $0x10;
	v58 =	vshll.u32 v43, $0x10  }
0x212: {  	v5 =	vld [tilespmem:$0x1FF60];
	[tilespmem:v42+s15+$0x0] =	vst.idx.msk $0xffff, v27;
	v63 =	vadd.f32 v10, v9;
	v13 =	vadd.f32 v58, v56  }
0x213: {  	[tilespmem:v41+s15+$0x0] =	vst.idx.msk $0xffff, v26  }
0x214: {  	v34 =	vadd.f32 v13, v63;
	v13 =	vld [tilespmem:$0x1FE70]  }
0x215: {  	v0 =	vld.idx.msk [tilespmem:v57+s3+$0x0], $0xffff;
	v2 =	vshll.u32 v29, $0x10  }
0x216: {  	v3 =	vshll.u32 v31, $0x10;
	v6 =	vshll.u32 v32, $0x10;
	v8 =	vld.idx.msk [tilespmem:v53+s3+$0x0], $0xffff;
	v1 =	vadd.s32 v1, v30  }
0x217: {  	v7 =	vshll.u32 v33, $0x10;
	v57 =	vld.idx.msk [tilespmem:v52+s3+$0x0], $0xffff;
	v33 =	vadd.f32 v51, v50;
	v5 =	vadd.s32 v5, v30  }
0x218: {  	v31 =	vor.u32 v45, v44;
	v2 =	vadd.f32 v3, v2;
	v61 =	vadd.f32 v7, v6;
	v38 =	vld [tilespmem:$0x1FF70]  }
0x219: {  	v62 =	vld.idx.msk [tilespmem:v54+s3+$0x0], $0xffff;
	v40 =	vshll.u32 v24, $0x10;
	v44 =	vshll.u32 v39, $0x10;
	v11 =	vor.u32 v36, v31;
	[tilespmem:v46+s15+$0x0] =	vst.idx.msk $0xffff, v13  }
0x21a: {  	v32 =	vadd.f32 v48, v47;
	v42 =	vshll.u32 v28, $0x4;
	v2 =	vadd.f32 v61, v2;
	v43 =	vld [tilespmem:$0x1FE80]  }
0x21b: {  	v35 =	vor.u32 v37, v31;
	v41 =	vshll.u32 v28, $0x1;
	v55 =	vand.u32 $0x400, v42;
	v1 =	vld.idx.msk [tilespmem:v1+s3+$0x0], $0xffff  }
0x21c: {  	v26 =	vadd.f32 v33, v32;
	v54 =	vand.u32 $0x7E, v41;
	v2 =	vadd.f32 v34, v2;
	v5 =	vld.idx.msk [tilespmem:v5+s3+$0x0], $0xffff  }
0x21d: {  	v45 =	vadd.f32 v0, v39;
	v0 =	vshll.u32 v0, $0x10;
	v9 =	vadd.s32 v38, v30  }
0x21e: {  	v47 =	vshll.u32 v57, $0x10;
	v48 =	vshll.u32 v62, $0x10;
	v6 =	vadd.f32 v62, v57  }
0x21f: {  	v57 =	vor.u32 v55, v54;
	v0 =	vadd.f32 v0, v44;
	v52 =	vadd.f32 v48, v47  }
0x220: {  	v58 =	vor.u32 v36, v57;
	v46 =	vadd.f32 v8, v4;
	v4 =	vshll.u32 v4, $0x10  }
0x221: {  	v8 =	vshll.u32 v8, $0x10;
	[tilespmem:v49+s15+$0x0] =	vst.idx.msk $0xffff, v43;
	v49 =	vshll.u32 v1, $0x10;
	v50 =	vshll.u32 v5, $0x10  }
0x222: {  	[tilespmem:v14+s15+$0x0] =	vst.idx.msk $0xffff, v18;
	v51 =	vadd.f32 v8, v4;
	v9 =	vld.idx.msk [tilespmem:v9+s3+$0x0], $0xffff;
	v53 =	vadd.f32 v50, v49  }
0x223: {  	v2 =	vadd.f32 v40, v2;
	[tilespmem:v17+s15+$0x0] =	vst.idx.msk $0xffff, v19;
	v1 =	vadd.f32 v5, v1  }
0x224: {  	[tilespmem:v23+s15+$0x0] =	vst.idx.msk $0xffff, v25;
	v0 =	vadd.f32 v51, v0;
	v56 =	vadd.f32 v53, v52  }
0x225: {  	[tilespmem:v60+s15+$0x0] =	vst.idx.msk $0xffff, v12;
	v60 =	vadd.f32 v46, v45;
	v1 =	vadd.f32 v1, v6  }
0x226: {  	v61 =	vor.u32 v37, v57;
	[tilespmem:v11+s15+$0x0] =	vst.idx.msk $0xffff, v2;
	v0 =	vadd.f32 v56, v0  }
0x227: {  	p1 =	sne.s32 s21, $0x63;
	v63 =	vadd.f32 v24, v26;
	[tilespmem:v20+s15+$0x0] =	vst.idx.msk $0xffff, v15;
	v62 =	vshll.u32 v9, $0x10;
	v1 =	vadd.f32 v1, v60  }
.Ltmp1:
0x228: {  	s23 =	sshll.u32 s21, $0xD;
	[tilespmem:v21+s15+$0x0] =	vst.idx.msk $0xffff, v22;
	v0 =	vadd.f32 v62, v0;
	(pc) =	sbr.rel @p1 .LBB2_6-.Ltmp1, $4  }
0x229: {  	s23 =	sadd.s32 s8, s23;
	[tilespmem:v35+s15+$0x0] =	vst.idx.msk $0xffff, v63;
	v1 =	vadd.f32 v9, v1  }
0x22a: {  	s23 =	sshrl.u32 s23, $0x3;
	[tilespmem:v58+s15+$0x0] =	vst.idx.msk $0xffff, v0  }
0x22b: {  	s23 =	sadd.s32 s6, s23;
	[tilespmem:v61+s15+$0x0] =	vst.idx.msk $0xffff, v1  }
0x22c: {  	[hbm4b:s23+s3] =	stream.linear.scatter [tilespmem:s15], [sflag:$0x3], $0x1000, $0x38;
	[tilespmem:$0x1F200] =	vst v63  }
.Ltmp2:
0x22d: {  	(pc) =	sbr.rel .LBB2_7-.Ltmp2, $4  }
0x22e: {  	_ = 	snop  }
0x22f: {  	_ =	swait.ge [sflag:s16], $0x480  }
0x230: {  	[sflag:s16] =	ssyncset.done $0x0  }
0x231: {  	[sflag:s16] =	ssyncadd.s32 $0xFFFFFB80  }
.LBB2_6:
0x232: {  	s23 =	sshll.u32 s21, $0xC  }
0x233: {  	s23 =	sadd.s32 s23, s9  }
0x234: {  	s23 =	sshrl.u32 s23, $0x3  }
.Ltmp3:
0x235: {  	s23 =	sadd.s32 s0, s23;
	(pc) =	sbr.rel @p0 .LBB2_8-.Ltmp3, $4  }
0x236: {  	[tilespmem:s12], [sflag:$0x1] =	stream.linear.gather [hbm4b:s23+s3], $0x480, $0x38;
	[tilespmem:$0x1F200] =	vst v63  }
0x237: {  	_ =	swait.ge [sflag:s16], $0x480  }
0x238: {  	[sflag:s16] =	ssyncset.done $0x0  }
0x239: {  	[sflag:s16] =	ssyncadd.s32 $0xFFFFFB80  }
.LBB2_7:
0x23a: {  	_ =	swait.ge [sflag:s17], $0x1000  }
0x23b: {  	[sflag:s17] =	ssyncset.done $0x0  }
0x23c: {  	[sflag:s17] =	ssyncadd.s32 $0xFFFFF000  }
.LBB2_8:
0x23d: {  	v5 =	vld [tilespmem:$0x1CA00]  }
0x23e: {  	v6 =	vld [tilespmem:$0x1CA80]  }
0x23f: {  	v7 =	vld [tilespmem:$0x1CB00]  }
0x240: {  	v8 =	vld [tilespmem:$0x1CB80];
	s23 =	simm.s32 $0x0  }
0x241: {  	v10 =	vld [tilespmem:$0x1CC00];
	v0 =	vor.u32 s23, v59  }
0x242: {  	v4 =	vld [tilespmem:$0x1CC80];
	v1 =	vadd.s32 v5, v0  }
0x243: {  	v11 =	vld [tilespmem:$0x1CD00];
	v2 =	vadd.s32 v6, v0  }
0x244: {  	v9 =	vld [tilespmem:$0x1CD80];
	v12 =	vadd.s32 v7, v0  }
0x245: {  	v13 =	vadd.s32 v8, v0  }
0x246: {  	v3 =	vld [tilespmem:$0x1CE00];
	v14 =	vadd.s32 v10, v0  }
0x247: {  	v15 =	vadd.s32 v4, v0;
	v1 =	vld.idx.msk [tilespmem:v1+s3+$0x0], $0xffff  }
0x248: {  	v16 =	vadd.s32 v11, v0;
	v2 =	vld.idx.msk [tilespmem:v2+s3+$0x0], $0xffff  }
0x249: {  	v17 =	vadd.s32 v9, v0;
	v12 =	vld.idx.msk [tilespmem:v12+s3+$0x0], $0xffff  }
0x24a: {  	s24 =	simm.s32 $0xF;
	v13 =	vld.idx.msk [tilespmem:v13+s3+$0x0], $0xffff  }
0x24b: {  	v18 =	vadd.s32 s24, v59;
	v14 =	vld.idx.msk [tilespmem:v14+s3+$0x0], $0xffff  }
0x24c: {  	s24 =	simm.s32 $0xE;
	v19 =	vand.u32 $0x7F, v18;
	v15 =	vld.idx.msk [tilespmem:v15+s3+$0x0], $0xffff  }
0x24d: {  	v22 =	vmov s23;
	v56 =	vadd.s32 s24, v59;
	v21 =	vadd.s32 v5, v19;
	v16 =	vld.idx.msk [tilespmem:v16+s3+$0x0], $0xffff  }
0x24e: {  	v22 =	vshll.u32 v22, $0x4;
	v43 =	vshll.u32 v56, $0x1;
	v23 =	vadd.s32 v6, v19;
	v17 =	vld.idx.msk [tilespmem:v17+s3+$0x0], $0xffff  }
0x24f: {  	v20 =	vadd.s32 v3, v0;
	v25 =	vadd.s32 v7, v19;
	v28 =	vadd.s32 v8, v19  }
0x250: {  	v30 =	vadd.s32 v10, v19;
	v31 =	vadd.s32 v4, v19;
	v32 =	vadd.s32 v11, v19  }
0x251: {  	v0 =	vshll.u32 v0, $0x1;
	v57 =	vadd.s32 v3, v19;
	v24 =	vadd.f32 v2, v1  }
0x252: {  	v0 =	vand.u32 $0x7E, v0;
	v21 =	vld.idx.msk [tilespmem:v21+s3+$0x0], $0xffff;
	v26 =	vadd.f32 v13, v12;
	v27 =	vadd.f32 v15, v14  }
0x253: {  	v23 =	vld.idx.msk [tilespmem:v23+s3+$0x0], $0xffff;
	v1 =	vshll.u32 v1, $0x10;
	v29 =	vadd.f32 v17, v16;
	v2 =	vshll.u32 v2, $0x10  }
0x254: {  	v12 =	vshll.u32 v12, $0x10;
	v13 =	vshll.u32 v13, $0x10;
	v14 =	vshll.u32 v14, $0x10  }
0x255: {  	v15 =	vshll.u32 v15, $0x10;
	v16 =	vshll.u32 v16, $0x10;
	v17 =	vshll.u32 v17, $0x10  }
0x256: {  	v20 =	vld.idx.msk [tilespmem:v20+s3+$0x0], $0xffff;
	v1 =	vadd.f32 v2, v1;
	v53 =	vadd.f32 v13, v12;
	v12 =	vadd.s32 v9, v19  }
0x257: {  	v25 =	vld.idx.msk [tilespmem:v25+s3+$0x0], $0xffff;
	v13 =	vadd.f32 v15, v14;
	v14 =	vadd.f32 v17, v16;
	v19 =	vshll.u32 v18, $0x1  }
0x258: {  	v16 =	vld.idx.msk [tilespmem:v28+s3+$0x0], $0xffff;
	v18 =	vshll.u32 v18, $0x4;
	v28 =	vadd.f32 v23, v21;
	v21 =	vshll.u32 v21, $0x10  }
0x259: {  	v23 =	vshll.u32 v23, $0x10;
	v15 =	vadd.f32 v26, v24;
	v17 =	vadd.f32 v29, v27  }
0x25a: {  	v24 =	vld.idx.msk [tilespmem:v30+s3+$0x0], $0xffff;
	v1 =	vadd.f32 v53, v1;
	v54 =	vadd.f32 v14, v13;
	v13 =	vand.u32 $0x400, v22  }
0x25b: {  	v26 =	vld.idx.msk [tilespmem:v31+s3+$0x0], $0xffff;
	v21 =	vadd.f32 v23, v21;
	v18 =	vand.u32 $0x400, v18;
	v0 =	vor.u32 v13, v0  }
0x25c: {  	v14 =	vadd.f32 v17, v15;
	v15 =	vshll.u32 v20, $0x10;
	v1 =	vadd.f32 v54, v1  }
0x25d: {  	v55 =	vld.idx.msk [tilespmem:v12+s3+$0x0], $0xffff;
	v12 =	vor.u32 v36, v0;
	v0 =	vor.u32 v37, v0;
	v29 =	vadd.f32 v16, v25  }
0x25e: {  	v22 =	vld.idx.msk [tilespmem:v32+s3+$0x0], $0xffff;
	v25 =	vshll.u32 v25, $0x10;
	[tilespmem:$0x1FC80] =	vst v12;
	v12 =	vadd.f32 v20, v14;
	v20 =	vand.u32 $0x7F, v56  }
0x25f: {  	v16 =	vshll.u32 v16, $0x10;
	v15 =	vadd.f32 v15, v1;
	v17 =	vadd.s32 v5, v20  }
0x260: {  	v31 =	vadd.f32 v26, v24;
	v24 =	vshll.u32 v24, $0x10;
	v27 =	vadd.s32 v6, v20  }
0x261: {  	v61 =	vld [tilespmem:$0x1FFE0];
	[tilespmem:$0x1FC90] =	vst v0;
	v26 =	vshll.u32 v26, $0x10;
	v16 =	vadd.f32 v16, v25;
	v30 =	vadd.s32 v7, v20  }
0x262: {  	v62 =	vld [tilespmem:$0x1FFF0];
	v0 =	vshll.u32 v56, $0x4;
	v33 =	vadd.s32 v8, v20;
	v34 =	vadd.s32 v10, v20;
	[tilespmem:$0x1FCA0] =	vst v12  }
0x263: {  	v35 =	vadd.s32 v4, v20;
	v58 =	vadd.s32 v11, v20;
	v23 =	vadd.s32 v9, v20;
	v1 =	vld.idx.msk [tilespmem:v57+s3+$0x0], $0xffff  }
0x264: {  	v24 =	vadd.f32 v26, v24;
	v0 =	vand.u32 $0x400, v0;
	v32 =	vadd.f32 v55, v22;
	v60 =	vld.idx.msk [tilespmem:v17+s3+$0x0], $0xffff  }
0x265: {  	v13 =	vmovc v3;
	v16 =	vadd.f32 v16, v21;
	v2 =	vshll.u32 v55, $0x10;
	v17 =	vshll.u32 v22, $0x10;
	v22 =	vld.idx.msk [tilespmem:v27+s3+$0x0], $0xffff  }
0x266: {  	s26 =	simm.s32 $0xC;
	v25 =	vld.idx.msk [tilespmem:v30+s3+$0x0], $0xffff;
	v27 =	vadd.f32 v32, v31;
	v30 =	vadd.s32 v13, v20;
	v2 =	vadd.f32 v2, v17  }
0x267: {  	v21 =	vld.idx.msk [tilespmem:v34+s3+$0x0], $0xffff;
	v34 =	vadd.s32 s26, v59;
	v17 =	vand.u32 $0x7E, v19;
	v19 =	vadd.f32 v29, v28  }
0x268: {  	s25 =	simm.s32 $0xD;
	v26 =	vld.idx.msk [tilespmem:v33+s3+$0x0], $0xffff;
	v18 =	vor.u32 v18, v17;
	v20 =	vshll.u32 v1, $0x10;
	v2 =	vadd.f32 v2, v24  }
0x269: {  	v24 =	vadd.s32 s25, v59;
	v3 =	vor.u32 v61, v18;
	v19 =	vadd.f32 v27, v19  }
0x26a: {  	v28 =	vld.idx.msk [tilespmem:v35+s3+$0x0], $0xffff;
	[tilespmem:$0x1FCB0] =	vst v3;
	v27 =	vand.u32 $0x7F, v24;
	v3 =	vor.u32 v62, v18;
	v2 =	vadd.f32 v2, v16  }
0x26b: {  	v16 =	vadd.s32 v5, v27;
	v31 =	vadd.s32 v6, v27;
	v1 =	vadd.f32 v1, v19  }
0x26c: {  	v50 =	vld [tilespmem:$0x1FFE0];
	v63 =	vadd.s32 v7, v27;
	v44 =	vadd.s32 v8, v27;
	v45 =	vadd.s32 v10, v27  }
0x26d: {  	v29 =	vld.idx.msk [tilespmem:v58+s3+$0x0], $0xffff;
	v46 =	vadd.f32 v22, v60;
	v47 =	vadd.f32 v26, v25;
	v48 =	vadd.s32 v4, v27  }
0x26e: {  	v23 =	vld.idx.msk [tilespmem:v23+s3+$0x0], $0xffff;
	[tilespmem:$0x1FCC0] =	vst v3;
	v40 =	vadd.s32 v11, v27;
	v37 =	vshll.u32 v60, $0x10;
	v22 =	vshll.u32 v22, $0x10  }
0x26f: {  	v56 =	vld [tilespmem:$0x1FFF0];
	v41 =	vadd.s32 v9, v27;
	v25 =	vshll.u32 v25, $0x10;
	v26 =	vshll.u32 v26, $0x10;
	[tilespmem:$0x1FCD0] =	vst v1  }
0x270: {  	v27 =	vadd.s32 v13, v27;
	v3 =	vlaneseq.u32;
	v38 =	vadd.f32 v28, v21;
	v30 =	vld.idx.msk [tilespmem:v30+s3+$0x0], $0xffff  }
0x271: {  	v21 =	vshll.u32 v21, $0x10;
	v28 =	vshll.u32 v28, $0x10;
	v22 =	vadd.f32 v22, v37;
	v1 =	vld.idx.msk [tilespmem:v63+s3+$0x0], $0xffff  }
0x272: {  	s28 =	simm.s32 $0xB;
	v25 =	vadd.f32 v26, v25;
	v14 =	vadd.f32 v20, v2;
	v2 =	vand.u32 $0x7E, v43;
	v32 =	vld.idx.msk [tilespmem:v44+s3+$0x0], $0xffff  }
0x273: {  	v37 =	vadd.s32 s28, v59;
	v21 =	vadd.f32 v28, v21;
	v0 =	vor.u32 v0, v2;
	v49 =	vld.idx.msk [tilespmem:v45+s3+$0x0], $0xffff  }
0x274: {  	v39 =	vadd.f32 v23, v29;
	v29 =	vshll.u32 v29, $0x10;
	v23 =	vshll.u32 v23, $0x10;
	v28 =	vld.idx.msk [tilespmem:v48+s3+$0x0], $0xffff  }
0x275: {  	v22 =	vadd.f32 v25, v22;
	v52 =	vld.idx.msk [tilespmem:v40+s3+$0x0], $0xffff;
	v48 =	vshll.u32 v24, $0x1;
	v26 =	vadd.f32 v23, v29  }
0x276: {  	v53 =	vld.idx.msk [tilespmem:v41+s3+$0x0], $0xffff;
	v23 =	vor.u32 v50, v0;
	v29 =	vadd.f32 v47, v46;
	v51 =	vadd.f32 v39, v38  }
0x277: {  	v0 =	vor.u32 v56, v0;
	v25 =	vadd.f32 v26, v21;
	v26 =	vand.u32 $0x7F, v34  }
0x278: {  	v16 =	vld.idx.msk [tilespmem:v16+s3+$0x0], $0xffff;
	v55 =	vshll.u32 v30, $0x10;
	v29 =	vadd.f32 v51, v29;
	v54 =	vadd.s32 v5, v26  }
0x279: {  	v31 =	vld.idx.msk [tilespmem:v31+s3+$0x0], $0xffff;
	v57 =	vadd.s32 v6, v26;
	v60 =	vadd.s32 v8, v26;
	v25 =	vadd.f32 v25, v22  }
0x27a: {  	v63 =	vadd.s32 v10, v26;
	v61 =	vadd.f32 v32, v1;
	v62 =	vadd.f32 v28, v49  }
0x27b: {  	v43 =	vadd.s32 v4, v26;
	v42 =	vadd.f32 v53, v52;
	v58 =	vadd.f32 v30, v29  }
0x27c: {  	[tilespmem:$0x1FD00] =	vst v0;
	v1 =	vshll.u32 v1, $0x10;
	v32 =	vshll.u32 v32, $0x10;
	v2 =	vshll.u32 v49, $0x10  }
0x27d: {  	v56 =	vld [tilespmem:$0x1FFF0];
	v28 =	vshll.u32 v28, $0x10;
	v35 =	vshll.u32 v52, $0x10;
	v36 =	vshll.u32 v53, $0x10;
	[tilespmem:$0x1FD10] =	vst v58  }
0x27e: {  	v29 =	vadd.s32 v7, v26;
	v30 =	vadd.f32 v31, v16;
	v16 =	vshll.u32 v16, $0x10;
	v27 =	vld.idx.msk [tilespmem:v27+s3+$0x0], $0xffff  }
0x27f: {  	v31 =	vshll.u32 v31, $0x10;
	v1 =	vadd.f32 v32, v1;
	v2 =	vadd.f32 v28, v2;
	v33 =	vld.idx.msk [tilespmem:v54+s3+$0x0], $0xffff  }
0x280: {  	v44 =	vadd.s32 v11, v26;
	v28 =	vadd.f32 v36, v35;
	v16 =	vadd.f32 v31, v16;
	v0 =	vld.idx.msk [tilespmem:v57+s3+$0x0], $0xffff  }
0x281: {  	v24 =	vshll.u32 v24, $0x4;
	v50 =	vadd.f32 v42, v62;
	v30 =	vadd.f32 v61, v30;
	v51 =	vld.idx.msk [tilespmem:v63+s3+$0x0], $0xffff  }
0x282: {  	v24 =	vand.u32 $0x400, v24;
	v2 =	vadd.f32 v28, v2;
	v1 =	vadd.f32 v1, v16;
	v16 =	vld.idx.msk [tilespmem:v43+s3+$0x0], $0xffff  }
0x283: {  	v28 =	vand.u32 $0x7E, v48;
	v58 =	vshll.u32 v34, $0x1;
	v34 =	vshll.u32 v34, $0x4;
	v49 =	vld.idx.msk [tilespmem:v60+s3+$0x0], $0xffff  }
0x284: {  	v24 =	vor.u32 v24, v28;
	v52 =	vadd.f32 v50, v30;
	v31 =	vld.idx.msk [tilespmem:v29+s3+$0x0], $0xffff;
	v29 =	vadd.s32 v9, v26  }
0x285: {  	v53 =	vld.idx.msk [tilespmem:v44+s3+$0x0], $0xffff;
	v32 =	vand.u32 $0x7E, v58;
	v34 =	vand.u32 $0x400, v34;
	v30 =	vadd.f32 v55, v25  }
0x286: {  	v58 =	vshll.u32 v37, $0x4;
	v55 =	vld [tilespmem:$0x1FFE0];
	v1 =	vadd.f32 v2, v1;
	v25 =	vadd.f32 v27, v52  }
0x287: {  	v26 =	vadd.s32 v13, v26;
	v61 =	vadd.f32 v0, v33;
	v43 =	vadd.f32 v16, v51  }
0x288: {  	v33 =	vshll.u32 v33, $0x10;
	v0 =	vshll.u32 v0, $0x10;
	v35 =	vshll.u32 v49, $0x10  }
0x289: {  	v38 =	vshll.u32 v51, $0x10;
	v54 =	vld.idx.msk [tilespmem:v29+s3+$0x0], $0xffff;
	v29 =	vshll.u32 v27, $0x10;
	v27 =	vand.u32 $0x7F, v37  }
0x28a: {  	v16 =	vshll.u32 v16, $0x10;
	v36 =	vshll.u32 v53, $0x10;
	v57 =	vadd.s32 v5, v27  }
0x28b: {  	v28 =	vor.u32 v55, v24;
	v24 =	vor.u32 v56, v24;
	v60 =	vadd.s32 v6, v27  }
0x28c: {  	v0 =	vadd.f32 v0, v33;
	v16 =	vadd.f32 v16, v38;
	v56 =	vld [tilespmem:$0x1FFF0];
	v63 =	vadd.s32 v7, v27  }
0x28d: {  	v62 =	vadd.f32 v49, v31;
	v26 =	vld.idx.msk [tilespmem:v26+s3+$0x0], $0xffff;
	v31 =	vshll.u32 v31, $0x10;
	v47 =	vadd.s32 v4, v27  }
0x28e: {  	v29 =	vadd.f32 v29, v1;
	v48 =	vadd.s32 v11, v27;
	v44 =	vadd.f32 v54, v53;
	v53 =	vld [tilespmem:$0x1FFE0]  }
0x28f: {  	v45 =	vadd.s32 v8, v27;
	v46 =	vadd.s32 v10, v27;
	v31 =	vadd.f32 v35, v31;
	v1 =	vld.idx.msk [tilespmem:v57+s3+$0x0], $0xffff  }
0x290: {  	v50 =	vadd.s32 v9, v27;
	v51 =	vadd.f32 v62, v61;
	v2 =	vshll.u32 v54, $0x10;
	v39 =	vld.idx.msk [tilespmem:v60+s3+$0x0], $0xffff  }
0x291: {  	s30 =	simm.s32 $0x9;
	v27 =	vadd.s32 v13, v27;
	v0 =	vadd.f32 v31, v0;
	v42 =	vld.idx.msk [tilespmem:v63+s3+$0x0], $0xffff;
	v2 =	vadd.f32 v2, v36  }
0x292: {  	s29 =	simm.s32 $0xA;
	v55 =	vshll.u32 v26, $0x10;
	v41 =	vld.idx.msk [tilespmem:v47+s3+$0x0], $0xffff;
	v47 =	vadd.s32 s30, v59;
	v52 =	vadd.f32 v44, v43  }
0x293: {  	v43 =	vadd.s32 s29, v59;
	v44 =	vld.idx.msk [tilespmem:v48+s3+$0x0], $0xffff;
	v48 =	vand.u32 $0x7F, v47;
	v2 =	vadd.f32 v2, v16  }
0x294: {  	v35 =	vld.idx.msk [tilespmem:v45+s3+$0x0], $0xffff;
	v16 =	vor.u32 v34, v32;
	v40 =	vand.u32 $0x7F, v43;
	v36 =	vadd.f32 v52, v51  }
0x295: {  	v38 =	vld.idx.msk [tilespmem:v46+s3+$0x0], $0xffff;
	v54 =	vadd.s32 v5, v40;
	v32 =	vor.u32 v56, v16;
	v57 =	vadd.s32 v7, v40  }
0x296: {  	v60 =	vadd.s32 v8, v40;
	v61 =	vadd.s32 v10, v40;
	v49 =	vadd.s32 v4, v40  }
0x297: {  	v52 =	vadd.s32 v11, v40;
	v31 =	vor.u32 v53, v16;
	v0 =	vadd.f32 v2, v0  }
0x298: {  	v45 =	vld.idx.msk [tilespmem:v50+s3+$0x0], $0xffff;
	v16 =	vadd.s32 v6, v40;
	v53 =	vadd.s32 v9, v40;
	v40 =	vadd.s32 v13, v40  }
0x299: {  	v33 =	vadd.f32 v26, v36;
	v26 =	vshll.u32 v37, $0x1;
	v62 =	vadd.f32 v39, v1  }
0x29a: {  	v63 =	vadd.f32 v35, v42;
	v50 =	vadd.f32 v41, v38;
	v1 =	vshll.u32 v1, $0x10  }
0x29b: {  	v39 =	vshll.u32 v39, $0x10;
	v42 =	vshll.u32 v42, $0x10;
	v35 =	vshll.u32 v35, $0x10  }
0x29c: {  	v38 =	vshll.u32 v38, $0x10;
	v41 =	vshll.u32 v41, $0x10;
	v36 =	vand.u32 $0x400, v58  }
0x29d: {  	v27 =	vld.idx.msk [tilespmem:v27+s3+$0x0], $0xffff;
	v34 =	vadd.f32 v55, v0;
	v51 =	vadd.f32 v45, v44;
	v44 =	vshll.u32 v44, $0x10  }
0x29e: {  	v45 =	vshll.u32 v45, $0x10;
	v1 =	vadd.f32 v39, v1;
	v35 =	vadd.f32 v35, v42;
	v0 =	vld.idx.msk [tilespmem:v57+s3+$0x0], $0xffff  }
0x29f: {  	v26 =	vand.u32 $0x7E, v26;
	v38 =	vadd.f32 v41, v38;
	v56 =	vadd.f32 v45, v44;
	v37 =	vld.idx.msk [tilespmem:v60+s3+$0x0], $0xffff  }
0x2a0: {  	v55 =	vadd.s32 v4, v48;
	v39 =	vld.idx.msk [tilespmem:v61+s3+$0x0], $0xffff;
	v57 =	vadd.f32 v63, v62;
	v58 =	vadd.f32 v51, v50  }
0x2a1: {  	v42 =	vld.idx.msk [tilespmem:v49+s3+$0x0], $0xffff;
	v1 =	vadd.f32 v35, v1;
	v35 =	vor.u32 v36, v26;
	v26 =	vadd.s32 v5, v48  }
0x2a2: {  	v2 =	vld.idx.msk [tilespmem:v54+s3+$0x0], $0xffff;
	v36 =	vshll.u32 v27, $0x10;
	v61 =	vadd.s32 v6, v48;
	v38 =	vadd.f32 v56, v38  }
0x2a3: {  	v46 =	vld.idx.msk [tilespmem:v52+s3+$0x0], $0xffff;
	v62 =	vadd.s32 v8, v48;
	v63 =	vadd.s32 v10, v48;
	v44 =	vadd.f32 v58, v57  }
0x2a4: {  	v16 =	vld.idx.msk [tilespmem:v16+s3+$0x0], $0xffff;
	v56 =	vadd.s32 v11, v48;
	v57 =	vadd.s32 v9, v48;
	v1 =	vadd.f32 v38, v1  }
0x2a5: {  	v60 =	vld.idx.msk [tilespmem:v53+s3+$0x0], $0xffff;
	v38 =	vadd.f32 v27, v44;
	v27 =	vadd.s32 v7, v48;
	v44 =	vshll.u32 v43, $0x1  }
0x2a6: {  	v40 =	vld.idx.msk [tilespmem:v40+s3+$0x0], $0xffff;
	v51 =	vadd.f32 v37, v0;
	v52 =	vadd.f32 v42, v39;
	v0 =	vshll.u32 v0, $0x10  }
0x2a7: {  	v45 =	vld.idx.msk [tilespmem:v61+s3+$0x0], $0xffff;
	v37 =	vshll.u32 v37, $0x10;
	v39 =	vshll.u32 v39, $0x10;
	v42 =	vshll.u32 v42, $0x10  }
0x2a8: {  	s31 =	simm.s32 $0x8;
	v50 =	vld.idx.msk [tilespmem:v62+s3+$0x0], $0xffff;
	v61 =	vshll.u32 v43, $0x4;
	v62 =	vand.u32 $0x7E, v44;
	v43 =	vadd.f32 v36, v1  }
0x2a9: {  	v1 =	vadd.s32 s31, v59;
	v49 =	vadd.f32 v16, v2;
	v2 =	vshll.u32 v2, $0x10  }
0x2aa: {  	v54 =	vadd.f32 v60, v46;
	v16 =	vshll.u32 v16, $0x10;
	v46 =	vshll.u32 v46, $0x10  }
0x2ab: {  	v26 =	vld.idx.msk [tilespmem:v26+s3+$0x0], $0xffff;
	v41 =	vshll.u32 v60, $0x10;
	v0 =	vadd.f32 v37, v0;
	v58 =	vadd.f32 v42, v39  }
0x2ac: {  	v42 =	vld.idx.msk [tilespmem:v55+s3+$0x0], $0xffff;
	v59 =	vshll.u32 v40, $0x10;
	v36 =	vand.u32 $0x7F, v1;
	v2 =	vadd.f32 v16, v2  }
0x2ad: {  	v37 =	vadd.s32 v13, v48;
	v16 =	vld.idx.msk [tilespmem:v63+s3+$0x0], $0xffff;
	v60 =	vadd.f32 v41, v46;
	v63 =	vadd.f32 v51, v49  }
0x2ae: {  	v54 =	vadd.f32 v54, v52;
	v49 =	vld.idx.msk [tilespmem:v56+s3+$0x0], $0xffff;
	v56 =	vand.u32 $0x400, v61;
	v61 =	vadd.s32 v6, v36  }
0x2af: {  	v51 =	vld.idx.msk [tilespmem:v57+s3+$0x0], $0xffff;
	v57 =	vadd.s32 v4, v36;
	v0 =	vadd.f32 v0, v2;
	v55 =	vadd.f32 v60, v58  }
0x2b0: {  	v41 =	vor.u32 v56, v62;
	v60 =	vadd.s32 v5, v36;
	v2 =	vshll.u32 v47, $0x1  }
0x2b1: {  	v62 =	vadd.s32 v7, v36;
	v56 =	vadd.s32 v10, v36;
	v58 =	vadd.f32 v54, v63  }
0x2b2: {  	v27 =	vld.idx.msk [tilespmem:v27+s3+$0x0], $0xffff;
	v46 =	vadd.f32 v45, v26;
	v26 =	vshll.u32 v26, $0x10;
	v45 =	vshll.u32 v45, $0x10  }
0x2b3: {  	v63 =	vadd.s32 v8, v36;
	v0 =	vadd.f32 v55, v0;
	v26 =	vadd.f32 v45, v26  }
0x2b4: {  	v2 =	vand.u32 $0x7E, v2;
	v39 =	vadd.f32 v40, v58;
	v53 =	vadd.f32 v42, v16  }
0x2b5: {  	v16 =	vshll.u32 v16, $0x10;
	v42 =	vshll.u32 v42, $0x10;
	v40 =	vadd.f32 v59, v0  }
0x2b6: {  	v37 =	vld.idx.msk [tilespmem:v37+s3+$0x0], $0xffff;
	v54 =	vadd.f32 v51, v49;
	v49 =	vshll.u32 v49, $0x10;
	v51 =	vshll.u32 v51, $0x10  }
0x2b7: {  	v58 =	vld.idx.msk [tilespmem:v61+s3+$0x0], $0xffff;
	v61 =	vadd.s32 v9, v36;
	v16 =	vadd.f32 v42, v16;
	v48 =	vadd.f32 v50, v27  }
0x2b8: {  	v27 =	vshll.u32 v27, $0x10;
	v50 =	vshll.u32 v50, $0x10;
	v0 =	vld.idx.msk [tilespmem:v60+s3+$0x0], $0xffff;
	v60 =	vadd.s32 v11, v36  }
0x2b9: {  	v52 =	vld.idx.msk [tilespmem:v62+s3+$0x0], $0xffff;
	v62 =	vshll.u32 v47, $0x4;
	v36 =	vadd.s32 v13, v36;
	v27 =	vadd.f32 v50, v27  }
0x2ba: {  	s24 =	simm.s32 $0x7;
	v47 =	vld.idx.msk [tilespmem:v63+s3+$0x0], $0xffff;
	v63 =	vadd.f32 v51, v49;
	v55 =	vadd.f32 v54, v53;
	v45 =	vand.u32 $0x400, v62  }
0x2bb: {  	v46 =	vadd.f32 v48, v46;
	v42 =	vor.u32 v45, v2;
	v2 =	vadd.s32 s24, v3  }
0x2bc: {  	v50 =	vld.idx.msk [tilespmem:v57+s3+$0x0], $0xffff;
	v57 =	vshll.u32 v37, $0x10;
	v26 =	vadd.f32 v27, v26;
	v48 =	vand.u32 $0x7F, v2  }
0x2bd: {  	v49 =	vld.idx.msk [tilespmem:v56+s3+$0x0], $0xffff;
	v16 =	vadd.f32 v63, v16;
	v56 =	vadd.f32 v55, v46;
	v51 =	vadd.s32 v6, v48  }
0x2be: {  	v46 =	vld.idx.msk [tilespmem:v61+s3+$0x0], $0xffff;
	v53 =	vadd.s32 v8, v48;
	v54 =	vadd.s32 v10, v48;
	v61 =	vadd.s32 v11, v48  }
0x2bf: {  	v62 =	vadd.s32 v9, v48;
	v16 =	vadd.f32 v16, v26;
	v26 =	vadd.s32 v5, v48  }
0x2c0: {  	v55 =	vadd.f32 v58, v0;
	v0 =	vshll.u32 v0, $0x10;
	v58 =	vshll.u32 v58, $0x10  }
0x2c1: {  	v27 =	vld.idx.msk [tilespmem:v60+s3+$0x0], $0xffff;
	v44 =	vadd.f32 v37, v56;
	v56 =	vadd.f32 v47, v52;
	v52 =	vshll.u32 v52, $0x10  }
0x2c2: {  	v47 =	vshll.u32 v47, $0x10;
	v45 =	vadd.f32 v57, v16;
	v16 =	vadd.s32 v7, v48  }
0x2c3: {  	v36 =	vld.idx.msk [tilespmem:v36+s3+$0x0], $0xffff;
	v37 =	vshll.u32 v1, $0x1;
	v0 =	vadd.f32 v58, v0;
	v47 =	vadd.f32 v47, v52  }
0x2c4: {  	v1 =	vshll.u32 v1, $0x4;
	v59 =	vadd.f32 v50, v49;
	v57 =	vadd.s32 v4, v48;
	v51 =	vld.idx.msk [tilespmem:v51+s3+$0x0], $0xffff  }
0x2c5: {  	v37 =	vand.u32 $0x7E, v37;
	v58 =	vadd.f32 v56, v55;
	v52 =	vld.idx.msk [tilespmem:v54+s3+$0x0], $0xffff;
	v0 =	vadd.f32 v47, v0  }
0x2c6: {  	v60 =	vadd.f32 v46, v27;
	v26 =	vld.idx.msk [tilespmem:v26+s3+$0x0], $0xffff;
	v27 =	vshll.u32 v27, $0x10;
	v46 =	vshll.u32 v46, $0x10  }
0x2c7: {  	v27 =	vadd.f32 v46, v27;
	v63 =	vld.idx.msk [tilespmem:v16+s3+$0x0], $0xffff;
	v16 =	vshll.u32 v49, $0x10;
	v49 =	vshll.u32 v50, $0x10  }
0x2c8: {  	v1 =	vand.u32 $0x400, v1;
	v47 =	vld.idx.msk [tilespmem:v62+s3+$0x0], $0xffff;
	v60 =	vadd.f32 v60, v59;
	v16 =	vadd.f32 v49, v16  }
0x2c9: {  	s25 =	simm.s32 $0x6;
	v48 =	vadd.s32 v13, v48;
	v55 =	vshll.u32 v36, $0x10;
	v46 =	vor.u32 v1, v37;
	v1 =	vld.idx.msk [tilespmem:v61+s3+$0x0], $0xffff  }
0x2ca: {  	v37 =	vadd.s32 s25, v3;
	v50 =	vld.idx.msk [tilespmem:v53+s3+$0x0], $0xffff;
	v53 =	vadd.f32 v60, v58;
	v16 =	vadd.f32 v27, v16  }
0x2cb: {  	v49 =	vld.idx.msk [tilespmem:v57+s3+$0x0], $0xffff;
	v27 =	vand.u32 $0x7F, v37;
	v57 =	vadd.f32 v51, v26;
	v26 =	vshll.u32 v26, $0x10  }
0x2cc: {  	v51 =	vshll.u32 v51, $0x10;
	v54 =	vadd.s32 v5, v27;
	v56 =	vadd.s32 v6, v27  }
0x2cd: {  	v12 =	vadd.f32 v36, v53;
	v36 =	vadd.s32 v7, v27;
	v53 =	vshll.u32 v2, $0x1  }
0x2ce: {  	v58 =	vadd.s32 v8, v27;
	v61 =	vadd.s32 v10, v27;
	v62 =	vadd.f32 v47, v1  }
0x2cf: {  	v26 =	vadd.f32 v51, v26;
	v51 =	vadd.s32 v4, v27;
	v1 =	vshll.u32 v1, $0x10  }
0x2d0: {  	v47 =	vshll.u32 v47, $0x10;
	v59 =	vadd.f32 v50, v63;
	[tilespmem:$0x1FC40] =	vst v12;
	v60 =	vadd.f32 v49, v52  }
0x2d1: {  	v63 =	vshll.u32 v63, $0x10;
	v50 =	vshll.u32 v50, $0x10;
	v1 =	vadd.f32 v47, v1;
	v48 =	vld.idx.msk [tilespmem:v48+s3+$0x0], $0xffff  }
0x2d2: {  	v47 =	vand.u32 $0x7E, v53;
	v53 =	vadd.f32 v59, v57;
	v62 =	vadd.f32 v62, v60;
	v54 =	vld.idx.msk [tilespmem:v54+s3+$0x0], $0xffff  }
0x2d3: {  	v50 =	vadd.f32 v50, v63;
	v52 =	vshll.u32 v52, $0x10;
	v49 =	vshll.u32 v49, $0x10;
	v56 =	vld.idx.msk [tilespmem:v56+s3+$0x0], $0xffff  }
0x2d4: {  	v63 =	vadd.s32 v11, v27;
	v49 =	vadd.f32 v49, v52;
	v36 =	vld.idx.msk [tilespmem:v36+s3+$0x0], $0xffff;
	v57 =	vadd.f32 v62, v53  }
0x2d5: {  	v52 =	vadd.s32 v9, v27;
	v26 =	vadd.f32 v50, v26;
	v58 =	vld.idx.msk [tilespmem:v58+s3+$0x0], $0xffff  }
0x2d6: {  	v2 =	vshll.u32 v2, $0x4;
	v59 =	vld.idx.msk [tilespmem:v61+s3+$0x0], $0xffff;
	v49 =	vadd.f32 v1, v49;
	v62 =	vadd.f32 v48, v57  }
0x2d7: {  	s26 =	simm.s32 $0x5;
	v0 =	vadd.f32 v16, v0;
	v50 =	vand.u32 $0x400, v2;
	v2 =	vld.idx.msk [tilespmem:v51+s3+$0x0], $0xffff  }
0x2d8: {  	v20 =	vor.u32 v50, v47;
	v60 =	vadd.f32 v49, v26;
	v49 =	vadd.s32 s26, v3;
	[tilespmem:$0x1FC50] =	vst v62  }
0x2d9: {  	v47 =	vadd.f32 v55, v0;
	v61 =	vshll.u32 v48, $0x10;
	v48 =	vand.u32 $0x7F, v49;
	v53 =	vld.idx.msk [tilespmem:v63+s3+$0x0], $0xffff  }
0x2da: {  	v50 =	vadd.s32 v13, v27;
	v27 =	vadd.f32 v61, v60;
	v0 =	vadd.s32 v5, v48;
	v52 =	vld.idx.msk [tilespmem:v52+s3+$0x0], $0xffff  }
0x2db: {  	v51 =	vadd.s32 v6, v48;
	v60 =	vadd.s32 v7, v48;
	v55 =	vadd.f32 v56, v54  }
0x2dc: {  	v57 =	vadd.f32 v58, v36;
	v61 =	vadd.f32 v2, v59;
	v54 =	vshll.u32 v54, $0x10  }
0x2dd: {  	v56 =	vshll.u32 v56, $0x10;
	v36 =	vshll.u32 v36, $0x10;
	v58 =	vshll.u32 v58, $0x10  }
0x2de: {  	v59 =	vshll.u32 v59, $0x10;
	v2 =	vshll.u32 v2, $0x10;
	v54 =	vadd.f32 v56, v54  }
0x2df: {  	v36 =	vadd.f32 v58, v36;
	v58 =	vshll.u32 v53, $0x10;
	v1 =	vshll.u32 v52, $0x10  }
0x2e0: {  	v62 =	vadd.s32 v8, v48;
	v50 =	vld.idx.msk [tilespmem:v50+s3+$0x0], $0xffff;
	v2 =	vadd.f32 v2, v59;
	v58 =	vadd.f32 v1, v58  }
0x2e1: {  	v56 =	vadd.s32 v4, v48;
	v55 =	vadd.f32 v57, v55  }
0x2e2: {  	v63 =	vadd.s32 v10, v48;
	v36 =	vadd.f32 v36, v54;
	v0 =	vld.idx.msk [tilespmem:v0+s3+$0x0], $0xffff;
	v2 =	vadd.f32 v58, v2  }
0x2e3: {  	v54 =	vadd.s32 v9, v48;
	v51 =	vld.idx.msk [tilespmem:v51+s3+$0x0], $0xffff;
	v52 =	vadd.f32 v52, v53;
	v53 =	vadd.s32 v11, v48  }
0x2e4: {  	v60 =	vld.idx.msk [tilespmem:v60+s3+$0x0], $0xffff;
	v1 =	vshll.u32 v37, $0x1;
	v37 =	vshll.u32 v37, $0x4;
	v2 =	vadd.f32 v2, v36  }
0x2e5: {  	v62 =	vld.idx.msk [tilespmem:v62+s3+$0x0], $0xffff;
	v59 =	vand.u32 $0x7E, v1;
	v37 =	vand.u32 $0x400, v37;
	v1 =	vshll.u32 v50, $0x10  }
0x2e6: {  	s28 =	simm.s32 $0x4;
	v56 =	vld.idx.msk [tilespmem:v56+s3+$0x0], $0xffff;
	v52 =	vadd.f32 v52, v61;
	v57 =	vor.u32 v37, v59;
	v37 =	vadd.f32 v1, v2  }
0x2e7: {  	v58 =	vld.idx.msk [tilespmem:v63+s3+$0x0], $0xffff;
	v59 =	vadd.s32 s28, v3  }
0x2e8: {  	v36 =	vadd.f32 v52, v55;
	v52 =	vand.u32 $0x7F, v59;
	v53 =	vld.idx.msk [tilespmem:v53+s3+$0x0], $0xffff;
	[tilespmem:$0x1FC60] =	vst v37  }
0x2e9: {  	v55 =	vadd.s32 v5, v52;
	v2 =	vld.idx.msk [tilespmem:v54+s3+$0x0], $0xffff  }
0x2ea: {  	v61 =	vadd.s32 v6, v52;
	v63 =	vadd.f32 v50, v36  }
0x2eb: {  	v54 =	vadd.f32 v51, v0;
	v0 =	vshll.u32 v0, $0x10;
	v51 =	vshll.u32 v51, $0x10  }
0x2ec: {  	[tilespmem:$0x1FC70] =	vst v63;
	v63 =	vadd.f32 v62, v60;
	v60 =	vshll.u32 v60, $0x10;
	v0 =	vadd.f32 v51, v0  }
0x2ed: {  	v37 =	vld [tilespmem:$0x1FFF0];
	v51 =	vadd.f32 v56, v58;
	v58 =	vshll.u32 v58, $0x10;
	v56 =	vshll.u32 v56, $0x10  }
0x2ee: {  	v62 =	vshll.u32 v62, $0x10;
	v55 =	vld.idx.msk [tilespmem:v55+s3+$0x0], $0xffff;
	v56 =	vadd.f32 v56, v58;
	v58 =	vadd.f32 v2, v53  }
0x2ef: {  	v60 =	vadd.f32 v62, v60;
	v61 =	vld.idx.msk [tilespmem:v61+s3+$0x0], $0xffff;
	v53 =	vshll.u32 v53, $0x10;
	v2 =	vshll.u32 v2, $0x10  }
0x2f0: {  	v36 =	vld [tilespmem:$0x1FFE0];
	v2 =	vadd.f32 v2, v53;
	v51 =	vadd.f32 v58, v51;
	v58 =	vadd.s32 v4, v52  }
0x2f1: {  	v0 =	vadd.f32 v60, v0;
	v60 =	vadd.s32 v11, v52  }
0x2f2: {  	v2 =	vadd.f32 v2, v56  }
0x2f3: {  	v54 =	vadd.f32 v63, v54  }
0x2f4: {  	v22 =	vor.u32 v37, v41;
	v18 =	vadd.f32 v61, v55;
	v19 =	vadd.f32 v2, v0  }
0x2f5: {  	v2 =	vshll.u32 v55, $0x10;
	v55 =	vshll.u32 v61, $0x10;
	v61 =	vor.u32 v36, v41;
	v41 =	vld.idx.msk [tilespmem:v58+s3+$0x0], $0xffff  }
0x2f6: {  	v54 =	vadd.f32 v51, v54;
	v51 =	vor.u32 v36, v42;
	v58 =	vor.u32 v37, v42;
	v42 =	vld.idx.msk [tilespmem:v60+s3+$0x0], $0xffff  }
0x2f7: {  	v60 =	vld [tilespmem:$0x1FC80];
	_ =	sdelay $0x5  }
0x2f8: {  	v1 =	vadd.s32 v9, v52;
	_ =	sdelay $0x1  }
0x2f9: {  	[tilespmem:v60+s18+$0x0] =	vst.idx.msk $0xffff, v15  }
0x2fa: {  	v60 =	vld [tilespmem:$0x1FC90]  }
0x2fb: {  	v16 =	vor.u32 v36, v46;
	v21 =	vor.u32 v37, v35  }
0x2fc: {  	v56 =	vor.u32 v36, v35;
	v35 =	vor.u32 v37, v46;
	v46 =	vadd.s32 v13, v48;
	v48 =	vld.idx.msk [tilespmem:v1+s3+$0x0], $0xffff  }
0x2fd: {  	v1 =	vld [tilespmem:$0x1FCA0];
	_ =	sdelay $0x4  }
0x2fe: {  	[tilespmem:v60+s18+$0x0] =	vst.idx.msk $0xffff, v1  }
0x2ff: {  	v50 =	vadd.s32 v7, v52;
	v0 =	vld [tilespmem:$0x1FCB0]  }
0x300: {  	v53 =	vadd.s32 v8, v52;
	_ =	sdelay $0x3  }
0x301: {  	v50 =	vld.idx.msk [tilespmem:v50+s3+$0x0], $0xffff  }
0x302: {  	v63 =	vadd.s32 v10, v52;
	v53 =	vld.idx.msk [tilespmem:v53+s3+$0x0], $0xffff;
	_ =	sdelay $0x1  }
0x303: {  	[tilespmem:v0+s18+$0x0] =	vst.idx.msk $0xffff, v14  }
0x304: {  	v62 =	vshll.u32 v49, $0x1;
	v0 =	vld [tilespmem:$0x1FCC0]  }
0x305: {  	v49 =	vshll.u32 v49, $0x4;
	v62 =	vand.u32 $0x7E, v62  }
0x306: {  	s29 =	simm.s32 $0x3;
	v49 =	vand.u32 $0x400, v49;
	v63 =	vld.idx.msk [tilespmem:v63+s3+$0x0], $0xffff;
	v17 =	vadd.f32 v53, v50;
	v15 =	vadd.s32 v13, v52  }
0x307: {  	v26 =	vmovc v13;
	v62 =	vor.u32 v49, v62;
	v49 =	vadd.s32 s29, v3;
	v55 =	vadd.f32 v55, v2;
	v13 =	vld [tilespmem:$0x1FCD0]  }
0x308: {  	v50 =	vshll.u32 v50, $0x10;
	v17 =	vadd.f32 v17, v18;
	v52 =	vand.u32 $0x7F, v49  }
0x309: {  	v2 =	vadd.s32 v6, v52;
	v1 =	vadd.s32 v5, v52;
	v14 =	vshll.u32 v53, $0x10  }
0x30a: {  	v12 =	vadd.s32 v8, v52;
	v53 =	vadd.s32 v7, v52;
	v14 =	vadd.f32 v14, v50  }
0x30b: {  	v15 =	vld.idx.msk [tilespmem:v15+s3+$0x0], $0xffff;
	v50 =	vadd.f32 v41, v63;
	v63 =	vshll.u32 v63, $0x10;
	[tilespmem:v23+s18+$0x0] =	vst.idx.msk $0xffff, v30;
	v30 =	vshll.u32 v48, $0x10  }
0x30c: {  	[tilespmem:v0+s18+$0x0] =	vst.idx.msk $0xffff, v13;
	v0 =	vld.idx.msk [tilespmem:v46+s3+$0x0], $0xffff;
	v46 =	vadd.f32 v48, v42;
	v48 =	vor.u32 v36, v20  }
0x30d: {  	v41 =	vshll.u32 v41, $0x10;
	v23 =	vshll.u32 v42, $0x10;
	v13 =	vadd.s32 v10, v52;
	[tilespmem:$0x1FCE0] =	vst v48;
	v60 =	vld [tilespmem:$0x1FD10]  }
0x30e: {  	v18 =	vadd.s32 v11, v52;
	v63 =	vadd.f32 v41, v63;
	v23 =	vadd.f32 v30, v23;
	v1 =	vld.idx.msk [tilespmem:v1+s3+$0x0], $0xffff  }
0x30f: {  	v30 =	vadd.s32 v4, v52;
	v55 =	vadd.f32 v14, v55;
	v14 =	vor.u32 v37, v57;
	v2 =	vld.idx.msk [tilespmem:v2+s3+$0x0], $0xffff  }
0x310: {  	v23 =	vadd.f32 v23, v63;
	v48 =	vor.u32 v37, v20;
	v20 =	vld.idx.msk [tilespmem:v53+s3+$0x0], $0xffff;
	[tilespmem:$0x1FCF0] =	vst v14  }
0x311: {  	v50 =	vadd.f32 v46, v50;
	v46 =	vor.u32 v36, v57;
	v57 =	vld.idx.msk [tilespmem:v12+s3+$0x0], $0xffff  }
0x312: {  	s30 =	simm.s32 $0x2;
	v63 =	vadd.f32 v23, v55;
	v23 =	vadd.s32 v26, v52;
	v12 =	vadd.f32 v0, v54;
	v54 =	vld.idx.msk [tilespmem:v13+s3+$0x0], $0xffff  }
0x313: {  	v55 =	vadd.s32 s30, v3;
	v53 =	vadd.s32 v9, v52;
	v14 =	vor.u32 v36, v62;
	v13 =	vld [tilespmem:$0x1FD00];
	[tilespmem:v28+s18+$0x0] =	vst.idx.msk $0xffff, v29  }
0x314: {  	v30 =	vld.idx.msk [tilespmem:v30+s3+$0x0], $0xffff;
	v50 =	vadd.f32 v50, v17;
	v17 =	vshll.u32 v59, $0x1;
	v59 =	vshll.u32 v59, $0x4;
	[tilespmem:v31+s18+$0x0] =	vst.idx.msk $0xffff, v34  }
0x315: {  	v0 =	vshll.u32 v0, $0x10;
	v17 =	vand.u32 $0x7E, v17;
	v28 =	vld.idx.msk [tilespmem:v18+s3+$0x0], $0xffff;
	v18 =	vand.u32 $0x400, v59;
	[tilespmem:v56+s18+$0x0] =	vst.idx.msk $0xffff, v43  }
0x316: {  	v59 =	vor.u32 v18, v17;
	v18 =	vadd.f32 v0, v19;
	[tilespmem:v24+s18+$0x0] =	vst.idx.msk $0xffff, v25;
	v24 =	vand.u32 $0x7F, v55  }
0x317: {  	v19 =	vshll.u32 v15, $0x10;
	v15 =	vadd.f32 v15, v50;
	[tilespmem:v32+s18+$0x0] =	vst.idx.msk $0xffff, v33;
	v41 =	vadd.s32 v5, v24  }
0x318: {  	v25 =	vadd.s32 v6, v24;
	v50 =	vadd.f32 v2, v1;
	v32 =	vadd.s32 v7, v24  }
0x319: {  	[tilespmem:v21+s18+$0x0] =	vst.idx.msk $0xffff, v38;
	v33 =	vadd.s32 v8, v24;
	v1 =	vshll.u32 v1, $0x10;
	v2 =	vshll.u32 v2, $0x10  }
0x31a: {  	v56 =	vld.idx.msk [tilespmem:v23+s3+$0x0], $0xffff;
	v21 =	vadd.s32 v10, v24;
	v43 =	vadd.s32 v11, v24;
	v52 =	vadd.f32 v57, v20  }
0x31b: {  	v53 =	vld.idx.msk [tilespmem:v53+s3+$0x0], $0xffff;
	v20 =	vshll.u32 v20, $0x10;
	v31 =	vshll.u32 v57, $0x10;
	v1 =	vadd.f32 v2, v1;
	[tilespmem:v13+s18+$0x0] =	vst.idx.msk $0xffff, v60  }
0x31c: {  	v2 =	vadd.s32 v4, v24;
	v57 =	vshll.u32 v30, $0x10;
	v29 =	vld.idx.msk [tilespmem:v41+s3+$0x0], $0xffff;
	v60 =	vor.u32 v37, v62;
	[tilespmem:$0x1FD20] =	vst v11  }
0x31d: {  	v62 =	vadd.f32 v30, v54;
	v30 =	vadd.f32 v31, v20;
	[tilespmem:v61+s18+$0x0] =	vst.idx.msk $0xffff, v40;
	v31 =	vld.idx.msk [tilespmem:v25+s3+$0x0], $0xffff  }
0x31e: {  	v11 =	vadd.s32 v9, v24;
	v32 =	vld.idx.msk [tilespmem:v32+s3+$0x0], $0xffff;
	[tilespmem:$0x1FD30] =	vst v9  }
0x31f: {  	v23 =	vshll.u32 v54, $0x10;
	v33 =	vld.idx.msk [tilespmem:v33+s3+$0x0], $0xffff  }
0x320: {  	v17 =	vor.u32 v36, v59;
	v0 =	vadd.f32 v57, v23;
	v23 =	vshll.u32 v49, $0x1;
	v34 =	vld.idx.msk [tilespmem:v21+s3+$0x0], $0xffff  }
0x321: {  	v42 =	vadd.f32 v19, v63;
	v63 =	vadd.f32 v53, v28;
	v23 =	vand.u32 $0x7E, v23;
	v38 =	vld.idx.msk [tilespmem:v2+s3+$0x0], $0xffff  }
0x322: {  	v20 =	vshll.u32 v28, $0x10;
	v24 =	vadd.s32 v26, v24;
	v25 =	vshll.u32 v53, $0x10;
	[tilespmem:v22+s18+$0x0] =	vst.idx.msk $0xffff, v39;
	v40 =	vld.idx.msk [tilespmem:v43+s3+$0x0], $0xffff  }
0x323: {  	v54 =	vadd.f32 v63, v62;
	v1 =	vadd.f32 v30, v1;
	v62 =	vshll.u32 v55, $0x1;
	v43 =	vld.idx.msk [tilespmem:v11+s3+$0x0], $0xffff;
	[tilespmem:$0x1FD40] =	vst v26  }
0x324: {  	s31 =	simm.s32 $0x1;
	v25 =	vadd.f32 v25, v20;
	v20 =	vor.u32 v37, v59;
	v59 =	vlaneseq.u32;
	[tilespmem:$0x1FD50] =	vst v5  }
0x325: {  	v63 =	vshll.u32 v55, $0x4;
	v22 =	vshll.u32 v49, $0x4;
	v28 =	vadd.s32 s31, v59;
	[tilespmem:v51+s18+$0x0] =	vst.idx.msk $0xffff, v45  }
0x326: {  	v21 =	vand.u32 $0x400, v22;
	v22 =	vadd.f32 v52, v50;
	v30 =	vand.u32 $0x7F, v28;
	[tilespmem:$0x1FD60] =	vst v6  }
0x327: {  	v0 =	vadd.f32 v25, v0;
	v57 =	vor.u32 v21, v23;
	v61 =	vadd.s32 v5, v30;
	[tilespmem:$0x1FD70] =	vst v7  }
0x328: {  	v25 =	vshll.u32 v56, $0x10;
	v23 =	vor.u32 v36, v57;
	v22 =	vadd.f32 v54, v22;
	[tilespmem:v58+s18+$0x0] =	vst.idx.msk $0xffff, v44  }
0x329: {  	v0 =	vadd.f32 v0, v1;
	v21 =	vor.u32 v37, v57;
	v57 =	vadd.s32 v6, v30;
	[tilespmem:$0x1FD80] =	vst v8  }
0x32a: {  	v53 =	vadd.s32 v8, v30;
	v52 =	vadd.s32 v10, v30;
	v45 =	vand.u32 $0x400, v63;
	[tilespmem:v16+s18+$0x0] =	vst.idx.msk $0xffff, v47  }
0x32b: {  	v54 =	vadd.s32 v4, v30;
	v25 =	vadd.f32 v25, v0;
	v22 =	vadd.f32 v56, v22;
	[tilespmem:$0x1FD90] =	vst v10  }
0x32c: {  	v56 =	vadd.s32 v7, v30;
	v49 =	vadd.f32 v33, v32;
	v50 =	vadd.f32 v38, v34;
	v24 =	vld.idx.msk [tilespmem:v24+s3+$0x0], $0xffff  }
0x32d: {  	s21 =	sadd.s32 $0x1, s21;
	s23 =	simm.s32 $0x10;
	v44 =	vand.u32 $0x7E, v62;
	v47 =	vadd.f32 v31, v29;
	v51 =	vadd.f32 v43, v40;
	v39 =	vld.idx.msk [tilespmem:v61+s3+$0x0], $0xffff;
	[tilespmem:$0x1FDA0] =	vst v4  }
.LBB2_9:
0x32e: {  	v0 =	vld.idx.msk [tilespmem:v57+s3+$0x0], $0xffff  }
0x32f: {  	v5 =	vld [tilespmem:$0x1FD20]  }
0x330: {  	v9 =	vld [tilespmem:$0x1FCE0]  }
0x331: {  	v16 =	vld.idx.msk [tilespmem:v56+s3+$0x0], $0xffff  }
0x332: {  	v4 =	vld [tilespmem:$0x1FD30]  }
0x333: {  	v41 =	vld [tilespmem:$0x1FC50]  }
0x334: {  	v2 =	vshll.u32 v29, $0x10;
	v29 =	vshll.u32 v31, $0x10;
	v26 =	vld.idx.msk [tilespmem:v52+s3+$0x0], $0xffff  }
0x335: {  	v32 =	vshll.u32 v32, $0x10;
	v33 =	vshll.u32 v33, $0x10;
	v34 =	vshll.u32 v34, $0x10;
	v8 =	vld [tilespmem:$0x1FD40]  }
0x336: {  	v10 =	vshll.u32 v38, $0x10;
	v11 =	vshll.u32 v40, $0x10;
	v7 =	vld [tilespmem:$0x1FC60];
	v1 =	vadd.s32 v5, v30  }
0x337: {  	v52 =	vshll.u32 v43, $0x10;
	v56 =	vor.u32 v45, v44;
	v6 =	vld [tilespmem:$0x1FCF0];
	[tilespmem:v14+s18+$0x0] =	vst.idx.msk $0xffff, v18;
	v31 =	vadd.s32 v4, v30  }
0x338: {  	v2 =	vadd.f32 v29, v2;
	v29 =	vadd.f32 v33, v32;
	[tilespmem:v9+s18+$0x0] =	vst.idx.msk $0xffff, v27;
	v27 =	vld.idx.msk [tilespmem:v53+s3+$0x0], $0xffff  }
0x339: {  	v55 =	vadd.f32 v52, v11;
	v57 =	vor.u32 v36, v56;
	v58 =	vadd.f32 v49, v47;
	v53 =	vld.idx.msk [tilespmem:v54+s3+$0x0], $0xffff  }
0x33a: {  	v61 =	vor.u32 v37, v56;
	v2 =	vadd.f32 v29, v2;
	v54 =	vadd.f32 v10, v34;
	v10 =	vld [tilespmem:$0x1FC70]  }
0x33b: {  	v62 =	vshll.u32 v24, $0x10;
	v30 =	vadd.s32 v8, v30;
	v11 =	vadd.f32 v0, v39;
	v1 =	vld.idx.msk [tilespmem:v1+s3+$0x0], $0xffff  }
0x33c: {  	[tilespmem:v48+s18+$0x0] =	vst.idx.msk $0xffff, v41;
	v41 =	vadd.f32 v51, v50;
	v31 =	vld.idx.msk [tilespmem:v31+s3+$0x0], $0xffff;
	v29 =	vadd.f32 v55, v54  }
0x33d: {  	[tilespmem:v60+s18+$0x0] =	vst.idx.msk $0xffff, v12;
	v0 =	vshll.u32 v0, $0x10;
	v14 =	vshll.u32 v16, $0x10;
	v12 =	vshll.u32 v26, $0x10  }
0x33e: {  	v9 =	vshll.u32 v28, $0x1;
	v63 =	vadd.f32 v41, v58;
	v2 =	vadd.f32 v29, v2  }
0x33f: {  	v44 =	vld [tilespmem:$0x1FFE0];
	[tilespmem:v46+s18+$0x0] =	vst.idx.msk $0xffff, v7;
	v29 =	vshll.u32 v39, $0x10;
	v43 =	vadd.f32 v27, v16;
	v16 =	vshll.u32 v27, $0x10  }
0x340: {  	[tilespmem:v6+s18+$0x0] =	vst.idx.msk $0xffff, v10;
	v13 =	vshll.u32 v53, $0x10;
	v0 =	vadd.f32 v0, v29;
	v10 =	vld [tilespmem:$0x1FD50];
	v14 =	vadd.f32 v16, v14  }
0x341: {  	[tilespmem:v17+s18+$0x0] =	vst.idx.msk $0xffff, v42;
	v16 =	vand.u32 $0x7E, v9;
	v9 =	vld [tilespmem:$0x1FD70];
	v18 =	vshll.u32 v1, $0x10;
	v19 =	vshll.u32 v31, $0x10  }
0x342: {  	v45 =	vld [tilespmem:$0x1FFF0];
	[tilespmem:v20+s18+$0x0] =	vst.idx.msk $0xffff, v15;
	v28 =	vshll.u32 v28, $0x4;
	v12 =	vadd.f32 v13, v12;
	v13 =	vadd.f32 v19, v18  }
0x343: {  	v15 =	vand.u32 $0x400, v28;
	v17 =	vld.idx.msk [tilespmem:v30+s3+$0x0], $0xffff;
	v2 =	vadd.f32 v62, v2;
	v1 =	vadd.f32 v31, v1  }
0x344: {  	[tilespmem:v23+s18+$0x0] =	vst.idx.msk $0xffff, v25;
	v7 =	vld [tilespmem:$0x1FD80];
	v12 =	vadd.f32 v13, v12;
	v13 =	vor.u32 v15, v16;
	v16 =	vor.u32 s23, v59  }
0x345: {  	v18 =	vadd.f32 v53, v26;
	v0 =	vadd.f32 v14, v0;
	v46 =	vadd.s32 v10, v16  }
0x346: {  	v3 =	vld [tilespmem:$0x1FC40];
	v15 =	vadd.f32 v43, v11;
	v14 =	vor.u32 v44, v13;
	v47 =	vadd.s32 v9, v16  }
0x347: {  	s24 =	sadd.s32 $0xF, s23;
	v49 =	vld [tilespmem:$0x1FDA0];
	v1 =	vadd.f32 v1, v18;
	v19 =	vadd.s32 v8, v16;
	v0 =	vadd.f32 v12, v0  }
0x348: {  	[tilespmem:v21+s18+$0x0] =	vst.idx.msk $0xffff, v22;
	v6 =	vld [tilespmem:$0x1FD90];
	v18 =	vadd.s32 s24, v59;
	v12 =	vor.u32 v45, v13;
	v13 =	vshll.u32 v17, $0x10  }
0x349: {  	[tilespmem:v57+s18+$0x0] =	vst.idx.msk $0xffff, v2;
	v11 =	vld [tilespmem:$0x1FD60];
	v48 =	vadd.s32 v7, v16;
	v20 =	vand.u32 $0x7F, v18;
	v0 =	vadd.f32 v13, v0  }
0x34a: {  	v1 =	vadd.f32 v1, v15;
	v15 =	vadd.f32 v24, v63;
	v21 =	vadd.s32 v10, v20;
	v2 =	vld.idx.msk [tilespmem:v46+s3+$0x0], $0xffff  }
0x34b: {  	v28 =	vadd.s32 v7, v20;
	[tilespmem:v14+s18+$0x0] =	vst.idx.msk $0xffff, v0;
	v0 =	vld.idx.msk [tilespmem:v47+s3+$0x0], $0xffff  }
0x34c: {  	v1 =	vadd.f32 v17, v1;
	[tilespmem:v61+s18+$0x0] =	vst.idx.msk $0xffff, v15;
	v15 =	vadd.s32 v5, v16;
	v19 =	vld.idx.msk [tilespmem:v19+s3+$0x0], $0xffff  }
0x34d: {  	v17 =	vadd.s32 v4, v16;
	v47 =	vld [tilespmem:$0x1FFF0]  }
0x34e: {  	v13 =	vadd.s32 v11, v16;
	[tilespmem:v12+s18+$0x0] =	vst.idx.msk $0xffff, v1;
	v1 =	vld.idx.msk [tilespmem:v48+s3+$0x0], $0xffff  }
0x34f: {  	v25 =	vadd.s32 v9, v20;
	v23 =	vadd.s32 v11, v20;
	v21 =	vld.idx.msk [tilespmem:v21+s3+$0x0], $0xffff  }
0x350: {  	v30 =	vadd.s32 v6, v20;
	v31 =	vadd.s32 v49, v20;
	v14 =	vadd.s32 v49, v16;
	v52 =	vld.idx.msk [tilespmem:v28+s3+$0x0], $0xffff  }
0x351: {  	v50 =	vadd.s32 v5, v20;
	v51 =	vadd.s32 v4, v20;
	v12 =	vadd.s32 v6, v16;
	v15 =	vld.idx.msk [tilespmem:v15+s3+$0x0], $0xffff  }
0x352: {  	v60 =	vadd.s32 v8, v20;
	v20 =	vshll.u32 v18, $0x1;
	v18 =	vshll.u32 v18, $0x4;
	v17 =	vld.idx.msk [tilespmem:v17+s3+$0x0], $0xffff  }
0x353: {  	s28 =	sadd.s32 $0xA, s23;
	v22 =	vmov s23;
	v20 =	vand.u32 $0x7E, v20;
	v18 =	vand.u32 $0x400, v18;
	v13 =	vld.idx.msk [tilespmem:v13+s3+$0x0], $0xffff  }
0x354: {  	v41 =	vadd.s32 s28, v59;
	v16 =	vshll.u32 v16, $0x1;
	v18 =	vor.u32 v18, v20;
	v23 =	vld.idx.msk [tilespmem:v23+s3+$0x0], $0xffff  }
0x355: {  	[tilespmem:v35+s18+$0x0] =	vst.idx.msk $0xffff, v3;
	v14 =	vld.idx.msk [tilespmem:v14+s3+$0x0], $0xffff;
	v26 =	vadd.f32 v1, v0;
	v0 =	vshll.u32 v0, $0x10;
	v1 =	vshll.u32 v1, $0x10  }
0x356: {  	v56 =	vshll.u32 v19, $0x10;
	v3 =	vor.u32 v47, v18;
	v12 =	vld.idx.msk [tilespmem:v12+s3+$0x0], $0xffff;
	v0 =	vadd.f32 v1, v0  }
0x357: {  	v1 =	vshll.u32 v52, $0x10;
	v29 =	vadd.f32 v17, v15;
	v15 =	vshll.u32 v15, $0x10  }
0x358: {  	v17 =	vshll.u32 v17, $0x10;
	v24 =	vadd.f32 v13, v2;
	v2 =	vshll.u32 v2, $0x10  }
0x359: {  	v25 =	vld.idx.msk [tilespmem:v25+s3+$0x0], $0xffff;
	v13 =	vshll.u32 v13, $0x10;
	v28 =	vadd.f32 v23, v21;
	v21 =	vshll.u32 v21, $0x10  }
0x35a: {  	v23 =	vshll.u32 v23, $0x10;
	v2 =	vadd.f32 v13, v2;
	v13 =	vadd.f32 v17, v15  }
0x35b: {  	v15 =	vand.u32 $0x7E, v16;
	v21 =	vadd.f32 v23, v21;
	v27 =	vadd.f32 v14, v12  }
0x35c: {  	v54 =	vld [tilespmem:$0x1FFE0];
	v12 =	vshll.u32 v12, $0x10;
	v14 =	vshll.u32 v14, $0x10;
	v16 =	vadd.f32 v26, v24  }
0x35d: {  	v55 =	vld [tilespmem:$0x1FFF0];
	v12 =	vadd.f32 v14, v12;
	v14 =	vshll.u32 v22, $0x4;
	v22 =	vadd.f32 v29, v27  }
0x35e: {  	s30 =	sadd.s32 $0xE, s23;
	v17 =	vld.idx.msk [tilespmem:v30+s3+$0x0], $0xffff;
	v0 =	vadd.f32 v0, v2;
	v29 =	vadd.f32 v52, v25;
	v25 =	vshll.u32 v25, $0x10  }
0x35f: {  	v24 =	vld.idx.msk [tilespmem:v31+s3+$0x0], $0xffff;
	v53 =	vadd.f32 v13, v12;
	v13 =	vadd.f32 v22, v16;
	v22 =	vadd.s32 s30, v59  }
0x360: {  	v26 =	vld.idx.msk [tilespmem:v50+s3+$0x0], $0xffff;
	v12 =	vand.u32 $0x400, v14;
	v1 =	vadd.f32 v1, v25;
	v58 =	vand.u32 $0x7F, v22  }
0x361: {  	s31 =	sadd.s32 $0xD, s23;
	v12 =	vor.u32 v12, v15;
	v16 =	vld.idx.msk [tilespmem:v51+s3+$0x0], $0xffff;
	v57 =	vadd.f32 v19, v13;
	v19 =	vadd.s32 v10, v58  }
0x362: {  	v25 =	vadd.f32 v29, v28;
	v29 =	vadd.s32 s31, v59;
	v27 =	vadd.s32 v11, v58  }
0x363: {  	v0 =	vadd.f32 v53, v0;
	v2 =	vor.u32 v54, v12;
	v30 =	vadd.s32 v9, v58  }
0x364: {  	v46 =	vld [tilespmem:$0x1FFE0];
	v31 =	vadd.f32 v24, v17;
	[tilespmem:$0x1FB80] =	vst v2;
	v2 =	vor.u32 v55, v12;
	v61 =	vadd.s32 v7, v58  }
0x365: {  	v17 =	vshll.u32 v17, $0x10;
	v24 =	vshll.u32 v24, $0x10;
	v1 =	vadd.f32 v1, v21;
	[tilespmem:$0x1FBA0] =	vst v2;
	v2 =	vld.idx.msk [tilespmem:v60+s3+$0x0], $0xffff  }
0x366: {  	v32 =	vadd.f32 v16, v26;
	v26 =	vshll.u32 v26, $0x10;
	v16 =	vshll.u32 v16, $0x10;
	v63 =	vld.idx.msk [tilespmem:v19+s3+$0x0], $0xffff  }
0x367: {  	v17 =	vadd.f32 v24, v17;
	v16 =	vadd.f32 v16, v26;
	v19 =	vadd.s32 v49, v58;
	v27 =	vld.idx.msk [tilespmem:v27+s3+$0x0], $0xffff  }
0x368: {  	v62 =	vadd.s32 v6, v58;
	v44 =	vadd.s32 v5, v58;
	v0 =	vadd.f32 v56, v0;
	v30 =	vld.idx.msk [tilespmem:v30+s3+$0x0], $0xffff  }
0x369: {  	v15 =	vlaneseq.u32;
	v45 =	vadd.s32 v4, v58;
	v13 =	vmovc v9;
	v23 =	vld.idx.msk [tilespmem:v61+s3+$0x0], $0xffff;
	v16 =	vadd.f32 v16, v17  }
0x36a: {  	v9 =	vmovc v49;
	[tilespmem:$0x1FB90] =	vst v0;
	v0 =	vadd.s32 v8, v58;
	v26 =	vadd.f32 v32, v31;
	v49 =	vshll.u32 v22, $0x1  }
0x36b: {  	v60 =	vld [tilespmem:$0x1FFE0];
	v22 =	vshll.u32 v22, $0x4;
	v17 =	vor.u32 v46, v18;
	v1 =	vadd.f32 v16, v1  }
0x36c: {  	v20 =	vshll.u32 v2, $0x10;
	v28 =	vld.idx.msk [tilespmem:v19+s3+$0x0], $0xffff;
	v19 =	vadd.f32 v26, v25;
	v25 =	vand.u32 $0x7F, v29  }
0x36d: {  	v24 =	vld.idx.msk [tilespmem:v62+s3+$0x0], $0xffff;
	v22 =	vand.u32 $0x400, v22;
	v20 =	vadd.f32 v20, v1;
	v16 =	vadd.s32 v10, v25  }
0x36e: {  	v21 =	vld.idx.msk [tilespmem:v44+s3+$0x0], $0xffff;
	v52 =	vadd.f32 v27, v63;
	v53 =	vadd.f32 v23, v30;
	v31 =	vadd.s32 v11, v25  }
0x36f: {  	v0 =	vld.idx.msk [tilespmem:v0+s3+$0x0], $0xffff;
	v35 =	vshll.u32 v63, $0x10;
	v27 =	vshll.u32 v27, $0x10;
	v48 =	vadd.s32 v13, v25  }
0x370: {  	v26 =	vld.idx.msk [tilespmem:v45+s3+$0x0], $0xffff;
	v30 =	vshll.u32 v30, $0x10;
	v23 =	vshll.u32 v23, $0x10;
	v50 =	vadd.s32 v7, v25  }
0x371: {  	[tilespmem:$0x1FBB0] =	vst v57;
	v51 =	vadd.s32 v6, v25;
	v18 =	vadd.f32 v2, v19;
	v2 =	vand.u32 $0x7E, v49;
	v49 =	vld [tilespmem:$0x1FFF0]  }
0x372: {  	s25 =	sadd.s32 $0xC, s23;
	v54 =	vadd.s32 v9, v25;
	v57 =	vadd.s32 v5, v25;
	v58 =	vadd.s32 v4, v25;
	v16 =	vld.idx.msk [tilespmem:v16+s3+$0x0], $0xffff  }
0x373: {  	v27 =	vadd.f32 v27, v35;
	v23 =	vadd.f32 v23, v30;
	v35 =	vadd.s32 s25, v59;
	v31 =	vld.idx.msk [tilespmem:v31+s3+$0x0], $0xffff  }
0x374: {  	v2 =	vor.u32 v22, v2;
	v22 =	vadd.f32 v53, v52;
	v55 =	vadd.f32 v28, v24;
	v1 =	vld.idx.msk [tilespmem:v48+s3+$0x0], $0xffff  }
0x375: {  	v56 =	vadd.f32 v26, v21;
	v24 =	vshll.u32 v24, $0x10;
	v28 =	vshll.u32 v28, $0x10;
	v32 =	vld.idx.msk [tilespmem:v50+s3+$0x0], $0xffff  }
0x376: {  	v21 =	vshll.u32 v21, $0x10;
	v26 =	vshll.u32 v26, $0x10;
	v33 =	vld.idx.msk [tilespmem:v51+s3+$0x0], $0xffff;
	v24 =	vadd.f32 v28, v24  }
0x377: {  	v25 =	vadd.s32 v8, v25;
	v30 =	vld.idx.msk [tilespmem:v54+s3+$0x0], $0xffff;
	v26 =	vadd.f32 v26, v21;
	v61 =	vadd.f32 v56, v55  }
0x378: {  	v23 =	vadd.f32 v23, v27;
	v37 =	vshll.u32 v0, $0x10;
	v28 =	vld.idx.msk [tilespmem:v57+s3+$0x0], $0xffff;
	v21 =	vor.u32 v60, v2  }
0x379: {  	v62 =	vld.idx.msk [tilespmem:v58+s3+$0x0], $0xffff;
	v24 =	vadd.f32 v26, v24;
	v26 =	vand.u32 $0x7F, v35;
	v27 =	vadd.f32 v61, v22  }
0x37a: {  	v48 =	vadd.s32 v10, v26;
	v22 =	vor.u32 v49, v2;
	v50 =	vadd.s32 v11, v26  }
0x37b: {  	v51 =	vadd.s32 v13, v26;
	v53 =	vadd.s32 v7, v26;
	v56 =	vadd.s32 v6, v26  }
0x37c: {  	v58 =	vadd.s32 v9, v26;
	v24 =	vadd.f32 v24, v23;
	v23 =	vadd.f32 v0, v27  }
0x37d: {  	v25 =	vld.idx.msk [tilespmem:v25+s3+$0x0], $0xffff;
	v60 =	vadd.s32 v5, v26;
	v52 =	vadd.f32 v31, v16;
	v54 =	vadd.f32 v32, v1  }
0x37e: {  	v49 =	vld [tilespmem:$0x1FFE0];
	v55 =	vadd.f32 v30, v33;
	v16 =	vshll.u32 v16, $0x10;
	v57 =	vadd.f32 v62, v28  }
0x37f: {  	v31 =	vshll.u32 v31, $0x10;
	v1 =	vshll.u32 v1, $0x10;
	v32 =	vshll.u32 v32, $0x10;
	v34 =	vld.idx.msk [tilespmem:v48+s3+$0x0], $0xffff  }
0x380: {  	v33 =	vshll.u32 v33, $0x10;
	v30 =	vshll.u32 v30, $0x10;
	v28 =	vshll.u32 v28, $0x10;
	v2 =	vld.idx.msk [tilespmem:v50+s3+$0x0], $0xffff  }
0x381: {  	v36 =	vshll.u32 v62, $0x10;
	v16 =	vadd.f32 v31, v16;
	v1 =	vadd.f32 v32, v1;
	v0 =	vld.idx.msk [tilespmem:v51+s3+$0x0], $0xffff  }
0x382: {  	v63 =	vadd.s32 v4, v26;
	v30 =	vadd.f32 v30, v33;
	v28 =	vadd.f32 v36, v28;
	v39 =	vld.idx.msk [tilespmem:v53+s3+$0x0], $0xffff  }
0x383: {  	v27 =	vshll.u32 v29, $0x1;
	v61 =	vadd.f32 v54, v52;
	v62 =	vadd.f32 v57, v55;
	v31 =	vld.idx.msk [tilespmem:v56+s3+$0x0], $0xffff  }
0x384: {  	v29 =	vshll.u32 v29, $0x4;
	v48 =	vld.idx.msk [tilespmem:v58+s3+$0x0], $0xffff;
	v1 =	vadd.f32 v1, v16;
	v16 =	vadd.f32 v28, v30  }
0x385: {  	s26 =	sadd.s32 $0xB, s23;
	v26 =	vadd.s32 v8, v26;
	v27 =	vand.u32 $0x7E, v27;
	v38 =	vld.idx.msk [tilespmem:v60+s3+$0x0], $0xffff;
	v28 =	vand.u32 $0x400, v29  }
0x386: {  	v50 =	vld [tilespmem:$0x1FFF0];
	v30 =	vadd.f32 v62, v61;
	v1 =	vadd.f32 v16, v1;
	v16 =	vadd.s32 s26, v59  }
0x387: {  	v63 =	vld.idx.msk [tilespmem:v63+s3+$0x0], $0xffff;
	v29 =	vadd.f32 v37, v24;
	v27 =	vor.u32 v28, v27;
	v33 =	vand.u32 $0x7F, v16  }
0x388: {  	[tilespmem:$0x1FBC0] =	vst v3;
	v3 =	vor.u32 v49, v27;
	v51 =	vadd.f32 v25, v30;
	v52 =	vadd.s32 v10, v33  }
0x389: {  	v53 =	vadd.s32 v11, v33;
	v55 =	vadd.s32 v13, v33;
	v58 =	vadd.s32 v7, v33  }
0x38a: {  	v60 =	vadd.s32 v6, v33;
	v61 =	vadd.s32 v9, v33;
	v62 =	vadd.s32 v5, v33  }
0x38b: {  	[tilespmem:$0x1FBD0] =	vst v3;
	v3 =	vor.u32 v50, v27;
	v37 =	vadd.f32 v2, v34;
	v54 =	vadd.f32 v39, v0  }
0x38c: {  	v26 =	vld.idx.msk [tilespmem:v26+s3+$0x0], $0xffff;
	v27 =	vshll.u32 v25, $0x10;
	v56 =	vadd.f32 v48, v31;
	v57 =	vadd.f32 v63, v38  }
0x38d: {  	v34 =	vshll.u32 v34, $0x10;
	v2 =	vshll.u32 v2, $0x10;
	v28 =	vadd.f32 v27, v1;
	v1 =	vld.idx.msk [tilespmem:v52+s3+$0x0], $0xffff  }
0x38e: {  	v0 =	vshll.u32 v0, $0x10;
	v39 =	vshll.u32 v39, $0x10;
	v31 =	vshll.u32 v31, $0x10;
	v36 =	vld.idx.msk [tilespmem:v53+s3+$0x0], $0xffff  }
0x38f: {  	v32 =	vshll.u32 v48, $0x10;
	v38 =	vshll.u32 v38, $0x10;
	v40 =	vshll.u32 v63, $0x10;
	v42 =	vld.idx.msk [tilespmem:v55+s3+$0x0], $0xffff  }
0x390: {  	v63 =	vadd.s32 v4, v33;
	v27 =	vshll.u32 v35, $0x1;
	v0 =	vadd.f32 v39, v0;
	v39 =	vld.idx.msk [tilespmem:v58+s3+$0x0], $0xffff  }
0x391: {  	v35 =	vshll.u32 v35, $0x4;
	v2 =	vadd.f32 v2, v34;
	v31 =	vadd.f32 v32, v31;
	v43 =	vld.idx.msk [tilespmem:v62+s3+$0x0], $0xffff  }
0x392: {  	v27 =	vand.u32 $0x7E, v27;
	v52 =	vadd.f32 v40, v38;
	v55 =	vadd.f32 v57, v56;
	v57 =	vld [tilespmem:$0x1FFE0]  }
0x393: {  	v54 =	vadd.f32 v54, v37;
	v37 =	vand.u32 $0x7F, v41;
	v0 =	vadd.f32 v0, v2;
	v62 =	vld [tilespmem:$0x1FFF0]  }
0x394: {  	v38 =	vld.idx.msk [tilespmem:v60+s3+$0x0], $0xffff;
	v53 =	vand.u32 $0x400, v35;
	v58 =	vadd.s32 v8, v33;
	v56 =	vadd.f32 v52, v31  }
0x395: {  	v40 =	vld.idx.msk [tilespmem:v61+s3+$0x0], $0xffff;
	v60 =	vadd.s32 v10, v37;
	v61 =	vshll.u32 v26, $0x10;
	v35 =	vadd.f32 v55, v54  }
0x396: {  	v27 =	vor.u32 v53, v27;
	v44 =	vld.idx.msk [tilespmem:v63+s3+$0x0], $0xffff;
	v63 =	vadd.s32 v13, v37;
	v0 =	vadd.f32 v56, v0  }
0x397: {  	v33 =	vadd.f32 v26, v35;
	v26 =	vshll.u32 v16, $0x1;
	v16 =	vshll.u32 v16, $0x4  }
0x398: {  	v56 =	vadd.s32 v7, v37;
	v30 =	vor.u32 v57, v27;
	v32 =	vor.u32 v62, v27  }
0x399: {  	v27 =	vadd.s32 v11, v37;
	v26 =	vand.u32 $0x7E, v26;
	v16 =	vand.u32 $0x400, v16  }
0x39a: {  	v57 =	vadd.s32 v6, v37;
	v45 =	vld.idx.msk [tilespmem:v58+s3+$0x0], $0xffff;
	v47 =	vadd.f32 v36, v1;
	v48 =	vadd.f32 v39, v42  }
0x39b: {  	v2 =	vld.idx.msk [tilespmem:v60+s3+$0x0], $0xffff;
	v58 =	vadd.s32 v9, v37;
	v60 =	vadd.f32 v40, v38;
	v62 =	vadd.s32 v5, v37  }
0x39c: {  	v1 =	vshll.u32 v1, $0x10;
	v36 =	vshll.u32 v36, $0x10;
	v42 =	vshll.u32 v42, $0x10  }
0x39d: {  	v39 =	vshll.u32 v39, $0x10;
	v38 =	vshll.u32 v38, $0x10;
	v25 =	vadd.f32 v61, v0;
	v0 =	vld.idx.msk [tilespmem:v63+s3+$0x0], $0xffff  }
0x39e: {  	v40 =	vshll.u32 v40, $0x10;
	v61 =	vadd.f32 v44, v43;
	v63 =	vadd.s32 v4, v37;
	v35 =	vld.idx.msk [tilespmem:v56+s3+$0x0], $0xffff  }
0x39f: {  	v43 =	vshll.u32 v43, $0x10;
	v44 =	vshll.u32 v44, $0x10;
	v1 =	vadd.f32 v36, v1;
	v27 =	vld.idx.msk [tilespmem:v27+s3+$0x0], $0xffff  }
0x3a0: {  	v54 =	vadd.f32 v39, v42;
	v55 =	vadd.f32 v40, v38;
	v16 =	vor.u32 v16, v26;
	v46 =	vld.idx.msk [tilespmem:v57+s3+$0x0], $0xffff  }
0x3a1: {  	s29 =	sadd.s32 $0x9, s23;
	v37 =	vadd.s32 v8, v37;
	v60 =	vadd.f32 v61, v60;
	v56 =	vadd.f32 v44, v43;
	v42 =	vld.idx.msk [tilespmem:v58+s3+$0x0], $0xffff  }
0x3a2: {  	v1 =	vadd.f32 v54, v1;
	v26 =	vld.idx.msk [tilespmem:v62+s3+$0x0], $0xffff;
	v58 =	vadd.f32 v48, v47;
	v48 =	vadd.s32 s29, v59  }
0x3a3: {  	v57 =	vld [tilespmem:$0x1FFE0];
	v44 =	vshll.u32 v45, $0x10;
	v61 =	vadd.f32 v56, v55;
	v49 =	vand.u32 $0x7F, v48  }
0x3a4: {  	v47 =	vld.idx.msk [tilespmem:v63+s3+$0x0], $0xffff;
	v62 =	vadd.f32 v60, v58;
	v63 =	vadd.s32 v10, v49;
	v36 =	vadd.s32 v13, v49  }
0x3a5: {  	[tilespmem:$0x1FBF0] =	vst v51;
	v51 =	vadd.s32 v7, v49;
	v1 =	vadd.f32 v61, v1;
	v61 =	vadd.s32 v6, v49  }
0x3a6: {  	v58 =	vadd.f32 v45, v62;
	v45 =	vshll.u32 v41, $0x1;
	v52 =	vadd.f32 v35, v0  }
0x3a7: {  	v62 =	vadd.s32 v9, v49;
	v0 =	vshll.u32 v0, $0x10;
	v35 =	vshll.u32 v35, $0x10  }
0x3a8: {  	v37 =	vld.idx.msk [tilespmem:v37+s3+$0x0], $0xffff;
	v41 =	vshll.u32 v41, $0x4;
	v34 =	vor.u32 v57, v16;
	[tilespmem:$0x1FC10] =	vst v58;
	v58 =	vadd.s32 v4, v49  }
0x3a9: {  	v57 =	vld [tilespmem:$0x1FFF0];
	v50 =	vadd.f32 v27, v2;
	v60 =	vadd.f32 v42, v46;
	v2 =	vshll.u32 v2, $0x10  }
0x3aa: {  	v27 =	vshll.u32 v27, $0x10;
	v46 =	vshll.u32 v46, $0x10;
	v0 =	vadd.f32 v35, v0;
	v56 =	vld.idx.msk [tilespmem:v63+s3+$0x0], $0xffff  }
0x3ab: {  	v42 =	vshll.u32 v42, $0x10;
	v31 =	vadd.f32 v44, v1;
	v55 =	vadd.f32 v47, v26;
	v36 =	vld.idx.msk [tilespmem:v36+s3+$0x0], $0xffff  }
0x3ac: {  	v26 =	vshll.u32 v26, $0x10;
	v47 =	vshll.u32 v47, $0x10;
	v2 =	vadd.f32 v27, v2;
	v51 =	vld.idx.msk [tilespmem:v51+s3+$0x0], $0xffff  }
0x3ad: {  	v39 =	vand.u32 $0x7E, v45;
	v38 =	vadd.f32 v42, v46;
	v26 =	vadd.f32 v47, v26;
	v35 =	vld.idx.msk [tilespmem:v58+s3+$0x0], $0xffff  }
0x3ae: {  	v63 =	vadd.s32 v5, v49;
	v52 =	vadd.f32 v52, v50;
	v53 =	vadd.f32 v55, v60;
	v58 =	vld [tilespmem:$0x1FFF0]  }
0x3af: {  	v27 =	vld.idx.msk [tilespmem:v61+s3+$0x0], $0xffff;
	v0 =	vadd.f32 v0, v2;
	v61 =	vadd.s32 v8, v49;
	v2 =	vshll.u32 v48, $0x1  }
0x3b0: {  	[tilespmem:$0x1FBE0] =	vst v3;
	v54 =	vadd.f32 v26, v38;
	v26 =	vand.u32 $0x400, v41;
	v3 =	vor.u32 v57, v16;
	v57 =	vld [tilespmem:$0x1FFE0]  }
0x3b1: {  	v42 =	vld.idx.msk [tilespmem:v62+s3+$0x0], $0xffff;
	v41 =	vshll.u32 v48, $0x4;
	v2 =	vand.u32 $0x7E, v2;
	v16 =	vadd.s32 v11, v49  }
0x3b2: {  	v26 =	vor.u32 v26, v39;
	v55 =	vadd.f32 v53, v52;
	v41 =	vand.u32 $0x400, v41  }
0x3b3: {  	s30 =	sadd.s32 $0x8, s23;
	v0 =	vadd.f32 v54, v0;
	v2 =	vor.u32 v41, v2;
	v1 =	vor.u32 v58, v26  }
0x3b4: {  	v50 =	vld.idx.msk [tilespmem:v63+s3+$0x0], $0xffff;
	v60 =	vadd.f32 v37, v55;
	v52 =	vadd.f32 v51, v36;
	[tilespmem:$0x1FC20] =	vst v1;
	v1 =	vadd.s32 s30, v59  }
0x3b5: {  	v36 =	vshll.u32 v36, $0x10;
	v45 =	vor.u32 v57, v26;
	v26 =	vand.u32 $0x7F, v1  }
0x3b6: {  	v51 =	vshll.u32 v51, $0x10;
	v54 =	vadd.f32 v42, v27;
	v62 =	vadd.s32 v10, v26  }
0x3b7: {  	v27 =	vshll.u32 v27, $0x10;
	v42 =	vshll.u32 v42, $0x10;
	v16 =	vld.idx.msk [tilespmem:v16+s3+$0x0], $0xffff;
	v63 =	vadd.s32 v11, v26  }
0x3b8: {  	v43 =	vld [tilespmem:$0x1FFF0];
	v36 =	vadd.f32 v51, v36;
	v27 =	vadd.f32 v42, v27;
	v53 =	vadd.s32 v13, v26  }
0x3b9: {  	v59 =	vshll.u32 v37, $0x10;
	v55 =	vadd.f32 v35, v50;
	v37 =	vld.idx.msk [tilespmem:v61+s3+$0x0], $0xffff;
	v58 =	vadd.s32 v6, v26  }
0x3ba: {  	v50 =	vshll.u32 v50, $0x10;
	v35 =	vshll.u32 v35, $0x10;
	v47 =	vadd.s32 v5, v26  }
0x3bb: {  	v49 =	vadd.f32 v59, v0;
	v35 =	vadd.f32 v35, v50;
	v57 =	vadd.s32 v7, v26;
	v0 =	vld.idx.msk [tilespmem:v62+s3+$0x0], $0xffff  }
0x3bc: {  	v48 =	vadd.f32 v16, v56;
	v56 =	vshll.u32 v56, $0x10;
	v16 =	vshll.u32 v16, $0x10;
	v46 =	vld.idx.msk [tilespmem:v63+s3+$0x0], $0xffff  }
0x3bd: {  	v51 =	vor.u32 v43, v2;
	v59 =	vadd.s32 v9, v26;
	v16 =	vadd.f32 v16, v56;
	v61 =	vld.idx.msk [tilespmem:v53+s3+$0x0], $0xffff  }
0x3be: {  	s31 =	sadd.s32 $0x7, s23;
	v27 =	vadd.f32 v35, v27;
	v48 =	vadd.f32 v52, v48;
	v40 =	vshll.u32 v37, $0x10;
	v42 =	vld.idx.msk [tilespmem:v58+s3+$0x0], $0xffff  }
0x3bf: {  	v16 =	vadd.f32 v36, v16;
	v36 =	vadd.s32 s31, v15;
	v58 =	vadd.f32 v55, v54;
	v35 =	vld.idx.msk [tilespmem:v47+s3+$0x0], $0xffff  }
0x3c0: {  	v53 =	vadd.s32 v4, v26;
	v62 =	vld [tilespmem:$0x1FFE0];
	v26 =	vadd.s32 v8, v26;
	v47 =	vshll.u32 v1, $0x1  }
0x3c1: {  	v56 =	vld.idx.msk [tilespmem:v57+s3+$0x0], $0xffff;
	v1 =	vshll.u32 v1, $0x4;
	v63 =	vadd.f32 v58, v48;
	v48 =	vand.u32 $0x7F, v36  }
0x3c2: {  	v38 =	vmovc v4;
	v54 =	vld.idx.msk [tilespmem:v59+s3+$0x0], $0xffff;
	v16 =	vadd.f32 v27, v16;
	v1 =	vand.u32 $0x400, v1;
	v27 =	vadd.s32 v10, v48  }
0x3c3: {  	[tilespmem:$0x1FC30] =	vst v60;
	v41 =	vadd.s32 v7, v48;
	v50 =	vadd.s32 v6, v48;
	v60 =	vadd.s32 v9, v48  }
0x3c4: {  	[tilespmem:$0x1FC00] =	vst v3;
	v3 =	vadd.s32 v5, v48;
	v4 =	vadd.s32 v4, v48;
	v52 =	vadd.f32 v37, v63  }
0x3c5: {  	v37 =	vand.u32 $0x7E, v47;
	v44 =	vor.u32 v62, v2;
	v2 =	vadd.s32 v11, v48  }
0x3c6: {  	v55 =	vld.idx.msk [tilespmem:v53+s3+$0x0], $0xffff;
	v53 =	vadd.f32 v40, v16;
	v16 =	vadd.s32 v13, v48;
	v58 =	vadd.f32 v46, v0  }
0x3c7: {  	v26 =	vld.idx.msk [tilespmem:v26+s3+$0x0], $0xffff;
	v59 =	vadd.f32 v56, v61;
	v62 =	vadd.f32 v54, v42;
	v0 =	vshll.u32 v0, $0x10  }
0x3c8: {  	v46 =	vshll.u32 v46, $0x10;
	v61 =	vshll.u32 v61, $0x10;
	v56 =	vshll.u32 v56, $0x10;
	v57 =	vld.idx.msk [tilespmem:v50+s3+$0x0], $0xffff  }
0x3c9: {  	v42 =	vshll.u32 v42, $0x10;
	v54 =	vshll.u32 v54, $0x10;
	v50 =	vadd.f32 v56, v61;
	v56 =	vld.idx.msk [tilespmem:v60+s3+$0x0], $0xffff  }
0x3ca: {  	s25 =	sadd.s32 $0x6, s23;
	v1 =	vor.u32 v1, v37;
	v48 =	vadd.s32 v8, v48;
	v0 =	vadd.f32 v46, v0;
	v60 =	vld [tilespmem:$0x1FFE0]  }
0x3cb: {  	v42 =	vadd.f32 v54, v42;
	v27 =	vld.idx.msk [tilespmem:v27+s3+$0x0], $0xffff;
	v61 =	vadd.f32 v59, v58;
	v58 =	vadd.s32 s25, v15  }
0x3cc: {  	v41 =	vld.idx.msk [tilespmem:v41+s3+$0x0], $0xffff;
	v46 =	vand.u32 $0x7F, v58;
	v63 =	vadd.f32 v55, v35;
	v35 =	vshll.u32 v35, $0x10  }
0x3cd: {  	v2 =	vld.idx.msk [tilespmem:v2+s3+$0x0], $0xffff;
	v55 =	vshll.u32 v55, $0x10;
	v0 =	vadd.f32 v50, v0;
	v47 =	vadd.s32 v10, v46  }
0x3ce: {  	v12 =	vmovc v5;
	v16 =	vld.idx.msk [tilespmem:v16+s3+$0x0], $0xffff;
	v59 =	vshll.u32 v26, $0x10;
	v5 =	vadd.s32 v9, v46;
	v35 =	vadd.f32 v55, v35  }
0x3cf: {  	v50 =	vadd.s32 v38, v46;
	v39 =	vadd.f32 v63, v62;
	v54 =	vor.u32 v60, v1  }
0x3d0: {  	v42 =	vadd.f32 v35, v42;
	v63 =	vadd.f32 v56, v57;
	v57 =	vshll.u32 v57, $0x10  }
0x3d1: {  	v37 =	vld.idx.msk [tilespmem:v3+s3+$0x0], $0xffff;
	v56 =	vshll.u32 v56, $0x10;
	v3 =	vadd.f32 v39, v61;
	v39 =	vadd.s32 v11, v46  }
0x3d2: {  	v35 =	vld [tilespmem:$0x1FFF0];
	v61 =	vadd.s32 v7, v46;
	v0 =	vadd.f32 v42, v0;
	v42 =	vshll.u32 v36, $0x1  }
0x3d3: {  	v4 =	vld.idx.msk [tilespmem:v4+s3+$0x0], $0xffff;
	v60 =	vadd.f32 v2, v27;
	v62 =	vadd.f32 v41, v16;
	v27 =	vshll.u32 v27, $0x10  }
0x3d4: {  	v55 =	vld.idx.msk [tilespmem:v47+s3+$0x0], $0xffff;
	v2 =	vshll.u32 v2, $0x10;
	v16 =	vshll.u32 v16, $0x10;
	v47 =	vadd.s32 v12, v46  }
0x3d5: {  	v48 =	vld.idx.msk [tilespmem:v48+s3+$0x0], $0xffff;
	v41 =	vshll.u32 v41, $0x10;
	v36 =	vshll.u32 v36, $0x4;
	v3 =	vadd.f32 v26, v3  }
0x3d6: {  	v26 =	vadd.s32 v13, v46;
	v2 =	vadd.f32 v2, v27;
	v27 =	vadd.f32 v56, v57  }
0x3d7: {  	v57 =	vadd.f32 v62, v60;
	v60 =	vld [tilespmem:$0x1FFF0];
	v43 =	vor.u32 v35, v1;
	[tilespmem:$0x1FC40] =	vst v3;
	v3 =	vadd.s32 v6, v46  }
0x3d8: {  	v35 =	vadd.f32 v4, v37;
	v37 =	vshll.u32 v37, $0x10;
	v4 =	vshll.u32 v4, $0x10;
	v1 =	vld.idx.msk [tilespmem:v39+s3+$0x0], $0xffff  }
0x3d9: {  	v14 =	vmovc v6;
	v16 =	vadd.f32 v41, v16;
	v56 =	vand.u32 $0x7E, v42;
	v4 =	vadd.f32 v4, v37;
	v6 =	vld.idx.msk [tilespmem:v47+s3+$0x0], $0xffff  }
0x3da: {  	v62 =	vshll.u32 v48, $0x10;
	v35 =	vadd.f32 v35, v63;
	v47 =	vadd.f32 v59, v0;
	v59 =	vld [tilespmem:$0x1FFE0]  }
0x3db: {  	v19 =	vmovc v7;
	v7 =	vld.idx.msk [tilespmem:v50+s3+$0x0], $0xffff;
	v2 =	vadd.f32 v16, v2;
	v16 =	vand.u32 $0x400, v36;
	v4 =	vadd.f32 v4, v27  }
0x3dc: {  	v5 =	vld.idx.msk [tilespmem:v5+s3+$0x0], $0xffff;
	v16 =	vor.u32 v16, v56;
	v37 =	vadd.s32 v8, v46;
	v27 =	vadd.f32 v35, v57  }
0x3dd: {  	v46 =	vshll.u32 v58, $0x4;
	v50 =	vor.u32 v60, v16;
	v3 =	vld.idx.msk [tilespmem:v3+s3+$0x0], $0xffff;
	v2 =	vadd.f32 v4, v2  }
0x3de: {  	s26 =	sadd.s32 $0x5, s23;
	v35 =	vshll.u32 v58, $0x1;
	v63 =	vadd.f32 v48, v27;
	v56 =	vadd.f32 v1, v55  }
0x3df: {  	v0 =	vor.u32 v59, v16;
	v16 =	vadd.s32 s26, v15;
	v40 =	vadd.f32 v62, v2  }
0x3e0: {  	v61 =	vld.idx.msk [tilespmem:v61+s3+$0x0], $0xffff;
	v60 =	vadd.f32 v7, v6;
	v6 =	vshll.u32 v6, $0x10;
	v36 =	vand.u32 $0x7F, v16  }
0x3e1: {  	v26 =	vld.idx.msk [tilespmem:v26+s3+$0x0], $0xffff;
	v7 =	vshll.u32 v7, $0x10;
	v4 =	vadd.s32 v10, v36;
	v48 =	vadd.s32 v11, v36  }
0x3e2: {  	v59 =	vadd.f32 v5, v3;
	v3 =	vshll.u32 v3, $0x10;
	v5 =	vshll.u32 v5, $0x10  }
0x3e3: {  	v62 =	vadd.f32 v7, v6;
	v58 =	vadd.s32 v13, v36;
	v3 =	vadd.f32 v5, v3  }
0x3e4: {  	v55 =	vshll.u32 v55, $0x10;
	v1 =	vshll.u32 v1, $0x10;
	[tilespmem:$0x1FCE0] =	vst v0;
	v0 =	vld.idx.msk [tilespmem:v37+s3+$0x0], $0xffff;
	v41 =	vadd.s32 v19, v36  }
0x3e5: {  	v42 =	vshll.u32 v61, $0x10;
	[tilespmem:$0x1FC50] =	vst v63;
	v63 =	vadd.s32 v14, v36;
	v3 =	vadd.f32 v62, v3;
	v62 =	vld [tilespmem:$0x1FFE0]  }
0x3e6: {  	v57 =	vadd.f32 v61, v26;
	v26 =	vshll.u32 v26, $0x10;
	v61 =	vadd.s32 v9, v36;
	v2 =	vld.idx.msk [tilespmem:v4+s3+$0x0], $0xffff  }
0x3e7: {  	v1 =	vadd.f32 v1, v55;
	v26 =	vadd.f32 v42, v26;
	v4 =	vld.idx.msk [tilespmem:v48+s3+$0x0], $0xffff  }
0x3e8: {  	v42 =	vand.u32 $0x400, v46;
	v46 =	vadd.f32 v57, v56;
	v58 =	vld.idx.msk [tilespmem:v58+s3+$0x0], $0xffff  }
0x3e9: {  	s28 =	sadd.s32 $0x4, s23;
	v1 =	vadd.f32 v26, v1;
	v48 =	vadd.s32 v12, v36;
	v55 =	vld.idx.msk [tilespmem:v41+s3+$0x0], $0xffff  }
0x3ea: {  	v6 =	vadd.s32 s28, v15;
	v27 =	vadd.s32 v38, v36;
	v60 =	vadd.f32 v60, v59;
	v7 =	vld.idx.msk [tilespmem:v63+s3+$0x0], $0xffff  }
0x3eb: {  	v59 =	vadd.s32 v8, v36;
	v41 =	vand.u32 $0x7E, v35;
	v57 =	vld.idx.msk [tilespmem:v61+s3+$0x0], $0xffff;
	v1 =	vadd.f32 v3, v1  }
0x3ec: {  	v63 =	vadd.f32 v60, v46;
	v46 =	vmovc v8;
	v8 =	vshll.u32 v0, $0x10;
	v61 =	vor.u32 v42, v41;
	v41 =	vld [tilespmem:$0x1FFF0]  }
0x3ed: {  	v56 =	vand.u32 $0x7F, v6;
	v1 =	vadd.f32 v8, v1;
	v8 =	vld [tilespmem:$0x1FB80]  }
0x3ee: {  	v35 =	vadd.s32 v19, v56;
	v26 =	vld.idx.msk [tilespmem:v48+s3+$0x0], $0xffff;
	v48 =	vshll.u32 v16, $0x1  }
0x3ef: {  	v27 =	vld.idx.msk [tilespmem:v27+s3+$0x0], $0xffff;
	v60 =	vadd.s32 v14, v56;
	v42 =	vadd.s32 v11, v56  }
0x3f0: {  	v3 =	vadd.s32 v10, v56;
	v0 =	vadd.f32 v0, v63;
	v63 =	vadd.s32 v9, v56;
	[tilespmem:$0x1FC60] =	vst v1  }
0x3f1: {  	v5 =	vor.u32 v41, v61;
	v1 =	vand.u32 $0x7E, v48;
	v41 =	vadd.s32 v12, v56;
	v48 =	vmovc v9;
	v9 =	vmovc v12;
	v12 =	vld [tilespmem:$0x1FB90]  }
0x3f2: {  	v59 =	vld.idx.msk [tilespmem:v59+s3+$0x0], $0xffff;
	v39 =	vor.u32 v62, v61;
	[tilespmem:$0x1FC70] =	vst v0;
	v0 =	vadd.s32 v13, v56  }
0x3f3: {  	v16 =	vshll.u32 v16, $0x4;
	v62 =	vadd.f32 v55, v58;
	v36 =	vadd.f32 v57, v7;
	v35 =	vld.idx.msk [tilespmem:v35+s3+$0x0], $0xffff  }
0x3f4: {  	v58 =	vshll.u32 v58, $0x10;
	v55 =	vshll.u32 v55, $0x10;
	[tilespmem:$0x1FCF0] =	vst v5;
	v5 =	vld.idx.msk [tilespmem:v42+s3+$0x0], $0xffff;
	v42 =	vadd.s32 v38, v56  }
0x3f5: {  	v24 =	vmovc v13;
	v7 =	vshll.u32 v7, $0x10;
	v61 =	vadd.f32 v4, v2;
	v3 =	vld.idx.msk [tilespmem:v3+s3+$0x0], $0xffff;
	v37 =	vadd.f32 v27, v26  }
0x3f6: {  	v13 =	vmovc v14;
	v14 =	vshll.u32 v26, $0x10;
	v26 =	vld.idx.msk [tilespmem:v60+s3+$0x0], $0xffff;
	v27 =	vshll.u32 v27, $0x10;
	[tilespmem:v8+s18+$0x0] =	vst.idx.msk $0xffff, v12;
	v12 =	vshll.u32 v57, $0x10  }
0x3f7: {  	s29 =	sadd.s32 $0x3, s23;
	v16 =	vand.u32 $0x400, v16;
	v60 =	vld [tilespmem:$0x1FBA0];
	v7 =	vadd.f32 v12, v7;
	v12 =	vadd.f32 v27, v14  }
0x3f8: {  	v1 =	vor.u32 v16, v1;
	v16 =	vld.idx.msk [tilespmem:v41+s3+$0x0], $0xffff;
	v36 =	vadd.f32 v37, v36;
	v37 =	vadd.s32 s29, v15  }
0x3f9: {  	v41 =	vld.idx.msk [tilespmem:v42+s3+$0x0], $0xffff;
	v57 =	vadd.f32 v55, v58;
	v58 =	vadd.f32 v12, v7;
	v7 =	vand.u32 $0x7F, v37  }
0x3fa: {  	v55 =	vld.idx.msk [tilespmem:v63+s3+$0x0], $0xffff;
	v27 =	vadd.f32 v62, v61;
	v63 =	vadd.s32 v24, v7  }
0x3fb: {  	v14 =	vld [tilespmem:$0x1FFE0]  }
0x3fc: {  	[tilespmem:v17+s18+$0x0] =	vst.idx.msk $0xffff, v20;
	v17 =	vshll.u32 v6, $0x1;
	v61 =	vld [tilespmem:$0x1FBB0];
	v12 =	vadd.f32 v36, v27  }
0x3fd: {  	v2 =	vshll.u32 v2, $0x10;
	v4 =	vshll.u32 v4, $0x10;
	v42 =	vadd.s32 v46, v56;
	v62 =	vld [tilespmem:$0x1FFF0]  }
0x3fe: {  	v2 =	vadd.f32 v4, v2;
	v36 =	vshll.u32 v59, $0x10;
	v12 =	vadd.f32 v59, v12;
	v59 =	vld [tilespmem:$0x1FBC0]  }
0x3ff: {  	v6 =	vshll.u32 v6, $0x4;
	v17 =	vand.u32 $0x7E, v17;
	v27 =	vadd.s32 v10, v7;
	v4 =	vld.idx.msk [tilespmem:v63+s3+$0x0], $0xffff  }
0x400: {  	[tilespmem:v21+s18+$0x0] =	vst.idx.msk $0xffff, v29;
	v6 =	vand.u32 $0x400, v6;
	v2 =	vadd.f32 v57, v2;
	v57 =	vadd.s32 v13, v7;
	v63 =	vld [tilespmem:$0x1FBD0]  }
0x401: {  	v6 =	vor.u32 v6, v17;
	v0 =	vld.idx.msk [tilespmem:v0+s3+$0x0], $0xffff;
	v21 =	vadd.s32 v9, v7;
	v14 =	vor.u32 v14, v1  }
0x402: {  	v42 =	vld.idx.msk [tilespmem:v42+s3+$0x0], $0xffff;
	[tilespmem:v60+s18+$0x0] =	vst.idx.msk $0xffff, v61;
	v60 =	vor.u32 v62, v1;
	v1 =	vadd.s32 v11, v7  }
0x403: {  	[tilespmem:v22+s18+$0x0] =	vst.idx.msk $0xffff, v23;
	v15 =	vadd.s32 v19, v7;
	v56 =	vadd.f32 v55, v26;
	v23 =	vshll.u32 v55, $0x10;
	v55 =	vld [tilespmem:$0x1FFF0]  }
0x404: {  	v20 =	vadd.f32 v5, v3;
	v3 =	vshll.u32 v3, $0x10;
	v5 =	vshll.u32 v5, $0x10;
	v27 =	vld.idx.msk [tilespmem:v27+s3+$0x0], $0xffff  }
0x405: {  	v3 =	vadd.f32 v5, v3;
	v22 =	vadd.s32 v38, v7;
	v2 =	vadd.f32 v58, v2;
	v5 =	vld.idx.msk [tilespmem:v57+s3+$0x0], $0xffff  }
0x406: {  	v26 =	vshll.u32 v26, $0x10;
	v61 =	vadd.f32 v41, v16;
	v62 =	vadd.s32 v48, v7;
	v21 =	vld.idx.msk [tilespmem:v21+s3+$0x0], $0xffff  }
0x407: {  	v29 =	vshll.u32 v35, $0x10;
	v16 =	vshll.u32 v16, $0x10;
	v23 =	vadd.f32 v23, v26;
	v1 =	vld.idx.msk [tilespmem:v1+s3+$0x0], $0xffff;
	[tilespmem:v59+s18+$0x0] =	vst.idx.msk $0xffff, v18  }
0x408: {  	v18 =	vadd.f32 v35, v0;
	v0 =	vshll.u32 v0, $0x10;
	[tilespmem:v63+s18+$0x0] =	vst.idx.msk $0xffff, v28;
	v28 =	vld.idx.msk [tilespmem:v15+s3+$0x0], $0xffff;
	v15 =	vshll.u32 v41, $0x10  }
0x409: {  	v7 =	vadd.s32 v46, v7;
	v0 =	vadd.f32 v29, v0;
	v41 =	vld [tilespmem:$0x1FFE0];
	v15 =	vadd.f32 v15, v16  }
0x40a: {  	v57 =	vld [tilespmem:$0x1FBE0];
	v59 =	vlaneseq.u32;
	v18 =	vadd.f32 v18, v20;
	v20 =	vadd.f32 v61, v56  }
0x40b: {  	v22 =	vld.idx.msk [tilespmem:v22+s3+$0x0], $0xffff;
	v56 =	vshll.u32 v42, $0x10;
	v0 =	vadd.f32 v0, v3;
	v35 =	vadd.f32 v15, v23  }
0x40c: {  	v3 =	vshll.u32 v37, $0x1;
	v26 =	vadd.f32 v1, v27;
	v15 =	vadd.f32 v20, v18  }
0x40d: {  	[tilespmem:v30+s18+$0x0] =	vst.idx.msk $0xffff, v25;
	s30 =	sadd.s32 $0x2, s23;
	v58 =	vld [tilespmem:$0x1FBF0];
	v27 =	vshll.u32 v27, $0x10;
	v18 =	vadd.f32 v36, v2;
	v0 =	vadd.f32 v35, v0  }
0x40e: {  	v16 =	vld.idx.msk [tilespmem:v62+s3+$0x0], $0xffff;
	v20 =	vor.u32 v55, v6;
	v2 =	vadd.s32 s30, v59;
	v17 =	vor.u32 v41, v6  }
0x40f: {  	[tilespmem:v32+s18+$0x0] =	vst.idx.msk $0xffff, v33;
	v15 =	vadd.f32 v42, v15;
	v6 =	vand.u32 $0x7F, v2;
	v42 =	vadd.f32 v56, v0;
	v56 =	vld [tilespmem:$0x1FC00]  }
0x410: {  	v7 =	vld.idx.msk [tilespmem:v7+s3+$0x0], $0xffff;
	v1 =	vshll.u32 v1, $0x10;
	v63 =	vadd.f32 v22, v21;
	v25 =	vadd.s32 v11, v6  }
0x411: {  	[tilespmem:v34+s18+$0x0] =	vst.idx.msk $0xffff, v31;
	v29 =	vld [tilespmem:$0x1FC10];
	v21 =	vshll.u32 v21, $0x10;
	v22 =	vshll.u32 v22, $0x10;
	v62 =	vadd.s32 v24, v6  }
0x412: {  	v1 =	vadd.f32 v1, v27;
	v3 =	vand.u32 $0x7E, v3;
	[tilespmem:v57+s18+$0x0] =	vst.idx.msk $0xffff, v58;
	v58 =	vld [tilespmem:$0x1FC20];
	v61 =	vadd.s32 v10, v6  }
0x413: {  	[tilespmem:v45+s18+$0x0] =	vst.idx.msk $0xffff, v49;
	v23 =	vshll.u32 v37, $0x4;
	v36 =	vld [tilespmem:$0x1FFE0];
	v30 =	vadd.f32 v28, v4;
	v4 =	vshll.u32 v4, $0x10  }
0x414: {  	[tilespmem:v44+s18+$0x0] =	vst.idx.msk $0xffff, v53;
	v37 =	vld [tilespmem:$0x1FFF0];
	v28 =	vshll.u32 v28, $0x10;
	v35 =	vadd.f32 v16, v5;
	v41 =	vadd.s32 v19, v6  }
0x415: {  	s31 =	sadd.s32 $0x1, s23;
	v55 =	vadd.s32 v13, v6;
	v57 =	vadd.s32 v48, v6;
	v5 =	vshll.u32 v5, $0x10;
	v31 =	vld.idx.msk [tilespmem:v25+s3+$0x0], $0xffff  }
0x416: {  	[tilespmem:v51+s18+$0x0] =	vst.idx.msk $0xffff, v52;
	v16 =	vshll.u32 v16, $0x10;
	v4 =	vadd.f32 v28, v4;
	v28 =	vadd.s32 s31, v59;
	v32 =	vld.idx.msk [tilespmem:v62+s3+$0x0], $0xffff  }
0x417: {  	v49 =	vadd.s32 v46, v6;
	v25 =	vadd.s32 v9, v6;
	[tilespmem:v56+s18+$0x0] =	vst.idx.msk $0xffff, v29;
	v29 =	vld.idx.msk [tilespmem:v61+s3+$0x0], $0xffff  }
0x418: {  	v5 =	vadd.f32 v16, v5;
	v16 =	vadd.f32 v22, v21;
	v62 =	vadd.s32 v38, v6;
	v61 =	vld [tilespmem:$0x1FC30]  }
0x419: {  	[tilespmem:v54+s18+$0x0] =	vst.idx.msk $0xffff, v47;
	v21 =	vand.u32 $0x400, v23;
	v22 =	vadd.f32 v30, v26;
	v30 =	vand.u32 $0x7F, v28;
	v33 =	vld.idx.msk [tilespmem:v41+s3+$0x0], $0xffff  }
0x41a: {  	v26 =	vadd.f32 v63, v35;
	v63 =	vadd.f32 v4, v1;
	v3 =	vor.u32 v21, v3;
	v34 =	vld.idx.msk [tilespmem:v55+s3+$0x0], $0xffff  }
0x41b: {  	v53 =	vadd.s32 v19, v30;
	v52 =	vadd.s32 v13, v30;
	v54 =	vadd.s32 v48, v30;
	v38 =	vld.idx.msk [tilespmem:v57+s3+$0x0], $0xffff  }
0x41c: {  	v27 =	vmovc v40;
	v8 =	vadd.f32 v16, v5;
	v23 =	vor.u32 v36, v3;
	v35 =	vmov v43;
	v40 =	vld.idx.msk [tilespmem:v25+s3+$0x0], $0xffff  }
0x41d: {  	p0 =	slt.u32 s23, $0x70;
	v9 =	vadd.f32 v26, v22;
	v43 =	vld.idx.msk [tilespmem:v62+s3+$0x0], $0xffff;
	[tilespmem:v58+s18+$0x0] =	vst.idx.msk $0xffff, v61;
	v61 =	vadd.s32 v10, v30  }
.Ltmp4:
0x41e: {  	v21 =	vor.u32 v37, v3;
	v0 =	vadd.f32 v8, v63;
	v57 =	vadd.s32 v11, v30;
	(pc) =	sbr.rel @p0 .LBB2_9-.Ltmp4, $4  }
0x41f: {  	v63 =	vshll.u32 v2, $0x1;
	v2 =	vshll.u32 v2, $0x4;
	v22 =	vadd.f32 v7, v9  }
0x420: {  	v56 =	vadd.s32 v24, v30;
	v24 =	vld.idx.msk [tilespmem:v49+s3+$0x0], $0xffff;
	v62 =	vshll.u32 v7, $0x10;
	v49 =	vadd.f32 v33, v32  }
0x421: {  	v48 =	vmovc v50;
	v44 =	vand.u32 $0x7E, v63;
	v50 =	vadd.f32 v38, v34;
	v25 =	vadd.f32 v62, v0  }
0x422: {  	s23 =	sadd.s32 $0x10, s23;
	v46 =	vmovc v39;
	v45 =	vand.u32 $0x400, v2;
	v47 =	vadd.f32 v31, v29;
	v51 =	vadd.f32 v43, v40;
	v39 =	vld.idx.msk [tilespmem:v61+s3+$0x0], $0xffff  }
0x423: {  	v4 =	vld [tilespmem:$0x1FC40];
	_ =	sdelay $0x4  }
0x424: {  	v1 =	vld [tilespmem:$0x1FD20];
	[tilespmem:v35+s18+$0x0] =	vst.idx.msk $0xffff, v4  }
0x425: {  	v8 =	vld [tilespmem:$0x1FCE0];
	_ =	sdelay $0x6  }
0x426: {  	v0 =	vld.idx.msk [tilespmem:v57+s3+$0x0], $0xffff  }
0x427: {  	v5 =	vld [tilespmem:$0x1FD30];
	[tilespmem:v8+s18+$0x0] =	vst.idx.msk $0xffff, v27  }
0x428: {  	v13 =	vld [tilespmem:$0x1FC50]  }
0x429: {  	v2 =	vshll.u32 v29, $0x10;
	v3 =	vshll.u32 v31, $0x10;
	v57 =	vld.idx.msk [tilespmem:v56+s3+$0x0], $0xffff  }
0x42a: {  	v6 =	vshll.u32 v32, $0x10;
	v7 =	vshll.u32 v33, $0x10;
	v58 =	vld.idx.msk [tilespmem:v53+s3+$0x0], $0xffff;
	v1 =	vadd.s32 v1, v30  }
0x42b: {  	v9 =	vshll.u32 v34, $0x10;
	v10 =	vshll.u32 v38, $0x10;
	v11 =	vshll.u32 v40, $0x10;
	v16 =	vld.idx.msk [tilespmem:v52+s3+$0x0], $0xffff  }
0x42c: {  	v26 =	vshll.u32 v43, $0x10;
	v62 =	vld.idx.msk [tilespmem:v54+s3+$0x0], $0xffff;
	v19 =	vor.u32 v45, v44;
	v5 =	vadd.s32 v5, v30  }
0x42d: {  	v40 =	vshll.u32 v28, $0x1;
	v2 =	vadd.f32 v3, v2;
	v61 =	vadd.f32 v7, v6;
	[tilespmem:v48+s18+$0x0] =	vst.idx.msk $0xffff, v13  }
0x42e: {  	v41 =	vshll.u32 v28, $0x4;
	v63 =	vadd.f32 v10, v9;
	v13 =	vadd.f32 v26, v11;
	v35 =	vld [tilespmem:$0x1FD40]  }
0x42f: {  	v31 =	vadd.f32 v49, v47;
	v32 =	vadd.f32 v51, v50;
	v34 =	vor.u32 v37, v19;
	v1 =	vld.idx.msk [tilespmem:v1+s3+$0x0], $0xffff  }
0x430: {  	v44 =	vshll.u32 v39, $0x10;
	v45 =	vadd.f32 v0, v39;
	v33 =	vadd.f32 v13, v63;
	v13 =	vld [tilespmem:$0x1FC60]  }
0x431: {  	v0 =	vshll.u32 v0, $0x10;
	v4 =	vshll.u32 v57, $0x10;
	v8 =	vshll.u32 v58, $0x10;
	v5 =	vld.idx.msk [tilespmem:v5+s3+$0x0], $0xffff  }
0x432: {  	v54 =	vand.u32 $0x7E, v40;
	v0 =	vadd.f32 v0, v44;
	v51 =	vadd.f32 v8, v4  }
0x433: {  	v2 =	vadd.f32 v61, v2;
	v47 =	vshll.u32 v16, $0x10;
	v9 =	vadd.s32 v35, v30  }
0x434: {  	v6 =	vadd.f32 v62, v16;
	v49 =	vshll.u32 v1, $0x10;
	v0 =	vadd.f32 v51, v0  }
0x435: {  	v11 =	vor.u32 v36, v19;
	v26 =	vadd.f32 v32, v31;
	v48 =	vshll.u32 v62, $0x10;
	[tilespmem:v46+s18+$0x0] =	vst.idx.msk $0xffff, v13  }
0x436: {  	v50 =	vshll.u32 v5, $0x10;
	v52 =	vadd.f32 v48, v47;
	v2 =	vadd.f32 v33, v2;
	v43 =	vld [tilespmem:$0x1FC70]  }
0x437: {  	v38 =	vshll.u32 v24, $0x10;
	v1 =	vadd.f32 v5, v1;
	v53 =	vadd.f32 v50, v49;
	v13 =	vld [tilespmem:$0x1FCF0];
	[tilespmem:v14+s18+$0x0] =	vst.idx.msk $0xffff, v18  }
0x438: {  	v63 =	vadd.f32 v24, v26;
	v2 =	vadd.f32 v38, v2;
	[tilespmem:v17+s18+$0x0] =	vst.idx.msk $0xffff, v42;
	v9 =	vld.idx.msk [tilespmem:v9+s3+$0x0], $0xffff  }
0x439: {  	v55 =	vand.u32 $0x400, v41;
	v1 =	vadd.f32 v1, v6;
	v46 =	vadd.f32 v58, v57;
	[tilespmem:v23+s18+$0x0] =	vst.idx.msk $0xffff, v25  }
0x43a: {  	v56 =	vadd.f32 v53, v52;
	v57 =	vor.u32 v55, v54;
	[tilespmem:v11+s18+$0x0] =	vst.idx.msk $0xffff, v2  }
0x43b: {  	v58 =	vor.u32 v36, v57;
	[tilespmem:v60+s18+$0x0] =	vst.idx.msk $0xffff, v12;
	v60 =	vadd.f32 v46, v45  }
0x43c: {  	v0 =	vadd.f32 v56, v0;
	v61 =	vor.u32 v37, v57;
	[tilespmem:v20+s18+$0x0] =	vst.idx.msk $0xffff, v15  }
0x43d: {  	p0 =	sne.s32 s21, $0x64;
	[tilespmem:v21+s18+$0x0] =	vst.idx.msk $0xffff, v22;
	v1 =	vadd.f32 v1, v60;
	v62 =	vshll.u32 v9, $0x10  }
.Ltmp5:
0x43e: {  	s22 =	sshll.u32 s22, $0xC;
	[tilespmem:v34+s18+$0x0] =	vst.idx.msk $0xffff, v63;
	v0 =	vadd.f32 v62, v0;
	(pc) =	sbr.rel @p0 .LBB2_2-.Ltmp5, $4  }
0x43f: {  	s22 =	sadd.s32 s8, s22;
	[tilespmem:v13+s18+$0x0] =	vst.idx.msk $0xffff, v43;
	v1 =	vadd.f32 v9, v1  }
0x440: {  	s22 =	sshrl.u32 s22, $0x3;
	[tilespmem:v58+s18+$0x0] =	vst.idx.msk $0xffff, v0  }
0x441: {  	s22 =	sadd.s32 s6, s22;
	[tilespmem:v61+s18+$0x0] =	vst.idx.msk $0xffff, v1  }
0x442: {  	[hbm4b:s22+s3] =	stream.linear.scatter [tilespmem:s18], [sflag:$0x4], $0x1000, $0x38;
	[tilespmem:$0x1F200] =	vst v63  }
0x443: {  	s20 =	sadd.s32 $0x1, s20  }
0x444: {  	_ =	swait.ge [sflag:s19], $0x1000;
	p0 =	sne.s32 s20, s10  }
.Ltmp6:
0x445: {  	[sflag:s19] =	ssyncset.done $0x0;
	(pc) =	sbr.rel @p0 .LBB2_1-.Ltmp6, $4  }
0x446: {  	[sflag:s19] =	ssyncadd.s32 $0xFFFFF000  }
0x447: {  	_ =	swait.ge [sflag:s17], $0x1000  }
0x448: {  	[sflag:s17] =	ssyncset.done $0x0  }
0x449: {  	[sflag:s17] =	ssyncadd.s32 $0xFFFFF000  }
0x44a: {  	_ =	sfence.sel $0x180000  }
0x44b: {  	[bflag:$0x0] =	sbarrier.arrive $0xFFFF  }
0x44c: {  	p0 =	sne.s32 s1, $0x0;
	_ =	strace $0x90000047  }
0x44d: {  	s0 =	sadd.s32 @!p0 $0x100000, s2;
	[bflag:$0x2] =	sbarrier.arrive $0xFFFF  }
0x44e: {  	[sflag:s0] =	ssyncadd.tile.s32 @!p0 $0x1;
	_ =	shalt  }
.Lfunc_end2:
_tile_overlayer_lowered:
.L_overlay_start_2:
0x44f: {  	(tag) =	ssettag $0x2  }
0x450: {  	s0 =	rddreg [dreg:$0x0];
	s2 =	stileid.u32  }
0x451: {  	s1 =	rddreg [dreg:$0x1];
	p0 =	sne.s32 s2, $0x0  }
0x452: {  	s3 =	rddreg [dreg:$0x2];
	[bflag:$0x3] =	sbarrier.arrive $0xFFFF;
	s2 =	simm.s32 @!p0 $0x1C05  }
0x453: {  	[timem:s3], [sflag:s2] =	dma.local @!p0 [hbm:s0], s1  }
0x454: {  	s0 =	simm.s32 @!p0 $0x5  }
0x455: {  	_ =	swait.ge @!p0 [sflag:s0], s1  }
0x456: {  	s1 =	ssub.s32 @!p0 $0x0, s1;
	[sflag:s0] =	ssyncset.done @!p0 $0x0  }
0x457: {  	[sflag:s0] =	ssyncadd.s32 @!p0 s1  }
0x458: {  	[bflag:$0x3] =	sbarrier.arrive $0xFFFF  }
0x459: {  	_ =	shalt  }

</sc_bundles>
